<compile_context>
chip_gen: v7x
topology: tpu7x:2x2x1
jax: 0.10.2.dev20260603
libtpu: 0.0.44.dev20260713+nightly
codegen_flags: <defaults>
</compile_context>

<pallas_src>
import functools

import jax
import jax.numpy as jnp
from jax.experimental import pallas as pl
from jax.experimental.pallas import tpu as pltpu
from jax.experimental.pallas import tpu_sc as plsc

_NPOINT = 2048
_EPS = 1e-5


_FPS_CHUNK = 256


def _fps_body(xyz_ref, out_ref, dist_ref):
    three, bh, n = xyz_ref.shape
    ch = _FPS_CHUNK
    nch = n // ch
    row = jax.lax.broadcasted_iota(jnp.int32, (bh, 1), 0)
    boff = (pl.program_id(0) * bh + row) * n
    lane128 = jax.lax.broadcasted_iota(jnp.int32, (bh, 128), 1)
    iota_c = jax.lax.broadcasted_iota(jnp.int32, (bh, ch), 1)
    dist_ref[...] = jnp.full((bh, n), 1e10, jnp.float32)

    def step(t, carry):
        far, cx, cy, cz, buf = carry
        buf = jnp.where(lane128 == t % 128, far + boff, buf)

        @pl.when(t % 128 == 127)
        def _():
            out_ref[:, pl.ds((t // 128) * 128, 128)] = buf

        macc = jnp.full((bh, ch), -jnp.inf, jnp.float32)
        cacc = jnp.zeros((bh, ch), jnp.int32)
        xacc = jnp.zeros((bh, ch), jnp.float32)
        yacc = jnp.zeros((bh, ch), jnp.float32)
        zacc = jnp.zeros((bh, ch), jnp.float32)
        for c in range(nch):
            sl = slice(c * ch, (c + 1) * ch)
            xc = xyz_ref[0, :, sl]
            yc = xyz_ref[1, :, sl]
            zc = xyz_ref[2, :, sl]
            dx = xc - cx
            dy = yc - cy
            dz = zc - cz
            d = (dx * dx + dz * dz) + dy * dy
            dmin = jnp.minimum(dist_ref[:, sl], d)
            dist_ref[:, sl] = dmin
            gt = dmin > macc
            macc = jnp.maximum(macc, dmin)
            cacc = jnp.where(gt, c, cacc)
            xacc = jnp.where(gt, xc, xacc)
            yacc = jnp.where(gt, yc, yacc)
            zacc = jnp.where(gt, zc, zacc)
        mx = jnp.max(macc, axis=1, keepdims=True)
        cand = jnp.where(macc == mx, cacc * ch + iota_c, n)
        amax = jnp.min(cand, axis=1, keepdims=True)
        sel = cand == amax
        ncx = jnp.sum(jnp.where(sel, xacc, 0.0), axis=1, keepdims=True)
        ncy = jnp.sum(jnp.where(sel, yacc, 0.0), axis=1, keepdims=True)
        ncz = jnp.sum(jnp.where(sel, zacc, 0.0), axis=1, keepdims=True)
        return amax, ncx, ncy, ncz, buf

    jax.lax.fori_loop(
        0, _NPOINT, step,
        (jnp.zeros((bh, 1), jnp.int32),
         xyz_ref[0, :, 0:1], xyz_ref[1, :, 0:1], xyz_ref[2, :, 0:1],
         jnp.zeros((bh, 128), jnp.int32)))


def _mm_body(g_ref, w_ref, y_ref, st_ref):
    g = g_ref[0]
    w = w_ref[...]
    y = jax.lax.dot_general(w, g, (((1,), (1,)), ((), ())),
                            preferred_element_type=jnp.float32)
    y_ref[0] = y

    @pl.when(pl.program_id(0) == 0)
    def _():
        st_ref[...] = jnp.zeros_like(st_ref)

    st_ref[:, 0:1] += jnp.sum(y, axis=1, keepdims=True)
    st_ref[:, 1:2] += jnp.sum(y * y, axis=1, keepdims=True)


def _bn_body(y_ref, st_ref, gamma_ref, beta_ref, o_ref, *, batch):
    y = y_ref[0]
    count = batch * y.shape[1]
    mean = st_ref[:, 0:1] / count
    ex2 = st_ref[:, 1:2] / count
    var = jnp.maximum(ex2 - mean * mean, 0.0)
    a = gamma_ref[...] * jax.lax.rsqrt(var + _EPS)
    c = beta_ref[...] - mean * a
    o_ref[0] = jnp.maximum(y * a + c, 0.0)


def _gather_sc(f_flat, idx_flat):
    m = idx_flat.shape[1]
    c = f_flat.shape[1]
    window = 128
    mesh = plsc.VectorSubcoreMesh(core_axis_name="core", subcore_axis_name="subcore")

    @pl.kernel(out_type=jax.ShapeDtypeStruct((m, c), f_flat.dtype), mesh=mesh)
    def gather_kernel(x_hbm, i_hbm, o_hbm):
        def body(i_vmem, o_vmem):
            pltpu.sync_copy(x_hbm.at[i_vmem.at[0]], o_vmem)

        pltpu.emit_pipeline(
            body,
            grid=(m // window,),
            in_specs=[pl.BlockSpec((1, window), index_map=lambda i: (0, i))],
            out_specs=[pl.BlockSpec((window, c), index_map=lambda i: (i, 0))],
            core_axis_name=("core", "subcore"),
            dimension_semantics=(pltpu.PARALLEL,),
        )(i_hbm, o_hbm)

    return gather_kernel(f_flat, idx_flat)


def _fps_call(xyzT):
    three, b, n = xyzT.shape
    bh = b // 2
    return pl.pallas_call(
        _fps_body,
        grid=(2,),
        in_specs=[pl.BlockSpec((three, bh, n), lambda i: (0, i, 0))],
        out_specs=pl.BlockSpec((bh, _NPOINT), lambda i: (i, 0)),
        out_shape=jax.ShapeDtypeStruct((b, _NPOINT), jnp.int32),
        scratch_shapes=[pltpu.VMEM((bh, n), jnp.float32)],
        compiler_params=pltpu.CompilerParams(dimension_semantics=("parallel",)),
    )(xyzT)


def _mm_call(g, w):
    b, npoint, c = g.shape
    o = w.shape[0]
    return pl.pallas_call(
        _mm_body,
        grid=(b,),
        in_specs=[
            pl.BlockSpec((1, npoint, c), lambda i: (i, 0, 0)),
            pl.BlockSpec((o, c), lambda i: (0, 0)),
        ],
        out_specs=[
            pl.BlockSpec((1, o, npoint), lambda i: (i, 0, 0)),
            pl.BlockSpec((o, 128), lambda i: (0, 0)),
        ],
        out_shape=[
            jax.ShapeDtypeStruct((b, o, npoint), jnp.float32),
            jax.ShapeDtypeStruct((o, 128), jnp.float32),
        ],
        compiler_params=pltpu.CompilerParams(dimension_semantics=("arbitrary",)),
    )(g, w)


def _bn_call(y, st, gamma, beta):
    b, o, npoint = y.shape
    return pl.pallas_call(
        functools.partial(_bn_body, batch=b),
        grid=(b,),
        in_specs=[
            pl.BlockSpec((1, o, npoint), lambda i: (i, 0, 0)),
            pl.BlockSpec((o, 128), lambda i: (0, 0)),
            pl.BlockSpec((o, 1), lambda i: (0, 0)),
            pl.BlockSpec((o, 1), lambda i: (0, 0)),
        ],
        out_specs=pl.BlockSpec((1, o, npoint), lambda i: (i, 0, 0)),
        out_shape=jax.ShapeDtypeStruct((b, o, npoint), jnp.float32),
        compiler_params=pltpu.CompilerParams(dimension_semantics=("parallel",)),
    )(y, st, gamma, beta)


def kernel(xyz, features, W, b, gamma, beta):
    del b
    B, N, _ = xyz.shape
    C = features.shape[1]
    O = W.shape[0]

    xyzT = jnp.transpose(xyz, (2, 0, 1))
    idx = _fps_call(xyzT)
    f_flat = jnp.transpose(features, (0, 2, 1)).reshape(B * N, C)
    g = _gather_sc(f_flat, idx.reshape(1, B * _NPOINT)).reshape(B, _NPOINT, C)
    y, st = _mm_call(g, W)
    return _bn_call(y, st, gamma.reshape(O, 1), beta.reshape(O, 1))

# --- scband reference (transcript-rebuilt; emitter-appended) ---
"""Pipeline reference for scband-downsmapling-layer-with-fps-6158983102651 (READ-ONLY COPY).

The authoritative reference and input builder live on the scoring server;
editing this copy changes nothing except your own understanding.
"""

import jax, jax.numpy as jnp
import numpy as np

OUT_NPOINT = 2048
IN_CH = 128
OUT_CH = 256
EPS = 1e-5


def furthest_point_sample(xyz, npoint):
    # xyz: [B, N, 3] -> indices [B, npoint], mirrors CUDA FPS (start at index 0)
    B, N, _ = xyz.shape

    def step(carry, _):
        dist, farthest = carry
        centroid = jnp.take_along_axis(xyz, farthest[:, None, None], axis=1)  # [B,1,3]
        d = jnp.sum((xyz - centroid) ** 2, axis=-1)  # [B,N]
        dist = jnp.minimum(dist, d)
        nxt = jnp.argmax(dist, axis=-1).astype(jnp.int32)
        return (dist, nxt), farthest

    init = (jnp.full((B, N), 1e10, dtype=xyz.dtype), jnp.zeros((B,), dtype=jnp.int32))
    (_, _), idx_seq = jax.lax.scan(step, init, None, length=npoint)
    return jnp.transpose(idx_seq)  # [B, npoint]


def setup_inputs(seed: int = 0) -> dict:
    key = jax.random.key(seed)
    k1, k2, k3, k4 = jax.random.split(key, 4)
    xyz = jax.random.normal(k1, (16, 16384, 3), dtype=jnp.float32)
    features = jax.random.normal(k2, (16, IN_CH, 16384), dtype=jnp.float32)
    # conv1d k=1 weight [out, in], bias [out]
    W = jax.random.normal(k3, (OUT_CH, IN_CH), dtype=jnp.float32) * (1.0 / np.sqrt(IN_CH))
    b = jax.random.normal(k4, (OUT_CH,), dtype=jnp.float32) * 0.01
    gamma = jnp.ones((OUT_CH,), dtype=jnp.float32)
    beta = jnp.zeros((OUT_CH,), dtype=jnp.float32)
    return {"xyz": xyz, "features": features, "W": W, "b": b, "gamma": gamma, "beta": beta}


def reference(xyz, features, W, b, gamma, beta):
    B, C, N = features.shape
    fp_index = furthest_point_sample(xyz, OUT_NPOINT)  # [B, npoint] int32
    # gather_operation: features[B,C,N] gathered along N -> [B,C,npoint]
    idxb = jnp.broadcast_to(fp_index[:, None, :], (B, C, OUT_NPOINT))
    out_feat = jnp.take_along_axis(features, idxb, axis=2)  # [B,C,npoint]
    # 1x1 conv1d
    out = jnp.einsum('oc,bcn->bon', W, out_feat) + b[None, :, None]
    # BatchNorm1d (training mode: batch statistics over (B, L))
    mean = jnp.mean(out, axis=(0, 2), keepdims=True)
    var = jnp.var(out, axis=(0, 2), keepdims=True)
    out = (out - mean) / jnp.sqrt(var + EPS)
    out = out * gamma[None, :, None] + beta[None, :, None]
    return jax.nn.relu(out)

if __name__ == "__main__":
    import jax
    _d = setup_inputs()
    print(jax.jit(kernel)(*tuple(_d.values())))

</pallas_src>

<mosaic_0001>
#map = affine_map<(d0, d1) -> (0, 0)>
module attributes {stable_mosaic.version = 14 : i64} {
  func.func @gather_kernel(%arg0: i32, %arg1: i32, %arg2: memref<262144x128xf32, #tpu.memory_space<hbm>>, %arg3: memref<1x32768xi32, #tpu.memory_space<hbm>>, %arg4: memref<32768x128xf32, #tpu.memory_space<hbm>>) attributes {dimension_semantics = [#tpu.dimension_semantics<core_parallel>, #tpu.dimension_semantics<subcore_parallel>], iteration_bounds = array<i64: 2, 16>, scalar_prefetch = 0 : i64, scratch_operands = 0 : i64, tpu.core_type = #tpu.core_type<sc_vector_subcore>, window_params = [{transform_indices = #map}, {transform_indices = #map}, {transform_indices = #map}]} {
    %mul3A = arith.constant 1 : i32
    %mul3A_0 = arith.muli %arg1, %mul3A : i32
    %add3A = arith.constant 0 : i32
    %add3A_1 = arith.addi %add3A, %mul3A_0 : i32
    %mul3A_2 = arith.constant 16 : i32
    %mul3A_3 = arith.muli %arg0, %mul3A_2 : i32
    %add3A_4 = arith.addi %add3A_1, %mul3A_3 : i32
    %mul3A_5 = arith.constant 8 : i32
    %mul3A_6 = arith.muli %add3A_4, %mul3A_5 : i32
    "tpu.region"() ({
      %run_scoped3A = memref.alloca() : memref<2x1x128xi32, #tpu.memory_space<vmem>>
      %run_scoped3A_7 = tpu.sem_alloc : memref<2x!tpu.dma_semaphore, #tpu.memory_space<semaphore_mem>>
      %run_scoped3A_8 = memref.alloca() : memref<2x128x128xf32, #tpu.memory_space<vmem>>
      %run_scoped3A_9 = tpu.sem_alloc : memref<2x!tpu.dma_semaphore, #tpu.memory_space<semaphore_mem>>
      %add3A_10 = arith.constant 0 : i32
      %add3A_11 = arith.addi %add3A_10, %mul3A_6 : i32
      %select_n3A = arith.constant true
      %select_n3A_12 = arith.constant 0 : i32
      %select_n3A_13 = arith.constant -1 : i32
      %select_n3A_14 = arith.select %select_n3A, %select_n3A_13, %select_n3A_12 : i32
      %eq3A = arith.constant -1 : i32
      %eq3A_15 = arith.cmpi eq, %select_n3A_14, %eq3A : i32
      %select_n3A_16 = arith.constant 7 : i32
      %select_n3A_17 = arith.select %eq3A_15, %select_n3A_16, %select_n3A_14 : i32
      %add3A_18 = arith.addi %select_n3A_17, %mul3A_6 : i32
      %select_n3A_19 = arith.constant true
      %select_n3A_20 = arith.constant 0 : i32
      %select_n3A_21 = arith.constant 1 : i32
      %select_n3A_22 = arith.select %select_n3A_19, %select_n3A_21, %select_n3A_20 : i32
      %eq3A_23 = arith.constant 8 : i32
      %eq3A_24 = arith.cmpi eq, %select_n3A_22, %eq3A_23 : i32
      %select_n3A_25 = arith.constant 0 : i32
      %select_n3A_26 = arith.select %eq3A_24, %select_n3A_25, %select_n3A_22 : i32
      %add3A_27 = arith.addi %select_n3A_26, %mul3A_6 : i32
      %add3A_28 = arith.constant 1 : i32
      %add3A_29 = arith.addi %select_n3A_26, %add3A_28 : i32
      %select_n3A_30 = arith.constant true
      %select_n3A_31 = arith.select %select_n3A_30, %add3A_29, %select_n3A_26 : i32
      %eq3A_32 = arith.constant 8 : i32
      %eq3A_33 = arith.cmpi eq, %select_n3A_31, %eq3A_32 : i32
      %select_n3A_34 = arith.constant 0 : i32
      %select_n3A_35 = arith.select %eq3A_33, %select_n3A_34, %select_n3A_31 : i32
      %add3A_36 = arith.addi %select_n3A_35, %mul3A_6 : i32
      "tpu.trace_start"() <{level = 10 : i32, message = "ep_initialize_0"}> : () -> ()
      %rem3A = arith.constant 0 : i32
      %rem3A_37 = arith.constant 2 : i32
      %rem3A_38 = arith.remui %rem3A, %rem3A_37 : i32
      %mul3A_39 = arith.constant 128 : i32
      %mul3A_40 = arith.muli %mul3A_39, %add3A_11 : i32
      %dma_start3A = arith.constant 0 : i32
      %dma_start3A_41 = arith.constant 0 : i32
      %dma_start3A_42 = tpu.memref_slice %run_scoped3A[%rem3A_38, %dma_start3A, %dma_start3A_41] : memref<2x1x128xi32, #tpu.memory_space<vmem>> -> memref<1x1x128xi32, #tpu.memory_space<vmem>>
      %dma_start3A_43 = tpu.memref_squeeze %dma_start3A_42 : memref<1x1x128xi32, #tpu.memory_space<vmem>> -> memref<1x128xi32, #tpu.memory_space<vmem>>
      %dma_start3A_44 = arith.constant 0 : i32
      %dma_start3A_45 = tpu.memref_slice %arg3[%dma_start3A_44, %mul3A_40] : memref<1x32768xi32, #tpu.memory_space<hbm>> -> memref<1x128xi32, #tpu.memory_space<hbm>>
      %dma_start3A_46 = tpu.memref_slice %run_scoped3A_7[%rem3A_38] : memref<2x!tpu.dma_semaphore, #tpu.memory_space<semaphore_mem>> -> memref<1x!tpu.dma_semaphore, #tpu.memory_space<semaphore_mem>>
      %dma_start3A_47 = tpu.memref_squeeze %dma_start3A_46 : memref<1x!tpu.dma_semaphore, #tpu.memory_space<semaphore_mem>> -> memref<!tpu.dma_semaphore, #tpu.memory_space<semaphore_mem>>
      %dma_start3A_48 = arith.constant 0 : i32
      %dma_start3A_49 = arith.constant 0 : i32
      %dma_start3A_50 = tpu.memref_slice %run_scoped3A[%rem3A_38, %dma_start3A_48, %dma_start3A_49] : memref<2x1x128xi32, #tpu.memory_space<vmem>> -> memref<1x1x128xi32, #tpu.memory_space<vmem>>
      %dma_start3A_51 = tpu.memref_squeeze %dma_start3A_50 : memref<1x1x128xi32, #tpu.memory_space<vmem>> -> memref<1x128xi32, #tpu.memory_space<vmem>>
      %dma_start3A_52 = arith.constant 0 : i32
      %dma_start3A_53 = tpu.memref_slice %arg3[%dma_start3A_52, %mul3A_40] : memref<1x32768xi32, #tpu.memory_space<hbm>> -> memref<1x128xi32, #tpu.memory_space<hbm>>
      tpu.enqueue_dma source(%dma_start3A_53 : memref<1x128xi32, #tpu.memory_space<hbm>>) target(%dma_start3A_51 : memref<1x128xi32, #tpu.memory_space<vmem>>) target_semaphore(%dma_start3A_47 : memref<!tpu.dma_semaphore, #tpu.memory_space<semaphore_mem>>)
      %add3A_54 = arith.constant 0 : i32
      %add3A_55 = arith.constant 1 : i32
      %add3A_56 = arith.addi %add3A_54, %add3A_55 : i32
      %select_n3A_57 = arith.constant true
      %select_n3A_58 = arith.constant 0 : i32
      %select_n3A_59 = arith.select %select_n3A_57, %add3A_56, %select_n3A_58 : i32
      "tpu.trace_stop"() : () -> ()
      %scan3A = arith.constant 0 : i32
      %scan3A_60 = arith.constant 0 : i32
      %scan3A_61 = arith.constant 0 : i32
      %scan3A_62 = arith.constant 0 : i32
      %scan3A_63 = arith.constant 0 : i32
      %scan3A_64 = arith.constant 8 : i32
      %scan3A_65 = arith.addi %scan3A_63, %scan3A_64 : i32
      %scan3A_66 = arith.constant 1 : i32
      %scan3A_67:5 = scf.for %scan3A_121 = %scan3A_63 to %scan3A_65 step %scan3A_66 iter_args(%scan3A_122 = %select_n3A_59, %scan3A_123 = %scan3A, %scan3A_124 = %scan3A_60, %scan3A_125 = %scan3A_61, %scan3A_126 = %scan3A_62) -> (i32, i32, i32, i32, i32)  : i32 {
        %eq3A_127 = arith.constant 0 : i32
        %eq3A_128 = arith.cmpi eq, %scan3A_121, %eq3A_127 : i32
        %eq3A_129 = arith.constant 7 : i32
        %eq3A_130 = arith.cmpi eq, %scan3A_121, %eq3A_129 : i32
        %add3A_131 = arith.addi %scan3A_126, %mul3A_6 : i32
        %sub3A_132 = arith.constant 1 : i32
        %sub3A_133 = arith.subi %scan3A_126, %sub3A_132 : i32
        %select_n3A_134 = arith.constant true
        %select_n3A_135 = arith.select %select_n3A_134, %sub3A_133, %scan3A_126 : i32
        %eq3A_136 = arith.constant -1 : i32
        %eq3A_137 = arith.cmpi eq, %select_n3A_135, %eq3A_136 : i32
        %select_n3A_138 = arith.constant 7 : i32
        %select_n3A_139 = arith.select %eq3A_137, %select_n3A_138, %select_n3A_135 : i32
        %add3A_140 = arith.addi %select_n3A_139, %mul3A_6 : i32
        %add3A_141 = arith.constant 1 : i32
        %add3A_142 = arith.addi %scan3A_126, %add3A_141 : i32
        %select_n3A_143 = arith.constant true
        %select_n3A_144 = arith.select %select_n3A_143, %add3A_142, %scan3A_126 : i32
        %eq3A_145 = arith.constant 8 : i32
        %eq3A_146 = arith.cmpi eq, %select_n3A_144, %eq3A_145 : i32
        %select_n3A_147 = arith.constant 0 : i32
        %select_n3A_148 = arith.select %eq3A_146, %select_n3A_147, %select_n3A_144 : i32
        %add3A_149 = arith.addi %select_n3A_148, %mul3A_6 : i32
        %add3A_150 = arith.constant 1 : i32
        %add3A_151 = arith.addi %select_n3A_148, %add3A_150 : i32
        %select_n3A_152 = arith.constant true
        %select_n3A_153 = arith.select %select_n3A_152, %add3A_151, %select_n3A_148 : i32
        %eq3A_154 = arith.constant 8 : i32
        %eq3A_155 = arith.cmpi eq, %select_n3A_153, %eq3A_154 : i32
        %select_n3A_156 = arith.constant 0 : i32
        %select_n3A_157 = arith.select %eq3A_155, %select_n3A_156, %select_n3A_153 : i32
        %add3A_158 = arith.addi %select_n3A_157, %mul3A_6 : i32
        %ne3A = arith.cmpi ne, %add3A_131, %add3A_149 : i32
        %or3A = arith.constant false
        %or3A_159 = arith.ori %or3A, %ne3A : i1
        %ge3A = arith.constant 7 : i32
        %ge3A_160 = arith.cmpi sge, %scan3A_121, %ge3A : i32
        %not3A = arith.constant true
        %not3A_161 = arith.xori %ge3A_160, %not3A : i1
        %and3A = arith.andi %or3A_159, %not3A_161 : i1
        %convert_element_type3A = arith.extui %and3A : i1 to i32
        %cond3A = arith.constant 0 : i32
        %cond3A_162 = arith.cmpi ne, %convert_element_type3A, %cond3A : i32
        scf.if %cond3A_162 {
          "tpu.trace_start"() <{level = 10 : i32, message = "ep_copy_in"}> : () -> ()
          %rem3A_264 = arith.constant 2 : i32
          %rem3A_265 = arith.remui %scan3A_122, %rem3A_264 : i32
          %mul3A_266 = arith.constant 128 : i32
          %mul3A_267 = arith.muli %mul3A_266, %add3A_149 : i32
          %dma_start3A_268 = arith.constant 0 : i32
          %dma_start3A_269 = arith.constant 0 : i32
          %dma_start3A_270 = tpu.memref_slice %run_scoped3A[%rem3A_265, %dma_start3A_268, %dma_start3A_269] : memref<2x1x128xi32, #tpu.memory_space<vmem>> -> memref<1x1x128xi32, #tpu.memory_space<vmem>>
          %dma_start3A_271 = tpu.memref_squeeze %dma_start3A_270 : memref<1x1x128xi32, #tpu.memory_space<vmem>> -> memref<1x128xi32, #tpu.memory_space<vmem>>
          %dma_start3A_272 = arith.constant 0 : i32
          %dma_start3A_273 = tpu.memref_slice %arg3[%dma_start3A_272, %mul3A_267] : memref<1x32768xi32, #tpu.memory_space<hbm>> -> memref<1x128xi32, #tpu.memory_space<hbm>>
          %dma_start3A_274 = tpu.memref_slice %run_scoped3A_7[%rem3A_265] : memref<2x!tpu.dma_semaphore, #tpu.memory_space<semaphore_mem>> -> memref<1x!tpu.dma_semaphore, #tpu.memory_space<semaphore_mem>>
          %dma_start3A_275 = tpu.memref_squeeze %dma_start3A_274 : memref<1x!tpu.dma_semaphore, #tpu.memory_space<semaphore_mem>> -> memref<!tpu.dma_semaphore, #tpu.memory_space<semaphore_mem>>
          %dma_start3A_276 = arith.constant 0 : i32
          %dma_start3A_277 = arith.constant 0 : i32
          %dma_start3A_278 = tpu.memref_slice %run_scoped3A[%rem3A_265, %dma_start3A_276, %dma_start3A_277] : memref<2x1x128xi32, #tpu.memory_space<vmem>> -> memref<1x1x128xi32, #tpu.memory_space<vmem>>
          %dma_start3A_279 = tpu.memref_squeeze %dma_start3A_278 : memref<1x1x128xi32, #tpu.memory_space<vmem>> -> memref<1x128xi32, #tpu.memory_space<vmem>>
          %dma_start3A_280 = arith.constant 0 : i32
          %dma_start3A_281 = tpu.memref_slice %arg3[%dma_start3A_280, %mul3A_267] : memref<1x32768xi32, #tpu.memory_space<hbm>> -> memref<1x128xi32, #tpu.memory_space<hbm>>
          tpu.enqueue_dma source(%dma_start3A_281 : memref<1x128xi32, #tpu.memory_space<hbm>>) target(%dma_start3A_279 : memref<1x128xi32, #tpu.memory_space<vmem>>) target_semaphore(%dma_start3A_275 : memref<!tpu.dma_semaphore, #tpu.memory_space<semaphore_mem>>)
          "tpu.trace_stop"() : () -> ()
        } else {
        }
        %and3A_163 = arith.constant true
        %and3A_164 = arith.andi %and3A, %and3A_163 : i1
        %add3A_165 = arith.constant 1 : i32
        %add3A_166 = arith.addi %scan3A_122, %add3A_165 : i32
        %select_n3A_167 = arith.select %and3A_164, %add3A_166, %scan3A_122 : i32
        %ne3A_168 = arith.cmpi ne, %add3A_131, %add3A_149 : i32
        %or3A_169 = arith.constant false
        %or3A_170 = arith.ori %or3A_169, %ne3A_168 : i1
        %or3A_171 = arith.constant false
        %or3A_172 = arith.ori %or3A_170, %or3A_171 : i1
        %ge3A_173 = arith.constant 7 : i32
        %ge3A_174 = arith.cmpi sge, %scan3A_121, %ge3A_173 : i32
        %not3A_175 = arith.constant true
        %not3A_176 = arith.xori %ge3A_174, %not3A_175 : i1
        %and3A_177 = arith.andi %or3A_172, %not3A_176 : i1
        %ne3A_178 = arith.cmpi ne, %add3A_131, %add3A_140 : i32
        %or3A_179 = arith.constant false
        %or3A_180 = arith.ori %or3A_179, %ne3A_178 : i1
        %or3A_181 = arith.ori %or3A_180, %eq3A_128 : i1
        %convert_element_type3A_182 = arith.extui %or3A_181 : i1 to i32
        %cond3A_183 = arith.constant 0 : i32
        %cond3A_184 = arith.cmpi ne, %convert_element_type3A_182, %cond3A_183 : i32
        scf.if %cond3A_184 {
          "tpu.trace_start"() <{level = 10 : i32, message = "ep_wait_in"}> : () -> ()
          %mul3A_264 = arith.constant 128 : i32
          %mul3A_265 = arith.muli %mul3A_264, %add3A_131 : i32
          %rem3A_266 = arith.constant 2 : i32
          %rem3A_267 = arith.remui %scan3A_123, %rem3A_266 : i32
          %dma_wait3A_268 = arith.constant 0 : i32
          %dma_wait3A_269 = arith.constant 0 : i32
          %dma_wait3A_270 = tpu.memref_slice %run_scoped3A[%rem3A_267, %dma_wait3A_268, %dma_wait3A_269] : memref<2x1x128xi32, #tpu.memory_space<vmem>> -> memref<1x1x128xi32, #tpu.memory_space<vmem>>
          %dma_wait3A_271 = tpu.memref_squeeze %dma_wait3A_270 : memref<1x1x128xi32, #tpu.memory_space<vmem>> -> memref<1x128xi32, #tpu.memory_space<vmem>>
          %dma_wait3A_272 = arith.constant 0 : i32
          %dma_wait3A_273 = tpu.memref_slice %arg3[%dma_wait3A_272, %mul3A_265] : memref<1x32768xi32, #tpu.memory_space<hbm>> -> memref<1x128xi32, #tpu.memory_space<hbm>>
          %dma_wait3A_274 = tpu.memref_slice %run_scoped3A_7[%rem3A_267] : memref<2x!tpu.dma_semaphore, #tpu.memory_space<semaphore_mem>> -> memref<1x!tpu.dma_semaphore, #tpu.memory_space<semaphore_mem>>
          %dma_wait3A_275 = tpu.memref_squeeze %dma_wait3A_274 : memref<1x!tpu.dma_semaphore, #tpu.memory_space<semaphore_mem>> -> memref<!tpu.dma_semaphore, #tpu.memory_space<semaphore_mem>>
          %dma_wait3A_276 = arith.constant 0 : i32
          %dma_wait3A_277 = arith.constant 0 : i32
          %dma_wait3A_278 = tpu.memref_slice %run_scoped3A[%rem3A_267, %dma_wait3A_276, %dma_wait3A_277] : memref<2x1x128xi32, #tpu.memory_space<vmem>> -> memref<1x1x128xi32, #tpu.memory_space<vmem>>
          %dma_wait3A_279 = tpu.memref_squeeze %dma_wait3A_278 : memref<1x1x128xi32, #tpu.memory_space<vmem>> -> memref<1x128xi32, #tpu.memory_space<vmem>>
          %dma_wait3A_280 = arith.constant 0 : i32
          %dma_wait3A_281 = tpu.memref_slice %arg3[%dma_wait3A_280, %mul3A_265] : memref<1x32768xi32, #tpu.memory_space<hbm>> -> memref<1x128xi32, #tpu.memory_space<hbm>>
          tpu.wait_dma2 semaphore(%dma_wait3A_275 : memref<!tpu.dma_semaphore, #tpu.memory_space<semaphore_mem>>) src(%dma_wait3A_281 : memref<1x128xi32, #tpu.memory_space<hbm>>) dst(%dma_wait3A_279 : memref<1x128xi32, #tpu.memory_space<vmem>>)
          "tpu.trace_stop"() : () -> ()
        } else {
        }
        %ne3A_185 = arith.cmpi ne, %add3A_131, %add3A_140 : i32
        %or3A_186 = arith.constant false
        %or3A_187 = arith.ori %or3A_186, %ne3A_185 : i1
        %or3A_188 = arith.constant false
        %or3A_189 = arith.ori %or3A_187, %or3A_188 : i1
        %or3A_190 = arith.ori %or3A_189, %eq3A_128 : i1
        %convert_element_type3A_191 = arith.extui %or3A_190 : i1 to i32
        %cond3A_192 = arith.constant 0 : i32
        %cond3A_193 = arith.cmpi ne, %convert_element_type3A_191, %cond3A_192 : i32
        scf.if %cond3A_193 {
        } else {
        }
        %rem3A_194 = arith.constant 2 : i32
        %rem3A_195 = arith.remui %scan3A_123, %rem3A_194 : i32
        %rem3A_196 = arith.constant 2 : i32
        %rem3A_197 = arith.remui %scan3A_124, %rem3A_196 : i32
        %run_scoped3A_198 = arith.constant 0 : i32
        "tpu.trace_start"() <{level = 10 : i32, message = "ep_run_kernel"}> : () -> ()
        "tpu.region"() ({
          %run_scoped3A_264 = tpu.sem_alloc : memref<!tpu.dma_semaphore, #tpu.memory_space<semaphore_mem>>
          %dma_start3A_265 = arith.constant 0 : i32
          %dma_start3A_266 = arith.constant 0 : i32
          %dma_start3A_267 = tpu.memref_slice %run_scoped3A_8[%rem3A_197, %dma_start3A_265, %dma_start3A_266] : memref<2x128x128xf32, #tpu.memory_space<vmem>> -> memref<1x128x128xf32, #tpu.memory_space<vmem>>
          %dma_start3A_268 = tpu.memref_squeeze %dma_start3A_267 : memref<1x128x128xf32, #tpu.memory_space<vmem>> -> memref<128x128xf32, #tpu.memory_space<vmem>>
          %dma_start3A_269 = arith.constant 0 : i32
          %dma_start3A_270 = arith.constant 0 : i32
          %dma_start3A_271 = tpu.memref_slice %run_scoped3A[%rem3A_195, %dma_start3A_269, %dma_start3A_270] : memref<2x1x128xi32, #tpu.memory_space<vmem>> -> memref<1x1x128xi32, #tpu.memory_space<vmem>>
          %dma_start3A_272 = tpu.memref_squeeze %dma_start3A_271 : memref<1x1x128xi32, #tpu.memory_space<vmem>> -> memref<1x128xi32, #tpu.memory_space<vmem>>
          %dma_start3A_273 = arith.constant 0 : i32
          %dma_start3A_274 = tpu.memref_slice %dma_start3A_272[%run_scoped3A_198, %dma_start3A_273] : memref<1x128xi32, #tpu.memory_space<vmem>> -> memref<1x128xi32, #tpu.memory_space<vmem>>
          %dma_start3A_275 = tpu.memref_squeeze %dma_start3A_274 : memref<1x128xi32, #tpu.memory_space<vmem>> -> memref<128xi32, #tpu.memory_space<vmem>>
          %dma_start3A_276 = arith.constant 0 : i32
          %dma_start3A_277 = arith.constant 0 : i32
          %dma_start3A_278 = tpu.memref_slice %arg2[%dma_start3A_276, %dma_start3A_277] : memref<262144x128xf32, #tpu.memory_space<hbm>> -> memref<262144x128xf32, #tpu.memory_space<hbm>>
          tpu.enqueue_indirect_dma source(%dma_start3A_278 : memref<262144x128xf32, #tpu.memory_space<hbm>>) target(%dma_start3A_268 : memref<128x128xf32, #tpu.memory_space<vmem>>) offsets(%dma_start3A_275 : memref<128xi32, #tpu.memory_space<vmem>>) semaphore(%run_scoped3A_264 : memref<!tpu.dma_semaphore, #tpu.memory_space<semaphore_mem>>)
          %dma_wait3A_279 = arith.constant 0 : i32
          %dma_wait3A_280 = arith.constant 0 : i32
          %dma_wait3A_281 = tpu.memref_slice %run_scoped3A_8[%rem3A_197, %dma_wait3A_279, %dma_wait3A_280] : memref<2x128x128xf32, #tpu.memory_space<vmem>> -> memref<1x128x128xf32, #tpu.memory_space<vmem>>
          %dma_wait3A_282 = tpu.memref_squeeze %dma_wait3A_281 : memref<1x128x128xf32, #tpu.memory_space<vmem>> -> memref<128x128xf32, #tpu.memory_space<vmem>>
          %dma_wait3A_283 = arith.constant 0 : i32
          %dma_wait3A_284 = arith.constant 0 : i32
          %dma_wait3A_285 = tpu.memref_slice %run_scoped3A[%rem3A_195, %dma_wait3A_283, %dma_wait3A_284] : memref<2x1x128xi32, #tpu.memory_space<vmem>> -> memref<1x1x128xi32, #tpu.memory_space<vmem>>
          %dma_wait3A_286 = tpu.memref_squeeze %dma_wait3A_285 : memref<1x1x128xi32, #tpu.memory_space<vmem>> -> memref<1x128xi32, #tpu.memory_space<vmem>>
          %dma_wait3A_287 = arith.constant 0 : i32
          %dma_wait3A_288 = tpu.memref_slice %dma_wait3A_286[%run_scoped3A_198, %dma_wait3A_287] : memref<1x128xi32, #tpu.memory_space<vmem>> -> memref<1x128xi32, #tpu.memory_space<vmem>>
          %dma_wait3A_289 = tpu.memref_squeeze %dma_wait3A_288 : memref<1x128xi32, #tpu.memory_space<vmem>> -> memref<128xi32, #tpu.memory_space<vmem>>
          %dma_wait3A_290 = arith.constant 0 : i32
          %dma_wait3A_291 = arith.constant 0 : i32
          %dma_wait3A_292 = tpu.memref_slice %arg2[%dma_wait3A_290, %dma_wait3A_291] : memref<262144x128xf32, #tpu.memory_space<hbm>> -> memref<262144x128xf32, #tpu.memory_space<hbm>>
          tpu.wait_indirect_dma semaphore(%run_scoped3A_264 : memref<!tpu.dma_semaphore, #tpu.memory_space<semaphore_mem>>) src(%dma_wait3A_292 : memref<262144x128xf32, #tpu.memory_space<hbm>>) dst(%dma_wait3A_282 : memref<128x128xf32, #tpu.memory_space<vmem>>)
          tpu.yield
        }) : () -> ()
        "tpu.trace_stop"() : () -> ()
        %ne3A_199 = arith.cmpi ne, %add3A_131, %add3A_149 : i32
        %or3A_200 = arith.constant false
        %or3A_201 = arith.ori %or3A_200, %ne3A_199 : i1
        %or3A_202 = arith.ori %or3A_201, %eq3A_130 : i1
        %convert_element_type3A_203 = arith.extui %or3A_202 : i1 to i32
        %cond3A_204 = arith.constant 0 : i32
        %cond3A_205 = arith.cmpi ne, %convert_element_type3A_203, %cond3A_204 : i32
        scf.if %cond3A_205 {
        } else {
        }
        %and3A_206 = arith.constant false
        %and3A_207 = arith.andi %or3A_202, %and3A_206 : i1
        %ne3A_208 = arith.cmpi ne, %add3A_131, %add3A_149 : i32
        %or3A_209 = arith.constant false
        %or3A_210 = arith.ori %or3A_209, %ne3A_208 : i1
        %or3A_211 = arith.constant false
        %or3A_212 = arith.ori %or3A_210, %or3A_211 : i1
        %or3A_213 = arith.ori %or3A_212, %eq3A_130 : i1
        %convert_element_type3A_214 = arith.extui %or3A_213 : i1 to i32
        %cond3A_215 = arith.constant 0 : i32
        %cond3A_216 = arith.cmpi ne, %convert_element_type3A_214, %cond3A_215 : i32
        scf.if %cond3A_216 {
          "tpu.trace_start"() <{level = 10 : i32, message = "ep_copy_out"}> : () -> ()
          %rem3A_264 = arith.constant 2 : i32
          %rem3A_265 = arith.remui %scan3A_124, %rem3A_264 : i32
          %mul3A_266 = arith.constant 128 : i32
          %mul3A_267 = arith.muli %mul3A_266, %add3A_131 : i32
          %dma_start3A_268 = arith.constant 0 : i32
          %dma_start3A_269 = arith.constant 0 : i32
          %dma_start3A_270 = tpu.memref_slice %run_scoped3A_8[%rem3A_265, %dma_start3A_268, %dma_start3A_269] : memref<2x128x128xf32, #tpu.memory_space<vmem>> -> memref<1x128x128xf32, #tpu.memory_space<vmem>>
          %dma_start3A_271 = tpu.memref_squeeze %dma_start3A_270 : memref<1x128x128xf32, #tpu.memory_space<vmem>> -> memref<128x128xf32, #tpu.memory_space<vmem>>
          %dma_start3A_272 = arith.constant 0 : i32
          %dma_start3A_273 = tpu.memref_slice %arg4[%mul3A_267, %dma_start3A_272] : memref<32768x128xf32, #tpu.memory_space<hbm>> -> memref<128x128xf32, #tpu.memory_space<hbm>>
          %dma_start3A_274 = tpu.memref_slice %run_scoped3A_9[%rem3A_265] : memref<2x!tpu.dma_semaphore, #tpu.memory_space<semaphore_mem>> -> memref<1x!tpu.dma_semaphore, #tpu.memory_space<semaphore_mem>>
          %dma_start3A_275 = tpu.memref_squeeze %dma_start3A_274 : memref<1x!tpu.dma_semaphore, #tpu.memory_space<semaphore_mem>> -> memref<!tpu.dma_semaphore, #tpu.memory_space<semaphore_mem>>
          %dma_start3A_276 = arith.constant 0 : i32
          %dma_start3A_277 = tpu.memref_slice %arg4[%mul3A_267, %dma_start3A_276] : memref<32768x128xf32, #tpu.memory_space<hbm>> -> memref<128x128xf32, #tpu.memory_space<hbm>>
          %dma_start3A_278 = arith.constant 0 : i32
          %dma_start3A_279 = arith.constant 0 : i32
          %dma_start3A_280 = tpu.memref_slice %run_scoped3A_8[%rem3A_265, %dma_start3A_278, %dma_start3A_279] : memref<2x128x128xf32, #tpu.memory_space<vmem>> -> memref<1x128x128xf32, #tpu.memory_space<vmem>>
          %dma_start3A_281 = tpu.memref_squeeze %dma_start3A_280 : memref<1x128x128xf32, #tpu.memory_space<vmem>> -> memref<128x128xf32, #tpu.memory_space<vmem>>
          tpu.enqueue_dma source(%dma_start3A_281 : memref<128x128xf32, #tpu.memory_space<vmem>>) target(%dma_start3A_277 : memref<128x128xf32, #tpu.memory_space<hbm>>) target_semaphore(%dma_start3A_275 : memref<!tpu.dma_semaphore, #tpu.memory_space<semaphore_mem>>)
          "tpu.trace_stop"() : () -> ()
        } else {
        }
        %and3A_217 = arith.constant true
        %and3A_218 = arith.andi %or3A_213, %and3A_217 : i1
        %add3A_219 = arith.constant 1 : i32
        %add3A_220 = arith.addi %scan3A_124, %add3A_219 : i32
        %select_n3A_221 = arith.select %and3A_218, %add3A_220, %scan3A_124 : i32
        %ne3A_222 = arith.cmpi ne, %add3A_131, %add3A_140 : i32
        %or3A_223 = arith.constant false
        %or3A_224 = arith.ori %or3A_223, %ne3A_222 : i1
        %not3A_225 = arith.constant true
        %not3A_226 = arith.xori %eq3A_128, %not3A_225 : i1
        %and3A_227 = arith.andi %or3A_224, %not3A_226 : i1
        %convert_element_type3A_228 = arith.extui %and3A_227 : i1 to i32
        %cond3A_229 = arith.constant 0 : i32
        %cond3A_230 = arith.cmpi ne, %convert_element_type3A_228, %cond3A_229 : i32
        scf.if %cond3A_230 {
        } else {
        }
        %and3A_231 = arith.constant false
        %and3A_232 = arith.andi %and3A_227, %and3A_231 : i1
        %ne3A_233 = arith.cmpi ne, %add3A_131, %add3A_140 : i32
        %or3A_234 = arith.constant false
        %or3A_235 = arith.ori %or3A_234, %ne3A_233 : i1
        %or3A_236 = arith.constant false
        %or3A_237 = arith.ori %or3A_235, %or3A_236 : i1
        %not3A_238 = arith.constant true
        %not3A_239 = arith.xori %eq3A_128, %not3A_238 : i1
        %and3A_240 = arith.andi %or3A_237, %not3A_239 : i1
        %convert_element_type3A_241 = arith.extui %and3A_240 : i1 to i32
        %cond3A_242 = arith.constant 0 : i32
        %cond3A_243 = arith.cmpi ne, %convert_element_type3A_241, %cond3A_242 : i32
        scf.if %cond3A_243 {
          "tpu.trace_start"() <{level = 10 : i32, message = "ep_wait_out"}> : () -> ()
          %rem3A_264 = arith.constant 2 : i32
          %rem3A_265 = arith.remui %scan3A_125, %rem3A_264 : i32
          %mul3A_266 = arith.constant 128 : i32
          %mul3A_267 = arith.muli %mul3A_266, %add3A_140 : i32
          %dma_wait3A_268 = arith.constant 0 : i32
          %dma_wait3A_269 = arith.constant 0 : i32
          %dma_wait3A_270 = tpu.memref_slice %run_scoped3A_8[%rem3A_265, %dma_wait3A_268, %dma_wait3A_269] : memref<2x128x128xf32, #tpu.memory_space<vmem>> -> memref<1x128x128xf32, #tpu.memory_space<vmem>>
          %dma_wait3A_271 = tpu.memref_squeeze %dma_wait3A_270 : memref<1x128x128xf32, #tpu.memory_space<vmem>> -> memref<128x128xf32, #tpu.memory_space<vmem>>
          %dma_wait3A_272 = arith.constant 0 : i32
          %dma_wait3A_273 = tpu.memref_slice %arg4[%mul3A_267, %dma_wait3A_272] : memref<32768x128xf32, #tpu.memory_space<hbm>> -> memref<128x128xf32, #tpu.memory_space<hbm>>
          %dma_wait3A_274 = tpu.memref_slice %run_scoped3A_9[%rem3A_265] : memref<2x!tpu.dma_semaphore, #tpu.memory_space<semaphore_mem>> -> memref<1x!tpu.dma_semaphore, #tpu.memory_space<semaphore_mem>>
          %dma_wait3A_275 = tpu.memref_squeeze %dma_wait3A_274 : memref<1x!tpu.dma_semaphore, #tpu.memory_space<semaphore_mem>> -> memref<!tpu.dma_semaphore, #tpu.memory_space<semaphore_mem>>
          %dma_wait3A_276 = arith.constant 0 : i32
          %dma_wait3A_277 = tpu.memref_slice %arg4[%mul3A_267, %dma_wait3A_276] : memref<32768x128xf32, #tpu.memory_space<hbm>> -> memref<128x128xf32, #tpu.memory_space<hbm>>
          %dma_wait3A_278 = arith.constant 0 : i32
          %dma_wait3A_279 = arith.constant 0 : i32
          %dma_wait3A_280 = tpu.memref_slice %run_scoped3A_8[%rem3A_265, %dma_wait3A_278, %dma_wait3A_279] : memref<2x128x128xf32, #tpu.memory_space<vmem>> -> memref<1x128x128xf32, #tpu.memory_space<vmem>>
          %dma_wait3A_281 = tpu.memref_squeeze %dma_wait3A_280 : memref<1x128x128xf32, #tpu.memory_space<vmem>> -> memref<128x128xf32, #tpu.memory_space<vmem>>
          tpu.wait_dma2 semaphore(%dma_wait3A_275 : memref<!tpu.dma_semaphore, #tpu.memory_space<semaphore_mem>>) src(%dma_wait3A_281 : memref<128x128xf32, #tpu.memory_space<vmem>>) dst(%dma_wait3A_277 : memref<128x128xf32, #tpu.memory_space<hbm>>)
          "tpu.trace_stop"() : () -> ()
        } else {
        }
        %and3A_244 = arith.constant true
        %and3A_245 = arith.andi %and3A_240, %and3A_244 : i1
        %add3A_246 = arith.constant 1 : i32
        %add3A_247 = arith.addi %scan3A_125, %add3A_246 : i32
        %select_n3A_248 = arith.select %and3A_245, %add3A_247, %scan3A_125 : i32
        %ne3A_249 = arith.cmpi ne, %add3A_131, %add3A_149 : i32
        %or3A_250 = arith.constant false
        %or3A_251 = arith.ori %or3A_250, %ne3A_249 : i1
        %or3A_252 = arith.ori %or3A_251, %eq3A_130 : i1
        %add3A_253 = arith.constant 1 : i32
        %add3A_254 = arith.addi %scan3A_123, %add3A_253 : i32
        %select_n3A_255 = arith.select %or3A_252, %add3A_254, %scan3A_123 : i32
        %add3A_256 = arith.constant 1 : i32
        %add3A_257 = arith.addi %scan3A_126, %add3A_256 : i32
        %select_n3A_258 = arith.constant true
        %select_n3A_259 = arith.select %select_n3A_258, %add3A_257, %scan3A_126 : i32
        %eq3A_260 = arith.constant 8 : i32
        %eq3A_261 = arith.cmpi eq, %select_n3A_259, %eq3A_260 : i32
        %select_n3A_262 = arith.constant 0 : i32
        %select_n3A_263 = arith.select %eq3A_261, %select_n3A_262, %select_n3A_259 : i32
        scf.yield %select_n3A_167, %select_n3A_255, %select_n3A_221, %select_n3A_248, %select_n3A_263 : i32, i32, i32, i32, i32
      }
      %scan3A_68 = arith.constant 8 : i32
      %sub3A = arith.constant 1 : i32
      %sub3A_69 = arith.subi %scan3A_67#4, %sub3A : i32
      %select_n3A_70 = arith.constant true
      %select_n3A_71 = arith.select %select_n3A_70, %sub3A_69, %scan3A_67#4 : i32
      %eq3A_72 = arith.constant -1 : i32
      %eq3A_73 = arith.cmpi eq, %select_n3A_71, %eq3A_72 : i32
      %select_n3A_74 = arith.constant 7 : i32
      %select_n3A_75 = arith.select %eq3A_73, %select_n3A_74, %select_n3A_71 : i32
      %add3A_76 = arith.addi %select_n3A_75, %mul3A_6 : i32
      %sub3A_77 = arith.constant 1 : i32
      %sub3A_78 = arith.subi %select_n3A_75, %sub3A_77 : i32
      %select_n3A_79 = arith.constant true
      %select_n3A_80 = arith.select %select_n3A_79, %sub3A_78, %select_n3A_75 : i32
      %eq3A_81 = arith.constant -1 : i32
      %eq3A_82 = arith.cmpi eq, %select_n3A_80, %eq3A_81 : i32
      %select_n3A_83 = arith.constant 7 : i32
      %select_n3A_84 = arith.select %eq3A_82, %select_n3A_83, %select_n3A_80 : i32
      %add3A_85 = arith.addi %select_n3A_84, %mul3A_6 : i32
      %add3A_86 = arith.constant 1 : i32
      %add3A_87 = arith.addi %select_n3A_75, %add3A_86 : i32
      %select_n3A_88 = arith.constant true
      %select_n3A_89 = arith.select %select_n3A_88, %add3A_87, %select_n3A_75 : i32
      %eq3A_90 = arith.constant 8 : i32
      %eq3A_91 = arith.cmpi eq, %select_n3A_89, %eq3A_90 : i32
      %select_n3A_92 = arith.constant 0 : i32
      %select_n3A_93 = arith.select %eq3A_91, %select_n3A_92, %select_n3A_89 : i32
      %add3A_94 = arith.addi %select_n3A_93, %mul3A_6 : i32
      %add3A_95 = arith.constant 1 : i32
      %add3A_96 = arith.addi %select_n3A_93, %add3A_95 : i32
      %select_n3A_97 = arith.constant true
      %select_n3A_98 = arith.select %select_n3A_97, %add3A_96, %select_n3A_93 : i32
      %eq3A_99 = arith.constant 8 : i32
      %eq3A_100 = arith.cmpi eq, %select_n3A_98, %eq3A_99 : i32
      %select_n3A_101 = arith.constant 0 : i32
      %select_n3A_102 = arith.select %eq3A_100, %select_n3A_101, %select_n3A_98 : i32
      %add3A_103 = arith.addi %select_n3A_102, %mul3A_6 : i32
      "tpu.trace_start"() <{level = 10 : i32, message = "ep_finalize"}> : () -> ()
      %rem3A_104 = arith.constant 2 : i32
      %rem3A_105 = arith.remui %scan3A_67#3, %rem3A_104 : i32
      %mul3A_106 = arith.constant 128 : i32
      %mul3A_107 = arith.muli %mul3A_106, %add3A_76 : i32
      %dma_wait3A = arith.constant 0 : i32
      %dma_wait3A_108 = arith.constant 0 : i32
      %dma_wait3A_109 = tpu.memref_slice %run_scoped3A_8[%rem3A_105, %dma_wait3A, %dma_wait3A_108] : memref<2x128x128xf32, #tpu.memory_space<vmem>> -> memref<1x128x128xf32, #tpu.memory_space<vmem>>
      %dma_wait3A_110 = tpu.memref_squeeze %dma_wait3A_109 : memref<1x128x128xf32, #tpu.memory_space<vmem>> -> memref<128x128xf32, #tpu.memory_space<vmem>>
      %dma_wait3A_111 = arith.constant 0 : i32
      %dma_wait3A_112 = tpu.memref_slice %arg4[%mul3A_107, %dma_wait3A_111] : memref<32768x128xf32, #tpu.memory_space<hbm>> -> memref<128x128xf32, #tpu.memory_space<hbm>>
      %dma_wait3A_113 = tpu.memref_slice %run_scoped3A_9[%rem3A_105] : memref<2x!tpu.dma_semaphore, #tpu.memory_space<semaphore_mem>> -> memref<1x!tpu.dma_semaphore, #tpu.memory_space<semaphore_mem>>
      %dma_wait3A_114 = tpu.memref_squeeze %dma_wait3A_113 : memref<1x!tpu.dma_semaphore, #tpu.memory_space<semaphore_mem>> -> memref<!tpu.dma_semaphore, #tpu.memory_space<semaphore_mem>>
      %dma_wait3A_115 = arith.constant 0 : i32
      %dma_wait3A_116 = tpu.memref_slice %arg4[%mul3A_107, %dma_wait3A_115] : memref<32768x128xf32, #tpu.memory_space<hbm>> -> memref<128x128xf32, #tpu.memory_space<hbm>>
      %dma_wait3A_117 = arith.constant 0 : i32
      %dma_wait3A_118 = arith.constant 0 : i32
      %dma_wait3A_119 = tpu.memref_slice %run_scoped3A_8[%rem3A_105, %dma_wait3A_117, %dma_wait3A_118] : memref<2x128x128xf32, #tpu.memory_space<vmem>> -> memref<1x128x128xf32, #tpu.memory_space<vmem>>
      %dma_wait3A_120 = tpu.memref_squeeze %dma_wait3A_119 : memref<1x128x128xf32, #tpu.memory_space<vmem>> -> memref<128x128xf32, #tpu.memory_space<vmem>>
      tpu.wait_dma2 semaphore(%dma_wait3A_114 : memref<!tpu.dma_semaphore, #tpu.memory_space<semaphore_mem>>) src(%dma_wait3A_120 : memref<128x128xf32, #tpu.memory_space<vmem>>) dst(%dma_wait3A_116 : memref<128x128xf32, #tpu.memory_space<hbm>>)
      "tpu.trace_stop"() : () -> ()
      tpu.yield
    }) : () -> ()
    return
  }
}

module attributes {stable_mosaic.version = 14 : i64} {
  func.func @_mm_body(%arg0: i32, %arg1: memref<1x2048x128xf32, #tpu.memory_space<vmem>>, %arg2: memref<256x128xf32, #tpu.memory_space<vmem>>, %arg3: memref<1x256x2048xf32, #tpu.memory_space<vmem>>, %arg4: memref<256x128xf32, #tpu.memory_space<vmem>>) attributes {dimension_semantics = [#tpu.dimension_semantics<arbitrary>], iteration_bounds = array<i64: 16>, scalar_prefetch = 0 : i64, scratch_operands = 0 : i64, tpu.core_type = #tpu.core_type<tc>, window_params = [{transform_indices = @transform_0, window_bounds = array<i64: 1, 2048, 128>}, {pipeline_mode = #tpu.pipeline_mode<synchronous>, transform_indices = @transform_1, window_bounds = array<i64: 256, 128>}, {transform_indices = @transform_2, window_bounds = array<i64: 1, 256, 2048>}, {pipeline_mode = #tpu.pipeline_mode<synchronous>, transform_indices = @transform_3, window_bounds = array<i64: 256, 128>}]} {
    %get3A = arith.constant 0 : index
    %get3A_0 = arith.constant 0 : index
    %get3A_1 = arith.constant 0 : index
    %get3A_2 = vector.load %arg1[%get3A, %get3A_0, %get3A_1] : memref<1x2048x128xf32, #tpu.memory_space<vmem>>, vector<1x2048x128xf32>
    %get3A_3 = vector.shape_cast %get3A_2 : vector<1x2048x128xf32> to vector<2048x128xf32>
    %get3A_4 = arith.constant 0 : index
    %get3A_5 = arith.constant 0 : index
    %get3A_6 = vector.load %arg2[%get3A_4, %get3A_5] : memref<256x128xf32, #tpu.memory_space<vmem>>, vector<256x128xf32>
    %dot_general3A = arith.constant dense<0.000000e+00> : vector<256x2048xf32>
    %dot_general3A_7 = tpu.matmul %get3A_6, %get3A_3, %dot_general3A {dimension_numbers = #tpu.dot_dimension_numbers<[1], [1], [0], [0], [0, 0, 1, 0], [], []>, transpose_lhs_hint = false} : vector<256x128xf32>, vector<2048x128xf32>, vector<256x2048xf32> -> vector<256x2048xf32>
    %swap3A = arith.constant 0 : index
    %swap3A_8 = arith.constant 0 : index
    %swap3A_9 = arith.constant 0 : index
    %swap3A_10 = vector.load %arg3[%swap3A, %swap3A_8, %swap3A_9] : memref<1x256x2048xf32, #tpu.memory_space<vmem>>, vector<1x256x2048xf32>
    %swap3A_11 = vector.shape_cast %swap3A_10 : vector<1x256x2048xf32> to vector<256x2048xf32>
    %swap3A_12 = vector.shape_cast %dot_general3A_7 : vector<256x2048xf32> to vector<1x256x2048xf32>
    tpu.vector_store %arg3[%swap3A, %swap3A_8, %swap3A_9], %swap3A_12 {strides = array<i32>} : memref<1x256x2048xf32, #tpu.memory_space<vmem>>, vector<1x256x2048xf32>,
    %eq3A = arith.constant 0 : i32
    %eq3A_13 = arith.cmpi eq, %arg0, %eq3A : i32
    %convert_element_type3A = arith.extui %eq3A_13 : i1 to i32
    %cond3A = arith.constant 0 : i32
    %cond3A_14 = arith.cmpi ne, %convert_element_type3A, %cond3A : i32
    scf.if %cond3A_14 {
      %broadcast_in_dim3A_32 = arith.constant 0.000000e+00 : f32
      %broadcast_in_dim3A_33 = vector.broadcast %broadcast_in_dim3A_32 : f32 to vector<256x128xf32>
      %swap3A_34 = arith.constant 0 : index
      %swap3A_35 = arith.constant 0 : index
      %swap3A_36 = vector.load %arg4[%swap3A_34, %swap3A_35] : memref<256x128xf32, #tpu.memory_space<vmem>>, vector<256x128xf32>
      tpu.vector_store %arg4[%swap3A_34, %swap3A_35], %broadcast_in_dim3A_33 {strides = array<i32>} : memref<256x128xf32, #tpu.memory_space<vmem>>, vector<256x128xf32>,
    } else {
    }
    %get3A_15 = arith.constant 0 : index
    %get3A_16 = arith.constant 0 : index
    %get3A_17 = vector.load %arg4[%get3A_15, %get3A_16] : memref<256x128xf32, #tpu.memory_space<vmem>>, vector<256x1xf32>
    %reduce_sum3A = arith.constant dense<0.000000e+00> : vector<256xf32>
    %reduce_sum3A_18 = vector.multi_reduction <add>, %dot_general3A_7, %reduce_sum3A [1] : vector<256x2048xf32> to vector<256xf32>
    %broadcast_in_dim3A = vector.shape_cast %reduce_sum3A_18 : vector<256xf32> to vector<256x1xf32>
    %add3A = arith.addf %get3A_17, %broadcast_in_dim3A : vector<256x1xf32>
    %swap3A_19 = arith.constant 0 : index
    %swap3A_20 = arith.constant 0 : index
    %swap3A_21 = vector.load %arg4[%swap3A_19, %swap3A_20] : memref<256x128xf32, #tpu.memory_space<vmem>>, vector<256x1xf32>
    tpu.vector_store %arg4[%swap3A_19, %swap3A_20], %add3A {strides = array<i32>} : memref<256x128xf32, #tpu.memory_space<vmem>>, vector<256x1xf32>,
    %get3A_22 = arith.constant 0 : index
    %get3A_23 = arith.constant 1 : index
    %get3A_24 = vector.load %arg4[%get3A_22, %get3A_23] : memref<256x128xf32, #tpu.memory_space<vmem>>, vector<256x1xf32>
    %mul3A = arith.mulf %dot_general3A_7, %dot_general3A_7 : vector<256x2048xf32>
    %reduce_sum3A_25 = arith.constant dense<0.000000e+00> : vector<256xf32>
    %reduce_sum3A_26 = vector.multi_reduction <add>, %mul3A, %reduce_sum3A_25 [1] : vector<256x2048xf32> to vector<256xf32>
    %broadcast_in_dim3A_27 = vector.shape_cast %reduce_sum3A_26 : vector<256xf32> to vector<256x1xf32>
    %add3A_28 = arith.addf %get3A_24, %broadcast_in_dim3A_27 : vector<256x1xf32>
    %swap3A_29 = arith.constant 0 : index
    %swap3A_30 = arith.constant 1 : index
    %swap3A_31 = vector.load %arg4[%swap3A_29, %swap3A_30] : memref<256x128xf32, #tpu.memory_space<vmem>>, vector<256x1xf32>
    tpu.vector_store %arg4[%swap3A_29, %swap3A_30], %add3A_28 {strides = array<i32>} : memref<256x128xf32, #tpu.memory_space<vmem>>, vector<256x1xf32>,
    return
  }
  func.func @transform_0(%arg0: i32) -> (i32, i32, i32) {
    %c0_i32 = arith.constant 0 : i32
    %c0_i32_0 = arith.constant 0 : i32
    %c0_i32_1 = arith.constant 0 : i32
    return %arg0, %c0_i32, %c0_i32_0 : i32, i32, i32
  }
  func.func @transform_1(%arg0: i32) -> (i32, i32) {
    %c0_i32 = arith.constant 0 : i32
    %c0_i32_0 = arith.constant 0 : i32
    %c0_i32_1 = arith.constant 0 : i32
    return %c0_i32, %c0_i32_0 : i32, i32
  }
  func.func @transform_2(%arg0: i32) -> (i32, i32, i32) {
    %c0_i32 = arith.constant 0 : i32
    %c0_i32_0 = arith.constant 0 : i32
    %c0_i32_1 = arith.constant 0 : i32
    return %arg0, %c0_i32, %c0_i32_0 : i32, i32, i32
  }
  func.func @transform_3(%arg0: i32) -> (i32, i32) {
    %c0_i32 = arith.constant 0 : i32
    %c0_i32_0 = arith.constant 0 : i32
    %c0_i32_1 = arith.constant 0 : i32
    return %c0_i32, %c0_i32_0 : i32, i32
  }
}

module attributes {stable_mosaic.version = 14 : i64} {
  func.func @_bn_body(%arg0: i32, %arg1: memref<1x256x2048xf32, #tpu.memory_space<vmem>>, %arg2: memref<256x128xf32, #tpu.memory_space<vmem>>, %arg3: memref<256x1xf32, #tpu.memory_space<vmem>>, %arg4: memref<256x1xf32, #tpu.memory_space<vmem>>, %arg5: memref<1x256x2048xf32, #tpu.memory_space<vmem>>) attributes {dimension_semantics = [#tpu.dimension_semantics<parallel>], iteration_bounds = array<i64: 16>, scalar_prefetch = 0 : i64, scratch_operands = 0 : i64, tpu.core_type = #tpu.core_type<tc>, window_params = [{transform_indices = @transform_0, window_bounds = array<i64: 1, 256, 2048>}, {pipeline_mode = #tpu.pipeline_mode<synchronous>, transform_indices = @transform_1, window_bounds = array<i64: 256, 128>}, {pipeline_mode = #tpu.pipeline_mode<synchronous>, transform_indices = @transform_2, window_bounds = array<i64: 256, 1>}, {pipeline_mode = #tpu.pipeline_mode<synchronous>, transform_indices = @transform_3, window_bounds = array<i64: 256, 1>}, {transform_indices = @transform_4, window_bounds = array<i64: 1, 256, 2048>}]} {
    %get3A = arith.constant 0 : index
    %get3A_0 = arith.constant 0 : index
    %get3A_1 = arith.constant 0 : index
    %get3A_2 = vector.load %arg1[%get3A, %get3A_0, %get3A_1] : memref<1x256x2048xf32, #tpu.memory_space<vmem>>, vector<1x256x2048xf32>
    %get3A_3 = vector.shape_cast %get3A_2 : vector<1x256x2048xf32> to vector<256x2048xf32>
    %get3A_4 = arith.constant 0 : index
    %get3A_5 = arith.constant 0 : index
    %get3A_6 = vector.load %arg2[%get3A_4, %get3A_5] : memref<256x128xf32, #tpu.memory_space<vmem>>, vector<256x1xf32>
    %div3A = arith.constant 3.276800e+04 : f32
    %div3A_7 = vector.broadcast %div3A : f32 to vector<256x1xf32>
    %div3A_8 = arith.divf %get3A_6, %div3A_7 : vector<256x1xf32>
    %get3A_9 = arith.constant 0 : index
    %get3A_10 = arith.constant 1 : index
    %get3A_11 = vector.load %arg2[%get3A_9, %get3A_10] : memref<256x128xf32, #tpu.memory_space<vmem>>, vector<256x1xf32>
    %div3A_12 = arith.constant 3.276800e+04 : f32
    %div3A_13 = vector.broadcast %div3A_12 : f32 to vector<256x1xf32>
    %div3A_14 = arith.divf %get3A_11, %div3A_13 : vector<256x1xf32>
    %mul3A = arith.mulf %div3A_8, %div3A_8 : vector<256x1xf32>
    %sub3A = arith.subf %div3A_14, %mul3A : vector<256x1xf32>
    %max3A = arith.constant 0.000000e+00 : f32
    %max3A_15 = vector.broadcast %max3A : f32 to vector<256x1xf32>
    %max3A_16 = arith.maximumf %sub3A, %max3A_15 : vector<256x1xf32>
    %get3A_17 = arith.constant 0 : index
    %get3A_18 = arith.constant 0 : index
    %get3A_19 = vector.load %arg3[%get3A_17, %get3A_18] : memref<256x1xf32, #tpu.memory_space<vmem>>, vector<256x1xf32>
    %add3A = arith.constant 9.99999974E-6 : f32
    %add3A_20 = vector.broadcast %add3A : f32 to vector<256x1xf32>
    %add3A_21 = arith.addf %max3A_16, %add3A_20 : vector<256x1xf32>
    %rsqrt3A = math.rsqrt %add3A_21 : vector<256x1xf32>
    %mul3A_22 = arith.mulf %get3A_19, %rsqrt3A : vector<256x1xf32>
    %get3A_23 = arith.constant 0 : index
    %get3A_24 = arith.constant 0 : index
    %get3A_25 = vector.load %arg4[%get3A_23, %get3A_24] : memref<256x1xf32, #tpu.memory_space<vmem>>, vector<256x1xf32>
    %mul3A_26 = arith.mulf %div3A_8, %mul3A_22 : vector<256x1xf32>
    %sub3A_27 = arith.subf %get3A_25, %mul3A_26 : vector<256x1xf32>
    %mul3A_28 = vector.broadcast %mul3A_22 : vector<256x1xf32> to vector<256x2048xf32>
    %mul3A_29 = arith.mulf %get3A_3, %mul3A_28 : vector<256x2048xf32>
    %add3A_30 = vector.broadcast %sub3A_27 : vector<256x1xf32> to vector<256x2048xf32>
    %add3A_31 = arith.addf %mul3A_29, %add3A_30 : vector<256x2048xf32>
    %max3A_32 = arith.constant 0.000000e+00 : f32
    %max3A_33 = vector.broadcast %max3A_32 : f32 to vector<256x2048xf32>
    %max3A_34 = arith.maximumf %add3A_31, %max3A_33 : vector<256x2048xf32>
    %swap3A = arith.constant 0 : index
    %swap3A_35 = arith.constant 0 : index
    %swap3A_36 = arith.constant 0 : index
    %swap3A_37 = vector.load %arg5[%swap3A, %swap3A_35, %swap3A_36] : memref<1x256x2048xf32, #tpu.memory_space<vmem>>, vector<1x256x2048xf32>
    %swap3A_38 = vector.shape_cast %swap3A_37 : vector<1x256x2048xf32> to vector<256x2048xf32>
    %swap3A_39 = vector.shape_cast %max3A_34 : vector<256x2048xf32> to vector<1x256x2048xf32>
    tpu.vector_store %arg5[%swap3A, %swap3A_35, %swap3A_36], %swap3A_39 {strides = array<i32>} : memref<1x256x2048xf32, #tpu.memory_space<vmem>>, vector<1x256x2048xf32>,
    return
  }
  func.func @transform_0(%arg0: i32) -> (i32, i32, i32) {
    %c0_i32 = arith.constant 0 : i32
    %c0_i32_0 = arith.constant 0 : i32
    %c0_i32_1 = arith.constant 0 : i32
    return %arg0, %c0_i32, %c0_i32_0 : i32, i32, i32
  }
  func.func @transform_1(%arg0: i32) -> (i32, i32) {
    %c0_i32 = arith.constant 0 : i32
    %c0_i32_0 = arith.constant 0 : i32
    %c0_i32_1 = arith.constant 0 : i32
    return %c0_i32, %c0_i32_0 : i32, i32
  }
  func.func @transform_2(%arg0: i32) -> (i32, i32) {
    %c0_i32 = arith.constant 0 : i32
    %c0_i32_0 = arith.constant 0 : i32
    %c0_i32_1 = arith.constant 0 : i32
    return %c0_i32, %c0_i32_0 : i32, i32
  }
  func.func @transform_3(%arg0: i32) -> (i32, i32) {
    %c0_i32 = arith.constant 0 : i32
    %c0_i32_0 = arith.constant 0 : i32
    %c0_i32_1 = arith.constant 0 : i32
    return %c0_i32, %c0_i32_0 : i32, i32
  }
  func.func @transform_4(%arg0: i32) -> (i32, i32, i32) {
    %c0_i32 = arith.constant 0 : i32
    %c0_i32_0 = arith.constant 0 : i32
    %c0_i32_1 = arith.constant 0 : i32
    return %arg0, %c0_i32, %c0_i32_0 : i32, i32, i32
  }
}

module attributes {stable_mosaic.version = 14 : i64} {
  func.func @_fps_body(%arg0: i32, %arg1: memref<3x8x16384xf32, #tpu.memory_space<vmem>>, %arg2: memref<8x2048xi32, #tpu.memory_space<vmem>>, %arg3: memref<8x16384xf32, #tpu.memory_space<vmem>>) attributes {dimension_semantics = [#tpu.dimension_semantics<parallel>], iteration_bounds = array<i64: 2>, scalar_prefetch = 0 : i64, scratch_operands = 1 : i64, tpu.core_type = #tpu.core_type<tc>, window_params = [{transform_indices = @transform_0, window_bounds = array<i64: 3, 8, 16384>}, {transform_indices = @transform_1, window_bounds = array<i64: 8, 2048>}]} {
    %iota3A = tpu.iota {dimensions = array<i32: 0>} : vector<8x1xi32>
    %mul3A = arith.constant 8 : i32
    %mul3A_0 = arith.muli %arg0, %mul3A : i32
    %add3A = vector.broadcast %mul3A_0 : i32 to vector<8x1xi32>
    %add3A_1 = arith.addi %add3A, %iota3A : vector<8x1xi32>
    %mul3A_2 = arith.constant 16384 : i32
    %mul3A_3 = vector.broadcast %mul3A_2 : i32 to vector<8x1xi32>
    %mul3A_4 = arith.muli %add3A_1, %mul3A_3 : vector<8x1xi32>
    %iota3A_5 = tpu.iota {dimensions = array<i32: 1>} : vector<8x128xi32>
    %iota3A_6 = tpu.iota {dimensions = array<i32: 1>} : vector<8x256xi32>
    %broadcast_in_dim3A = arith.constant 1.000000e+10 : f32
    %broadcast_in_dim3A_7 = vector.broadcast %broadcast_in_dim3A : f32 to vector<8x16384xf32>
    %swap3A = arith.constant 0 : index
    %swap3A_8 = arith.constant 0 : index
    %swap3A_9 = vector.load %arg3[%swap3A, %swap3A_8] : memref<8x16384xf32, #tpu.memory_space<vmem>>, vector<8x16384xf32>
    tpu.vector_store %arg3[%swap3A, %swap3A_8], %broadcast_in_dim3A_7 {strides = array<i32>} : memref<8x16384xf32, #tpu.memory_space<vmem>>, vector<8x16384xf32>,
    %broadcast_in_dim3A_10 = arith.constant 0 : i32
    %broadcast_in_dim3A_11 = vector.broadcast %broadcast_in_dim3A_10 : i32 to vector<8x1xi32>
    %get3A = arith.constant 0 : index
    %get3A_12 = arith.constant 0 : index
    %get3A_13 = arith.constant 0 : index
    %get3A_14 = vector.load %arg1[%get3A, %get3A_12, %get3A_13] : memref<3x8x16384xf32, #tpu.memory_space<vmem>>, vector<1x8x1xf32>
    %get3A_15 = vector.shape_cast %get3A_14 : vector<1x8x1xf32> to vector<8x1xf32>
    %get3A_16 = arith.constant 1 : index
    %get3A_17 = arith.constant 0 : index
    %get3A_18 = arith.constant 0 : index
    %get3A_19 = vector.load %arg1[%get3A_16, %get3A_17, %get3A_18] : memref<3x8x16384xf32, #tpu.memory_space<vmem>>, vector<1x8x1xf32>
    %get3A_20 = vector.shape_cast %get3A_19 : vector<1x8x1xf32> to vector<8x1xf32>
    %get3A_21 = arith.constant 2 : index
    %get3A_22 = arith.constant 0 : index
    %get3A_23 = arith.constant 0 : index
    %get3A_24 = vector.load %arg1[%get3A_21, %get3A_22, %get3A_23] : memref<3x8x16384xf32, #tpu.memory_space<vmem>>, vector<1x8x1xf32>
    %get3A_25 = vector.shape_cast %get3A_24 : vector<1x8x1xf32> to vector<8x1xf32>
    %broadcast_in_dim3A_26 = arith.constant 0 : i32
    %broadcast_in_dim3A_27 = vector.broadcast %broadcast_in_dim3A_26 : i32 to vector<8x128xi32>
    %scan3A = arith.constant 0 : i32
    %scan3A_28 = arith.constant 2048 : i32
    %scan3A_29 = arith.addi %scan3A, %scan3A_28 : i32
    %scan3A_30 = arith.constant 1 : i32
    %scan3A_31:5 = scf.for %scan3A_33 = %scan3A to %scan3A_29 step %scan3A_30 iter_args(%scan3A_34 = %broadcast_in_dim3A_11, %scan3A_35 = %get3A_15, %scan3A_36 = %get3A_20, %scan3A_37 = %get3A_25, %scan3A_38 = %broadcast_in_dim3A_27) -> (vector<8x1xi32>, vector<8x1xf32>, vector<8x1xf32>, vector<8x1xf32>, vector<8x128xi32>)  : i32 {
      %jit3A = arith.constant 128 : i32
      %eq3A = arith.constant 0 : i32
      %eq3A_39 = arith.cmpi eq, %jit3A, %eq3A : i32
      %jit3A_40 = arith.constant 1 : i32
      %select_n3A = arith.select %eq3A_39, %jit3A_40, %jit3A : i32
      %rem3A = arith.remsi %scan3A_33, %select_n3A : i32
      %ne3A = arith.constant 0 : i32
      %ne3A_41 = arith.cmpi ne, %rem3A, %ne3A : i32
      %lt3A = arith.constant 0 : i32
      %lt3A_42 = arith.cmpi slt, %rem3A, %lt3A : i32
      %lt3A_43 = arith.constant 0 : i32
      %lt3A_44 = arith.cmpi slt, %select_n3A, %lt3A_43 : i32
      %ne3A_45 = arith.xori %lt3A_42, %lt3A_44 : i1
      %and3A = arith.andi %ne3A_45, %ne3A_41 : i1
      %add3A_46 = arith.addi %rem3A, %select_n3A : i32
      %select_n3A_47 = arith.select %and3A, %add3A_46, %rem3A : i32
      %eq3A_48 = vector.broadcast %select_n3A_47 : i32 to vector<8x128xi32>
      %eq3A_49 = arith.cmpi eq, %iota3A_5, %eq3A_48 : vector<8x128xi32>
      %add3A_50 = arith.addi %scan3A_34, %mul3A_4 : vector<8x1xi32>
      %broadcast_in_dim3A_51 = vector.shape_cast %add3A_50 : vector<8x1xi32> to vector<8x1xi32>
      %broadcast_in_dim3A_52 = vector.broadcast %broadcast_in_dim3A_51 : vector<8x1xi32> to vector<8x128xi32>
      %select_n3A_53 = arith.select %eq3A_49, %broadcast_in_dim3A_52, %scan3A_38 : vector<8x128xi1>, vector<8x128xi32>
      %jit3A_54 = arith.constant 128 : i32
      %eq3A_55 = arith.constant 0 : i32
      %eq3A_56 = arith.cmpi eq, %jit3A_54, %eq3A_55 : i32
      %jit3A_57 = arith.constant 1 : i32
      %select_n3A_58 = arith.select %eq3A_56, %jit3A_57, %jit3A_54 : i32
      %rem3A_59 = arith.remsi %scan3A_33, %select_n3A_58 : i32
      %ne3A_60 = arith.constant 0 : i32
      %ne3A_61 = arith.cmpi ne, %rem3A_59, %ne3A_60 : i32
      %lt3A_62 = arith.constant 0 : i32
      %lt3A_63 = arith.cmpi slt, %rem3A_59, %lt3A_62 : i32
      %lt3A_64 = arith.constant 0 : i32
      %lt3A_65 = arith.cmpi slt, %select_n3A_58, %lt3A_64 : i32
      %ne3A_66 = arith.xori %lt3A_63, %lt3A_65 : i1
      %and3A_67 = arith.andi %ne3A_66, %ne3A_61 : i1
      %add3A_68 = arith.addi %rem3A_59, %select_n3A_58 : i32
      %select_n3A_69 = arith.select %and3A_67, %add3A_68, %rem3A_59 : i32
      %eq3A_70 = arith.constant 127 : i32
      %eq3A_71 = arith.cmpi eq, %select_n3A_69, %eq3A_70 : i32
      %convert_element_type3A = arith.extui %eq3A_71 : i1 to i32
      %cond3A = arith.constant 0 : i32
      %cond3A_72 = arith.cmpi ne, %convert_element_type3A, %cond3A : i32
      scf.if %cond3A_72 {
        %jit3A_2735 = arith.constant 128 : i32
        %div3A = arith.divsi %scan3A_33, %jit3A_2735 : i32
        %sign3A = arith.constant 0 : i32
        %sign3A_2736 = arith.cmpi sgt, %scan3A_33, %sign3A : i32
        %sign3A_2737 = arith.extui %sign3A_2736 : i1 to i32
        %sign3A_2738 = arith.constant 0 : i32
        %sign3A_2739 = arith.cmpi slt, %scan3A_33, %sign3A_2738 : i32
        %sign3A_2740 = arith.extui %sign3A_2739 : i1 to i32
        %sign3A_2741 = arith.subi %sign3A_2737, %sign3A_2740 : i32
        %sign3A_2742 = arith.constant 0 : i32
        %sign3A_2743 = arith.cmpi sgt, %jit3A_2735, %sign3A_2742 : i32
        %sign3A_2744 = arith.extui %sign3A_2743 : i1 to i32
        %sign3A_2745 = arith.constant 0 : i32
        %sign3A_2746 = arith.cmpi slt, %jit3A_2735, %sign3A_2745 : i32
        %sign3A_2747 = arith.extui %sign3A_2746 : i1 to i32
        %sign3A_2748 = arith.subi %sign3A_2744, %sign3A_2747 : i32
        %ne3A_2749 = arith.cmpi ne, %sign3A_2741, %sign3A_2748 : i32
        %rem3A_2750 = arith.remsi %scan3A_33, %jit3A_2735 : i32
        %ne3A_2751 = arith.constant 0 : i32
        %ne3A_2752 = arith.cmpi ne, %rem3A_2750, %ne3A_2751 : i32
        %and3A_2753 = arith.andi %ne3A_2749, %ne3A_2752 : i1
        %sub3A_2754 = arith.constant 1 : i32
        %sub3A_2755 = arith.subi %div3A, %sub3A_2754 : i32
        %select_n3A_2756 = arith.select %and3A_2753, %sub3A_2755, %div3A : i32
        %mul3A_2757 = arith.constant 128 : i32
        %mul3A_2758 = arith.muli %select_n3A_2756, %mul3A_2757 : i32
        %swap3A_2759 = arith.constant 0 : index
        %swap3A_2760 = arith.index_cast %mul3A_2758 : i32 to index
        %swap3A_2761 = vector.load %arg2[%swap3A_2759, %swap3A_2760] : memref<8x2048xi32, #tpu.memory_space<vmem>>, vector<8x128xi32>
        tpu.vector_store %arg2[%swap3A_2759, %swap3A_2760], %select_n3A_53 {strides = array<i32>} : memref<8x2048xi32, #tpu.memory_space<vmem>>, vector<8x128xi32>,
      } else {
      }
      %broadcast_in_dim3A_73 = arith.constant 0xFF800000 : f32
      %broadcast_in_dim3A_74 = vector.broadcast %broadcast_in_dim3A_73 : f32 to vector<8x256xf32>
      %broadcast_in_dim3A_75 = arith.constant 0 : i32
      %broadcast_in_dim3A_76 = vector.broadcast %broadcast_in_dim3A_75 : i32 to vector<8x256xi32>
      %broadcast_in_dim3A_77 = arith.constant 0.000000e+00 : f32
      %broadcast_in_dim3A_78 = vector.broadcast %broadcast_in_dim3A_77 : f32 to vector<8x256xf32>
      %broadcast_in_dim3A_79 = arith.constant 0.000000e+00 : f32
      %broadcast_in_dim3A_80 = vector.broadcast %broadcast_in_dim3A_79 : f32 to vector<8x256xf32>
      %broadcast_in_dim3A_81 = arith.constant 0.000000e+00 : f32
      %broadcast_in_dim3A_82 = vector.broadcast %broadcast_in_dim3A_81 : f32 to vector<8x256xf32>
      %get3A_83 = arith.constant 0 : index
      %get3A_84 = arith.constant 0 : index
      %get3A_85 = arith.constant 0 : index
      %get3A_86 = vector.load %arg1[%get3A_83, %get3A_84, %get3A_85] : memref<3x8x16384xf32, #tpu.memory_space<vmem>>, vector<1x8x256xf32>
      %get3A_87 = vector.shape_cast %get3A_86 : vector<1x8x256xf32> to vector<8x256xf32>
      %get3A_88 = arith.constant 1 : index
      %get3A_89 = arith.constant 0 : index
      %get3A_90 = arith.constant 0 : index
      %get3A_91 = vector.load %arg1[%get3A_88, %get3A_89, %get3A_90] : memref<3x8x16384xf32, #tpu.memory_space<vmem>>, vector<1x8x256xf32>
      %get3A_92 = vector.shape_cast %get3A_91 : vector<1x8x256xf32> to vector<8x256xf32>
      %get3A_93 = arith.constant 2 : index
      %get3A_94 = arith.constant 0 : index
      %get3A_95 = arith.constant 0 : index
      %get3A_96 = vector.load %arg1[%get3A_93, %get3A_94, %get3A_95] : memref<3x8x16384xf32, #tpu.memory_space<vmem>>, vector<1x8x256xf32>
      %get3A_97 = vector.shape_cast %get3A_96 : vector<1x8x256xf32> to vector<8x256xf32>
      %sub3A = vector.broadcast %scan3A_35 : vector<8x1xf32> to vector<8x256xf32>
      %sub3A_98 = arith.subf %get3A_87, %sub3A : vector<8x256xf32>
      %sub3A_99 = vector.broadcast %scan3A_36 : vector<8x1xf32> to vector<8x256xf32>
      %sub3A_100 = arith.subf %get3A_92, %sub3A_99 : vector<8x256xf32>
      %sub3A_101 = vector.broadcast %scan3A_37 : vector<8x1xf32> to vector<8x256xf32>
      %sub3A_102 = arith.subf %get3A_97, %sub3A_101 : vector<8x256xf32>
      %mul3A_103 = arith.mulf %sub3A_98, %sub3A_98 : vector<8x256xf32>
      %mul3A_104 = arith.mulf %sub3A_102, %sub3A_102 : vector<8x256xf32>
      %add3A_105 = arith.addf %mul3A_103, %mul3A_104 : vector<8x256xf32>
      %mul3A_106 = arith.mulf %sub3A_100, %sub3A_100 : vector<8x256xf32>
      %add3A_107 = arith.addf %add3A_105, %mul3A_106 : vector<8x256xf32>
      %get3A_108 = arith.constant 0 : index
      %get3A_109 = arith.constant 0 : index
      %get3A_110 = vector.load %arg3[%get3A_108, %get3A_109] : memref<8x16384xf32, #tpu.memory_space<vmem>>, vector<8x256xf32>
      %min3A = arith.minimumf %get3A_110, %add3A_107 : vector<8x256xf32>
      %swap3A_111 = arith.constant 0 : index
      %swap3A_112 = arith.constant 0 : index
      %swap3A_113 = vector.load %arg3[%swap3A_111, %swap3A_112] : memref<8x16384xf32, #tpu.memory_space<vmem>>, vector<8x256xf32>
      tpu.vector_store %arg3[%swap3A_111, %swap3A_112], %min3A {strides = array<i32>} : memref<8x16384xf32, #tpu.memory_space<vmem>>, vector<8x256xf32>,
      %gt3A = arith.cmpf ogt, %min3A, %broadcast_in_dim3A_74 : vector<8x256xf32>
      %max3A = arith.maximumf %broadcast_in_dim3A_74, %min3A : vector<8x256xf32>
      %jit3A_114 = arith.constant 0 : i32
      %broadcast_in_dim3A_115 = vector.broadcast %jit3A_114 : i32 to vector<8x256xi32>
      %select_n3A_116 = arith.select %gt3A, %broadcast_in_dim3A_115, %broadcast_in_dim3A_76 : vector<8x256xi1>, vector<8x256xi32>
      %select_n3A_117 = arith.select %gt3A, %get3A_87, %broadcast_in_dim3A_78 : vector<8x256xi1>, vector<8x256xf32>
      %select_n3A_118 = arith.select %gt3A, %get3A_92, %broadcast_in_dim3A_80 : vector<8x256xi1>, vector<8x256xf32>
      %select_n3A_119 = arith.select %gt3A, %get3A_97, %broadcast_in_dim3A_82 : vector<8x256xi1>, vector<8x256xf32>
      %get3A_120 = arith.constant 0 : index
      %get3A_121 = arith.constant 0 : index
      %get3A_122 = arith.constant 256 : index
      %get3A_123 = vector.load %arg1[%get3A_120, %get3A_121, %get3A_122] : memref<3x8x16384xf32, #tpu.memory_space<vmem>>, vector<1x8x256xf32>
      %get3A_124 = vector.shape_cast %get3A_123 : vector<1x8x256xf32> to vector<8x256xf32>
      %get3A_125 = arith.constant 1 : index
      %get3A_126 = arith.constant 0 : index
      %get3A_127 = arith.constant 256 : index
      %get3A_128 = vector.load %arg1[%get3A_125, %get3A_126, %get3A_127] : memref<3x8x16384xf32, #tpu.memory_space<vmem>>, vector<1x8x256xf32>
      %get3A_129 = vector.shape_cast %get3A_128 : vector<1x8x256xf32> to vector<8x256xf32>
      %get3A_130 = arith.constant 2 : index
      %get3A_131 = arith.constant 0 : index
      %get3A_132 = arith.constant 256 : index
      %get3A_133 = vector.load %arg1[%get3A_130, %get3A_131, %get3A_132] : memref<3x8x16384xf32, #tpu.memory_space<vmem>>, vector<1x8x256xf32>
      %get3A_134 = vector.shape_cast %get3A_133 : vector<1x8x256xf32> to vector<8x256xf32>
      %sub3A_135 = vector.broadcast %scan3A_35 : vector<8x1xf32> to vector<8x256xf32>
      %sub3A_136 = arith.subf %get3A_124, %sub3A_135 : vector<8x256xf32>
      %sub3A_137 = vector.broadcast %scan3A_36 : vector<8x1xf32> to vector<8x256xf32>
      %sub3A_138 = arith.subf %get3A_129, %sub3A_137 : vector<8x256xf32>
      %sub3A_139 = vector.broadcast %scan3A_37 : vector<8x1xf32> to vector<8x256xf32>
      %sub3A_140 = arith.subf %get3A_134, %sub3A_139 : vector<8x256xf32>
      %mul3A_141 = arith.mulf %sub3A_136, %sub3A_136 : vector<8x256xf32>
      %mul3A_142 = arith.mulf %sub3A_140, %sub3A_140 : vector<8x256xf32>
      %add3A_143 = arith.addf %mul3A_141, %mul3A_142 : vector<8x256xf32>
      %mul3A_144 = arith.mulf %sub3A_138, %sub3A_138 : vector<8x256xf32>
      %add3A_145 = arith.addf %add3A_143, %mul3A_144 : vector<8x256xf32>
      %get3A_146 = arith.constant 0 : index
      %get3A_147 = arith.constant 256 : index
      %get3A_148 = vector.load %arg3[%get3A_146, %get3A_147] : memref<8x16384xf32, #tpu.memory_space<vmem>>, vector<8x256xf32>
      %min3A_149 = arith.minimumf %get3A_148, %add3A_145 : vector<8x256xf32>
      %swap3A_150 = arith.constant 0 : index
      %swap3A_151 = arith.constant 256 : index
      %swap3A_152 = vector.load %arg3[%swap3A_150, %swap3A_151] : memref<8x16384xf32, #tpu.memory_space<vmem>>, vector<8x256xf32>
      tpu.vector_store %arg3[%swap3A_150, %swap3A_151], %min3A_149 {strides = array<i32>} : memref<8x16384xf32, #tpu.memory_space<vmem>>, vector<8x256xf32>,
      %gt3A_153 = arith.cmpf ogt, %min3A_149, %max3A : vector<8x256xf32>
      %max3A_154 = arith.maximumf %max3A, %min3A_149 : vector<8x256xf32>
      %jit3A_155 = arith.constant 1 : i32
      %broadcast_in_dim3A_156 = vector.broadcast %jit3A_155 : i32 to vector<8x256xi32>
      %select_n3A_157 = arith.select %gt3A_153, %broadcast_in_dim3A_156, %select_n3A_116 : vector<8x256xi1>, vector<8x256xi32>
      %select_n3A_158 = arith.select %gt3A_153, %get3A_124, %select_n3A_117 : vector<8x256xi1>, vector<8x256xf32>
      %select_n3A_159 = arith.select %gt3A_153, %get3A_129, %select_n3A_118 : vector<8x256xi1>, vector<8x256xf32>
      %select_n3A_160 = arith.select %gt3A_153, %get3A_134, %select_n3A_119 : vector<8x256xi1>, vector<8x256xf32>
      %get3A_161 = arith.constant 0 : index
      %get3A_162 = arith.constant 0 : index
      %get3A_163 = arith.constant 512 : index
      %get3A_164 = vector.load %arg1[%get3A_161, %get3A_162, %get3A_163] : memref<3x8x16384xf32, #tpu.memory_space<vmem>>, vector<1x8x256xf32>
      %get3A_165 = vector.shape_cast %get3A_164 : vector<1x8x256xf32> to vector<8x256xf32>
      %get3A_166 = arith.constant 1 : index
      %get3A_167 = arith.constant 0 : index
      %get3A_168 = arith.constant 512 : index
      %get3A_169 = vector.load %arg1[%get3A_166, %get3A_167, %get3A_168] : memref<3x8x16384xf32, #tpu.memory_space<vmem>>, vector<1x8x256xf32>
      %get3A_170 = vector.shape_cast %get3A_169 : vector<1x8x256xf32> to vector<8x256xf32>
      %get3A_171 = arith.constant 2 : index
      %get3A_172 = arith.constant 0 : index
      %get3A_173 = arith.constant 512 : index
      %get3A_174 = vector.load %arg1[%get3A_171, %get3A_172, %get3A_173] : memref<3x8x16384xf32, #tpu.memory_space<vmem>>, vector<1x8x256xf32>
      %get3A_175 = vector.shape_cast %get3A_174 : vector<1x8x256xf32> to vector<8x256xf32>
      %sub3A_176 = vector.broadcast %scan3A_35 : vector<8x1xf32> to vector<8x256xf32>
      %sub3A_177 = arith.subf %get3A_165, %sub3A_176 : vector<8x256xf32>
      %sub3A_178 = vector.broadcast %scan3A_36 : vector<8x1xf32> to vector<8x256xf32>
      %sub3A_179 = arith.subf %get3A_170, %sub3A_178 : vector<8x256xf32>
      %sub3A_180 = vector.broadcast %scan3A_37 : vector<8x1xf32> to vector<8x256xf32>
      %sub3A_181 = arith.subf %get3A_175, %sub3A_180 : vector<8x256xf32>
      %mul3A_182 = arith.mulf %sub3A_177, %sub3A_177 : vector<8x256xf32>
      %mul3A_183 = arith.mulf %sub3A_181, %sub3A_181 : vector<8x256xf32>
      %add3A_184 = arith.addf %mul3A_182, %mul3A_183 : vector<8x256xf32>
      %mul3A_185 = arith.mulf %sub3A_179, %sub3A_179 : vector<8x256xf32>
      %add3A_186 = arith.addf %add3A_184, %mul3A_185 : vector<8x256xf32>
      %get3A_187 = arith.constant 0 : index
      %get3A_188 = arith.constant 512 : index
      %get3A_189 = vector.load %arg3[%get3A_187, %get3A_188] : memref<8x16384xf32, #tpu.memory_space<vmem>>, vector<8x256xf32>
      %min3A_190 = arith.minimumf %get3A_189, %add3A_186 : vector<8x256xf32>
      %swap3A_191 = arith.constant 0 : index
      %swap3A_192 = arith.constant 512 : index
      %swap3A_193 = vector.load %arg3[%swap3A_191, %swap3A_192] : memref<8x16384xf32, #tpu.memory_space<vmem>>, vector<8x256xf32>
      tpu.vector_store %arg3[%swap3A_191, %swap3A_192], %min3A_190 {strides = array<i32>} : memref<8x16384xf32, #tpu.memory_space<vmem>>, vector<8x256xf32>,
      %gt3A_194 = arith.cmpf ogt, %min3A_190, %max3A_154 : vector<8x256xf32>
      %max3A_195 = arith.maximumf %max3A_154, %min3A_190 : vector<8x256xf32>
      %jit3A_196 = arith.constant 2 : i32
      %broadcast_in_dim3A_197 = vector.broadcast %jit3A_196 : i32 to vector<8x256xi32>
      %select_n3A_198 = arith.select %gt3A_194, %broadcast_in_dim3A_197, %select_n3A_157 : vector<8x256xi1>, vector<8x256xi32>
      %select_n3A_199 = arith.select %gt3A_194, %get3A_165, %select_n3A_158 : vector<8x256xi1>, vector<8x256xf32>
      %select_n3A_200 = arith.select %gt3A_194, %get3A_170, %select_n3A_159 : vector<8x256xi1>, vector<8x256xf32>
      %select_n3A_201 = arith.select %gt3A_194, %get3A_175, %select_n3A_160 : vector<8x256xi1>, vector<8x256xf32>
      %get3A_202 = arith.constant 0 : index
      %get3A_203 = arith.constant 0 : index
      %get3A_204 = arith.constant 768 : index
      %get3A_205 = vector.load %arg1[%get3A_202, %get3A_203, %get3A_204] : memref<3x8x16384xf32, #tpu.memory_space<vmem>>, vector<1x8x256xf32>
      %get3A_206 = vector.shape_cast %get3A_205 : vector<1x8x256xf32> to vector<8x256xf32>
      %get3A_207 = arith.constant 1 : index
      %get3A_208 = arith.constant 0 : index
      %get3A_209 = arith.constant 768 : index
      %get3A_210 = vector.load %arg1[%get3A_207, %get3A_208, %get3A_209] : memref<3x8x16384xf32, #tpu.memory_space<vmem>>, vector<1x8x256xf32>
      %get3A_211 = vector.shape_cast %get3A_210 : vector<1x8x256xf32> to vector<8x256xf32>
      %get3A_212 = arith.constant 2 : index
      %get3A_213 = arith.constant 0 : index
      %get3A_214 = arith.constant 768 : index
      %get3A_215 = vector.load %arg1[%get3A_212, %get3A_213, %get3A_214] : memref<3x8x16384xf32, #tpu.memory_space<vmem>>, vector<1x8x256xf32>
      %get3A_216 = vector.shape_cast %get3A_215 : vector<1x8x256xf32> to vector<8x256xf32>
      %sub3A_217 = vector.broadcast %scan3A_35 : vector<8x1xf32> to vector<8x256xf32>
      %sub3A_218 = arith.subf %get3A_206, %sub3A_217 : vector<8x256xf32>
      %sub3A_219 = vector.broadcast %scan3A_36 : vector<8x1xf32> to vector<8x256xf32>
      %sub3A_220 = arith.subf %get3A_211, %sub3A_219 : vector<8x256xf32>
      %sub3A_221 = vector.broadcast %scan3A_37 : vector<8x1xf32> to vector<8x256xf32>
      %sub3A_222 = arith.subf %get3A_216, %sub3A_221 : vector<8x256xf32>
      %mul3A_223 = arith.mulf %sub3A_218, %sub3A_218 : vector<8x256xf32>
      %mul3A_224 = arith.mulf %sub3A_222, %sub3A_222 : vector<8x256xf32>
      %add3A_225 = arith.addf %mul3A_223, %mul3A_224 : vector<8x256xf32>
      %mul3A_226 = arith.mulf %sub3A_220, %sub3A_220 : vector<8x256xf32>
      %add3A_227 = arith.addf %add3A_225, %mul3A_226 : vector<8x256xf32>
      %get3A_228 = arith.constant 0 : index
      %get3A_229 = arith.constant 768 : index
      %get3A_230 = vector.load %arg3[%get3A_228, %get3A_229] : memref<8x16384xf32, #tpu.memory_space<vmem>>, vector<8x256xf32>
      %min3A_231 = arith.minimumf %get3A_230, %add3A_227 : vector<8x256xf32>
      %swap3A_232 = arith.constant 0 : index
      %swap3A_233 = arith.constant 768 : index
      %swap3A_234 = vector.load %arg3[%swap3A_232, %swap3A_233] : memref<8x16384xf32, #tpu.memory_space<vmem>>, vector<8x256xf32>
      tpu.vector_store %arg3[%swap3A_232, %swap3A_233], %min3A_231 {strides = array<i32>} : memref<8x16384xf32, #tpu.memory_space<vmem>>, vector<8x256xf32>,
      %gt3A_235 = arith.cmpf ogt, %min3A_231, %max3A_195 : vector<8x256xf32>
      %max3A_236 = arith.maximumf %max3A_195, %min3A_231 : vector<8x256xf32>
      %jit3A_237 = arith.constant 3 : i32
      %broadcast_in_dim3A_238 = vector.broadcast %jit3A_237 : i32 to vector<8x256xi32>
      %select_n3A_239 = arith.select %gt3A_235, %broadcast_in_dim3A_238, %select_n3A_198 : vector<8x256xi1>, vector<8x256xi32>
      %select_n3A_240 = arith.select %gt3A_235, %get3A_206, %select_n3A_199 : vector<8x256xi1>, vector<8x256xf32>
      %select_n3A_241 = arith.select %gt3A_235, %get3A_211, %select_n3A_200 : vector<8x256xi1>, vector<8x256xf32>
      %select_n3A_242 = arith.select %gt3A_235, %get3A_216, %select_n3A_201 : vector<8x256xi1>, vector<8x256xf32>
      %get3A_243 = arith.constant 0 : index
      %get3A_244 = arith.constant 0 : index
      %get3A_245 = arith.constant 1024 : index
      %get3A_246 = vector.load %arg1[%get3A_243, %get3A_244, %get3A_245] : memref<3x8x16384xf32, #tpu.memory_space<vmem>>, vector<1x8x256xf32>
      %get3A_247 = vector.shape_cast %get3A_246 : vector<1x8x256xf32> to vector<8x256xf32>
      %get3A_248 = arith.constant 1 : index
      %get3A_249 = arith.constant 0 : index
      %get3A_250 = arith.constant 1024 : index
      %get3A_251 = vector.load %arg1[%get3A_248, %get3A_249, %get3A_250] : memref<3x8x16384xf32, #tpu.memory_space<vmem>>, vector<1x8x256xf32>
      %get3A_252 = vector.shape_cast %get3A_251 : vector<1x8x256xf32> to vector<8x256xf32>
      %get3A_253 = arith.constant 2 : index
      %get3A_254 = arith.constant 0 : index
      %get3A_255 = arith.constant 1024 : index
      %get3A_256 = vector.load %arg1[%get3A_253, %get3A_254, %get3A_255] : memref<3x8x16384xf32, #tpu.memory_space<vmem>>, vector<1x8x256xf32>
      %get3A_257 = vector.shape_cast %get3A_256 : vector<1x8x256xf32> to vector<8x256xf32>
      %sub3A_258 = vector.broadcast %scan3A_35 : vector<8x1xf32> to vector<8x256xf32>
      %sub3A_259 = arith.subf %get3A_247, %sub3A_258 : vector<8x256xf32>
      %sub3A_260 = vector.broadcast %scan3A_36 : vector<8x1xf32> to vector<8x256xf32>
      %sub3A_261 = arith.subf %get3A_252, %sub3A_260 : vector<8x256xf32>
      %sub3A_262 = vector.broadcast %scan3A_37 : vector<8x1xf32> to vector<8x256xf32>
      %sub3A_263 = arith.subf %get3A_257, %sub3A_262 : vector<8x256xf32>
      %mul3A_264 = arith.mulf %sub3A_259, %sub3A_259 : vector<8x256xf32>
      %mul3A_265 = arith.mulf %sub3A_263, %sub3A_263 : vector<8x256xf32>
      %add3A_266 = arith.addf %mul3A_264, %mul3A_265 : vector<8x256xf32>
      %mul3A_267 = arith.mulf %sub3A_261, %sub3A_261 : vector<8x256xf32>
      %add3A_268 = arith.addf %add3A_266, %mul3A_267 : vector<8x256xf32>
      %get3A_269 = arith.constant 0 : index
      %get3A_270 = arith.constant 1024 : index
      %get3A_271 = vector.load %arg3[%get3A_269, %get3A_270] : memref<8x16384xf32, #tpu.memory_space<vmem>>, vector<8x256xf32>
      %min3A_272 = arith.minimumf %get3A_271, %add3A_268 : vector<8x256xf32>
      %swap3A_273 = arith.constant 0 : index
      %swap3A_274 = arith.constant 1024 : index
      %swap3A_275 = vector.load %arg3[%swap3A_273, %swap3A_274] : memref<8x16384xf32, #tpu.memory_space<vmem>>, vector<8x256xf32>
      tpu.vector_store %arg3[%swap3A_273, %swap3A_274], %min3A_272 {strides = array<i32>} : memref<8x16384xf32, #tpu.memory_space<vmem>>, vector<8x256xf32>,
      %gt3A_276 = arith.cmpf ogt, %min3A_272, %max3A_236 : vector<8x256xf32>
      %max3A_277 = arith.maximumf %max3A_236, %min3A_272 : vector<8x256xf32>
      %jit3A_278 = arith.constant 4 : i32
      %broadcast_in_dim3A_279 = vector.broadcast %jit3A_278 : i32 to vector<8x256xi32>
      %select_n3A_280 = arith.select %gt3A_276, %broadcast_in_dim3A_279, %select_n3A_239 : vector<8x256xi1>, vector<8x256xi32>
      %select_n3A_281 = arith.select %gt3A_276, %get3A_247, %select_n3A_240 : vector<8x256xi1>, vector<8x256xf32>
      %select_n3A_282 = arith.select %gt3A_276, %get3A_252, %select_n3A_241 : vector<8x256xi1>, vector<8x256xf32>
      %select_n3A_283 = arith.select %gt3A_276, %get3A_257, %select_n3A_242 : vector<8x256xi1>, vector<8x256xf32>
      %get3A_284 = arith.constant 0 : index
      %get3A_285 = arith.constant 0 : index
      %get3A_286 = arith.constant 1280 : index
      %get3A_287 = vector.load %arg1[%get3A_284, %get3A_285, %get3A_286] : memref<3x8x16384xf32, #tpu.memory_space<vmem>>, vector<1x8x256xf32>
      %get3A_288 = vector.shape_cast %get3A_287 : vector<1x8x256xf32> to vector<8x256xf32>
      %get3A_289 = arith.constant 1 : index
      %get3A_290 = arith.constant 0 : index
      %get3A_291 = arith.constant 1280 : index
      %get3A_292 = vector.load %arg1[%get3A_289, %get3A_290, %get3A_291] : memref<3x8x16384xf32, #tpu.memory_space<vmem>>, vector<1x8x256xf32>
      %get3A_293 = vector.shape_cast %get3A_292 : vector<1x8x256xf32> to vector<8x256xf32>
      %get3A_294 = arith.constant 2 : index
      %get3A_295 = arith.constant 0 : index
      %get3A_296 = arith.constant 1280 : index
      %get3A_297 = vector.load %arg1[%get3A_294, %get3A_295, %get3A_296] : memref<3x8x16384xf32, #tpu.memory_space<vmem>>, vector<1x8x256xf32>
      %get3A_298 = vector.shape_cast %get3A_297 : vector<1x8x256xf32> to vector<8x256xf32>
      %sub3A_299 = vector.broadcast %scan3A_35 : vector<8x1xf32> to vector<8x256xf32>
      %sub3A_300 = arith.subf %get3A_288, %sub3A_299 : vector<8x256xf32>
      %sub3A_301 = vector.broadcast %scan3A_36 : vector<8x1xf32> to vector<8x256xf32>
      %sub3A_302 = arith.subf %get3A_293, %sub3A_301 : vector<8x256xf32>
      %sub3A_303 = vector.broadcast %scan3A_37 : vector<8x1xf32> to vector<8x256xf32>
      %sub3A_304 = arith.subf %get3A_298, %sub3A_303 : vector<8x256xf32>
      %mul3A_305 = arith.mulf %sub3A_300, %sub3A_300 : vector<8x256xf32>
      %mul3A_306 = arith.mulf %sub3A_304, %sub3A_304 : vector<8x256xf32>
      %add3A_307 = arith.addf %mul3A_305, %mul3A_306 : vector<8x256xf32>
      %mul3A_308 = arith.mulf %sub3A_302, %sub3A_302 : vector<8x256xf32>
      %add3A_309 = arith.addf %add3A_307, %mul3A_308 : vector<8x256xf32>
      %get3A_310 = arith.constant 0 : index
      %get3A_311 = arith.constant 1280 : index
      %get3A_312 = vector.load %arg3[%get3A_310, %get3A_311] : memref<8x16384xf32, #tpu.memory_space<vmem>>, vector<8x256xf32>
      %min3A_313 = arith.minimumf %get3A_312, %add3A_309 : vector<8x256xf32>
      %swap3A_314 = arith.constant 0 : index
      %swap3A_315 = arith.constant 1280 : index
      %swap3A_316 = vector.load %arg3[%swap3A_314, %swap3A_315] : memref<8x16384xf32, #tpu.memory_space<vmem>>, vector<8x256xf32>
      tpu.vector_store %arg3[%swap3A_314, %swap3A_315], %min3A_313 {strides = array<i32>} : memref<8x16384xf32, #tpu.memory_space<vmem>>, vector<8x256xf32>,
      %gt3A_317 = arith.cmpf ogt, %min3A_313, %max3A_277 : vector<8x256xf32>
      %max3A_318 = arith.maximumf %max3A_277, %min3A_313 : vector<8x256xf32>
      %jit3A_319 = arith.constant 5 : i32
      %broadcast_in_dim3A_320 = vector.broadcast %jit3A_319 : i32 to vector<8x256xi32>
      %select_n3A_321 = arith.select %gt3A_317, %broadcast_in_dim3A_320, %select_n3A_280 : vector<8x256xi1>, vector<8x256xi32>
      %select_n3A_322 = arith.select %gt3A_317, %get3A_288, %select_n3A_281 : vector<8x256xi1>, vector<8x256xf32>
      %select_n3A_323 = arith.select %gt3A_317, %get3A_293, %select_n3A_282 : vector<8x256xi1>, vector<8x256xf32>
      %select_n3A_324 = arith.select %gt3A_317, %get3A_298, %select_n3A_283 : vector<8x256xi1>, vector<8x256xf32>
      %get3A_325 = arith.constant 0 : index
      %get3A_326 = arith.constant 0 : index
      %get3A_327 = arith.constant 1536 : index
      %get3A_328 = vector.load %arg1[%get3A_325, %get3A_326, %get3A_327] : memref<3x8x16384xf32, #tpu.memory_space<vmem>>, vector<1x8x256xf32>
      %get3A_329 = vector.shape_cast %get3A_328 : vector<1x8x256xf32> to vector<8x256xf32>
      %get3A_330 = arith.constant 1 : index
      %get3A_331 = arith.constant 0 : index
      %get3A_332 = arith.constant 1536 : index
      %get3A_333 = vector.load %arg1[%get3A_330, %get3A_331, %get3A_332] : memref<3x8x16384xf32, #tpu.memory_space<vmem>>, vector<1x8x256xf32>
      %get3A_334 = vector.shape_cast %get3A_333 : vector<1x8x256xf32> to vector<8x256xf32>
      %get3A_335 = arith.constant 2 : index
      %get3A_336 = arith.constant 0 : index
      %get3A_337 = arith.constant 1536 : index
      %get3A_338 = vector.load %arg1[%get3A_335, %get3A_336, %get3A_337] : memref<3x8x16384xf32, #tpu.memory_space<vmem>>, vector<1x8x256xf32>
      %get3A_339 = vector.shape_cast %get3A_338 : vector<1x8x256xf32> to vector<8x256xf32>
      %sub3A_340 = vector.broadcast %scan3A_35 : vector<8x1xf32> to vector<8x256xf32>
      %sub3A_341 = arith.subf %get3A_329, %sub3A_340 : vector<8x256xf32>
      %sub3A_342 = vector.broadcast %scan3A_36 : vector<8x1xf32> to vector<8x256xf32>
      %sub3A_343 = arith.subf %get3A_334, %sub3A_342 : vector<8x256xf32>
      %sub3A_344 = vector.broadcast %scan3A_37 : vector<8x1xf32> to vector<8x256xf32>
      %sub3A_345 = arith.subf %get3A_339, %sub3A_344 : vector<8x256xf32>
      %mul3A_346 = arith.mulf %sub3A_341, %sub3A_341 : vector<8x256xf32>
      %mul3A_347 = arith.mulf %sub3A_345, %sub3A_345 : vector<8x256xf32>
      %add3A_348 = arith.addf %mul3A_346, %mul3A_347 : vector<8x256xf32>
      %mul3A_349 = arith.mulf %sub3A_343, %sub3A_343 : vector<8x256xf32>
      %add3A_350 = arith.addf %add3A_348, %mul3A_349 : vector<8x256xf32>
      %get3A_351 = arith.constant 0 : index
      %get3A_352 = arith.constant 1536 : index
      %get3A_353 = vector.load %arg3[%get3A_351, %get3A_352] : memref<8x16384xf32, #tpu.memory_space<vmem>>, vector<8x256xf32>
      %min3A_354 = arith.minimumf %get3A_353, %add3A_350 : vector<8x256xf32>
      %swap3A_355 = arith.constant 0 : index
      %swap3A_356 = arith.constant 1536 : index
      %swap3A_357 = vector.load %arg3[%swap3A_355, %swap3A_356] : memref<8x16384xf32, #tpu.memory_space<vmem>>, vector<8x256xf32>
      tpu.vector_store %arg3[%swap3A_355, %swap3A_356], %min3A_354 {strides = array<i32>} : memref<8x16384xf32, #tpu.memory_space<vmem>>, vector<8x256xf32>,
      %gt3A_358 = arith.cmpf ogt, %min3A_354, %max3A_318 : vector<8x256xf32>
      %max3A_359 = arith.maximumf %max3A_318, %min3A_354 : vector<8x256xf32>
      %jit3A_360 = arith.constant 6 : i32
      %broadcast_in_dim3A_361 = vector.broadcast %jit3A_360 : i32 to vector<8x256xi32>
      %select_n3A_362 = arith.select %gt3A_358, %broadcast_in_dim3A_361, %select_n3A_321 : vector<8x256xi1>, vector<8x256xi32>
      %select_n3A_363 = arith.select %gt3A_358, %get3A_329, %select_n3A_322 : vector<8x256xi1>, vector<8x256xf32>
      %select_n3A_364 = arith.select %gt3A_358, %get3A_334, %select_n3A_323 : vector<8x256xi1>, vector<8x256xf32>
      %select_n3A_365 = arith.select %gt3A_358, %get3A_339, %select_n3A_324 : vector<8x256xi1>, vector<8x256xf32>
      %get3A_366 = arith.constant 0 : index
      %get3A_367 = arith.constant 0 : index
      %get3A_368 = arith.constant 1792 : index
      %get3A_369 = vector.load %arg1[%get3A_366, %get3A_367, %get3A_368] : memref<3x8x16384xf32, #tpu.memory_space<vmem>>, vector<1x8x256xf32>
      %get3A_370 = vector.shape_cast %get3A_369 : vector<1x8x256xf32> to vector<8x256xf32>
      %get3A_371 = arith.constant 1 : index
      %get3A_372 = arith.constant 0 : index
      %get3A_373 = arith.constant 1792 : index
      %get3A_374 = vector.load %arg1[%get3A_371, %get3A_372, %get3A_373] : memref<3x8x16384xf32, #tpu.memory_space<vmem>>, vector<1x8x256xf32>
      %get3A_375 = vector.shape_cast %get3A_374 : vector<1x8x256xf32> to vector<8x256xf32>
      %get3A_376 = arith.constant 2 : index
      %get3A_377 = arith.constant 0 : index
      %get3A_378 = arith.constant 1792 : index
      %get3A_379 = vector.load %arg1[%get3A_376, %get3A_377, %get3A_378] : memref<3x8x16384xf32, #tpu.memory_space<vmem>>, vector<1x8x256xf32>
      %get3A_380 = vector.shape_cast %get3A_379 : vector<1x8x256xf32> to vector<8x256xf32>
      %sub3A_381 = vector.broadcast %scan3A_35 : vector<8x1xf32> to vector<8x256xf32>
      %sub3A_382 = arith.subf %get3A_370, %sub3A_381 : vector<8x256xf32>
      %sub3A_383 = vector.broadcast %scan3A_36 : vector<8x1xf32> to vector<8x256xf32>
      %sub3A_384 = arith.subf %get3A_375, %sub3A_383 : vector<8x256xf32>
      %sub3A_385 = vector.broadcast %scan3A_37 : vector<8x1xf32> to vector<8x256xf32>
      %sub3A_386 = arith.subf %get3A_380, %sub3A_385 : vector<8x256xf32>
      %mul3A_387 = arith.mulf %sub3A_382, %sub3A_382 : vector<8x256xf32>
      %mul3A_388 = arith.mulf %sub3A_386, %sub3A_386 : vector<8x256xf32>
      %add3A_389 = arith.addf %mul3A_387, %mul3A_388 : vector<8x256xf32>
      %mul3A_390 = arith.mulf %sub3A_384, %sub3A_384 : vector<8x256xf32>
      %add3A_391 = arith.addf %add3A_389, %mul3A_390 : vector<8x256xf32>
      %get3A_392 = arith.constant 0 : index
      %get3A_393 = arith.constant 1792 : index
      %get3A_394 = vector.load %arg3[%get3A_392, %get3A_393] : memref<8x16384xf32, #tpu.memory_space<vmem>>, vector<8x256xf32>
      %min3A_395 = arith.minimumf %get3A_394, %add3A_391 : vector<8x256xf32>
      %swap3A_396 = arith.constant 0 : index
      %swap3A_397 = arith.constant 1792 : index
      %swap3A_398 = vector.load %arg3[%swap3A_396, %swap3A_397] : memref<8x16384xf32, #tpu.memory_space<vmem>>, vector<8x256xf32>
      tpu.vector_store %arg3[%swap3A_396, %swap3A_397], %min3A_395 {strides = array<i32>} : memref<8x16384xf32, #tpu.memory_space<vmem>>, vector<8x256xf32>,
      %gt3A_399 = arith.cmpf ogt, %min3A_395, %max3A_359 : vector<8x256xf32>
      %max3A_400 = arith.maximumf %max3A_359, %min3A_395 : vector<8x256xf32>
      %jit3A_401 = arith.constant 7 : i32
      %broadcast_in_dim3A_402 = vector.broadcast %jit3A_401 : i32 to vector<8x256xi32>
      %select_n3A_403 = arith.select %gt3A_399, %broadcast_in_dim3A_402, %select_n3A_362 : vector<8x256xi1>, vector<8x256xi32>
      %select_n3A_404 = arith.select %gt3A_399, %get3A_370, %select_n3A_363 : vector<8x256xi1>, vector<8x256xf32>
      %select_n3A_405 = arith.select %gt3A_399, %get3A_375, %select_n3A_364 : vector<8x256xi1>, vector<8x256xf32>
      %select_n3A_406 = arith.select %gt3A_399, %get3A_380, %select_n3A_365 : vector<8x256xi1>, vector<8x256xf32>
      %get3A_407 = arith.constant 0 : index
      %get3A_408 = arith.constant 0 : index
      %get3A_409 = arith.constant 2048 : index
      %get3A_410 = vector.load %arg1[%get3A_407, %get3A_408, %get3A_409] : memref<3x8x16384xf32, #tpu.memory_space<vmem>>, vector<1x8x256xf32>
      %get3A_411 = vector.shape_cast %get3A_410 : vector<1x8x256xf32> to vector<8x256xf32>
      %get3A_412 = arith.constant 1 : index
      %get3A_413 = arith.constant 0 : index
      %get3A_414 = arith.constant 2048 : index
      %get3A_415 = vector.load %arg1[%get3A_412, %get3A_413, %get3A_414] : memref<3x8x16384xf32, #tpu.memory_space<vmem>>, vector<1x8x256xf32>
      %get3A_416 = vector.shape_cast %get3A_415 : vector<1x8x256xf32> to vector<8x256xf32>
      %get3A_417 = arith.constant 2 : index
      %get3A_418 = arith.constant 0 : index
      %get3A_419 = arith.constant 2048 : index
      %get3A_420 = vector.load %arg1[%get3A_417, %get3A_418, %get3A_419] : memref<3x8x16384xf32, #tpu.memory_space<vmem>>, vector<1x8x256xf32>
      %get3A_421 = vector.shape_cast %get3A_420 : vector<1x8x256xf32> to vector<8x256xf32>
      %sub3A_422 = vector.broadcast %scan3A_35 : vector<8x1xf32> to vector<8x256xf32>
      %sub3A_423 = arith.subf %get3A_411, %sub3A_422 : vector<8x256xf32>
      %sub3A_424 = vector.broadcast %scan3A_36 : vector<8x1xf32> to vector<8x256xf32>
      %sub3A_425 = arith.subf %get3A_416, %sub3A_424 : vector<8x256xf32>
      %sub3A_426 = vector.broadcast %scan3A_37 : vector<8x1xf32> to vector<8x256xf32>
      %sub3A_427 = arith.subf %get3A_421, %sub3A_426 : vector<8x256xf32>
      %mul3A_428 = arith.mulf %sub3A_423, %sub3A_423 : vector<8x256xf32>
      %mul3A_429 = arith.mulf %sub3A_427, %sub3A_427 : vector<8x256xf32>
      %add3A_430 = arith.addf %mul3A_428, %mul3A_429 : vector<8x256xf32>
      %mul3A_431 = arith.mulf %sub3A_425, %sub3A_425 : vector<8x256xf32>
      %add3A_432 = arith.addf %add3A_430, %mul3A_431 : vector<8x256xf32>
      %get3A_433 = arith.constant 0 : index
      %get3A_434 = arith.constant 2048 : index
      %get3A_435 = vector.load %arg3[%get3A_433, %get3A_434] : memref<8x16384xf32, #tpu.memory_space<vmem>>, vector<8x256xf32>
      %min3A_436 = arith.minimumf %get3A_435, %add3A_432 : vector<8x256xf32>
      %swap3A_437 = arith.constant 0 : index
      %swap3A_438 = arith.constant 2048 : index
      %swap3A_439 = vector.load %arg3[%swap3A_437, %swap3A_438] : memref<8x16384xf32, #tpu.memory_space<vmem>>, vector<8x256xf32>
      tpu.vector_store %arg3[%swap3A_437, %swap3A_438], %min3A_436 {strides = array<i32>} : memref<8x16384xf32, #tpu.memory_space<vmem>>, vector<8x256xf32>,
      %gt3A_440 = arith.cmpf ogt, %min3A_436, %max3A_400 : vector<8x256xf32>
      %max3A_441 = arith.maximumf %max3A_400, %min3A_436 : vector<8x256xf32>
      %jit3A_442 = arith.constant 8 : i32
      %broadcast_in_dim3A_443 = vector.broadcast %jit3A_442 : i32 to vector<8x256xi32>
      %select_n3A_444 = arith.select %gt3A_440, %broadcast_in_dim3A_443, %select_n3A_403 : vector<8x256xi1>, vector<8x256xi32>
      %select_n3A_445 = arith.select %gt3A_440, %get3A_411, %select_n3A_404 : vector<8x256xi1>, vector<8x256xf32>
      %select_n3A_446 = arith.select %gt3A_440, %get3A_416, %select_n3A_405 : vector<8x256xi1>, vector<8x256xf32>
      %select_n3A_447 = arith.select %gt3A_440, %get3A_421, %select_n3A_406 : vector<8x256xi1>, vector<8x256xf32>
      %get3A_448 = arith.constant 0 : index
      %get3A_449 = arith.constant 0 : index
      %get3A_450 = arith.constant 2304 : index
      %get3A_451 = vector.load %arg1[%get3A_448, %get3A_449, %get3A_450] : memref<3x8x16384xf32, #tpu.memory_space<vmem>>, vector<1x8x256xf32>
      %get3A_452 = vector.shape_cast %get3A_451 : vector<1x8x256xf32> to vector<8x256xf32>
      %get3A_453 = arith.constant 1 : index
      %get3A_454 = arith.constant 0 : index
      %get3A_455 = arith.constant 2304 : index
      %get3A_456 = vector.load %arg1[%get3A_453, %get3A_454, %get3A_455] : memref<3x8x16384xf32, #tpu.memory_space<vmem>>, vector<1x8x256xf32>
      %get3A_457 = vector.shape_cast %get3A_456 : vector<1x8x256xf32> to vector<8x256xf32>
      %get3A_458 = arith.constant 2 : index
      %get3A_459 = arith.constant 0 : index
      %get3A_460 = arith.constant 2304 : index
      %get3A_461 = vector.load %arg1[%get3A_458, %get3A_459, %get3A_460] : memref<3x8x16384xf32, #tpu.memory_space<vmem>>, vector<1x8x256xf32>
      %get3A_462 = vector.shape_cast %get3A_461 : vector<1x8x256xf32> to vector<8x256xf32>
      %sub3A_463 = vector.broadcast %scan3A_35 : vector<8x1xf32> to vector<8x256xf32>
      %sub3A_464 = arith.subf %get3A_452, %sub3A_463 : vector<8x256xf32>
      %sub3A_465 = vector.broadcast %scan3A_36 : vector<8x1xf32> to vector<8x256xf32>
      %sub3A_466 = arith.subf %get3A_457, %sub3A_465 : vector<8x256xf32>
      %sub3A_467 = vector.broadcast %scan3A_37 : vector<8x1xf32> to vector<8x256xf32>
      %sub3A_468 = arith.subf %get3A_462, %sub3A_467 : vector<8x256xf32>
      %mul3A_469 = arith.mulf %sub3A_464, %sub3A_464 : vector<8x256xf32>
      %mul3A_470 = arith.mulf %sub3A_468, %sub3A_468 : vector<8x256xf32>
      %add3A_471 = arith.addf %mul3A_469, %mul3A_470 : vector<8x256xf32>
      %mul3A_472 = arith.mulf %sub3A_466, %sub3A_466 : vector<8x256xf32>
      %add3A_473 = arith.addf %add3A_471, %mul3A_472 : vector<8x256xf32>
      %get3A_474 = arith.constant 0 : index
      %get3A_475 = arith.constant 2304 : index
      %get3A_476 = vector.load %arg3[%get3A_474, %get3A_475] : memref<8x16384xf32, #tpu.memory_space<vmem>>, vector<8x256xf32>
      %min3A_477 = arith.minimumf %get3A_476, %add3A_473 : vector<8x256xf32>
      %swap3A_478 = arith.constant 0 : index
      %swap3A_479 = arith.constant 2304 : index
      %swap3A_480 = vector.load %arg3[%swap3A_478, %swap3A_479] : memref<8x16384xf32, #tpu.memory_space<vmem>>, vector<8x256xf32>
      tpu.vector_store %arg3[%swap3A_478, %swap3A_479], %min3A_477 {strides = array<i32>} : memref<8x16384xf32, #tpu.memory_space<vmem>>, vector<8x256xf32>,
      %gt3A_481 = arith.cmpf ogt, %min3A_477, %max3A_441 : vector<8x256xf32>
      %max3A_482 = arith.maximumf %max3A_441, %min3A_477 : vector<8x256xf32>
      %jit3A_483 = arith.constant 9 : i32
      %broadcast_in_dim3A_484 = vector.broadcast %jit3A_483 : i32 to vector<8x256xi32>
      %select_n3A_485 = arith.select %gt3A_481, %broadcast_in_dim3A_484, %select_n3A_444 : vector<8x256xi1>, vector<8x256xi32>
      %select_n3A_486 = arith.select %gt3A_481, %get3A_452, %select_n3A_445 : vector<8x256xi1>, vector<8x256xf32>
      %select_n3A_487 = arith.select %gt3A_481, %get3A_457, %select_n3A_446 : vector<8x256xi1>, vector<8x256xf32>
      %select_n3A_488 = arith.select %gt3A_481, %get3A_462, %select_n3A_447 : vector<8x256xi1>, vector<8x256xf32>
      %get3A_489 = arith.constant 0 : index
      %get3A_490 = arith.constant 0 : index
      %get3A_491 = arith.constant 2560 : index
      %get3A_492 = vector.load %arg1[%get3A_489, %get3A_490, %get3A_491] : memref<3x8x16384xf32, #tpu.memory_space<vmem>>, vector<1x8x256xf32>
      %get3A_493 = vector.shape_cast %get3A_492 : vector<1x8x256xf32> to vector<8x256xf32>
      %get3A_494 = arith.constant 1 : index
      %get3A_495 = arith.constant 0 : index
      %get3A_496 = arith.constant 2560 : index
      %get3A_497 = vector.load %arg1[%get3A_494, %get3A_495, %get3A_496] : memref<3x8x16384xf32, #tpu.memory_space<vmem>>, vector<1x8x256xf32>
      %get3A_498 = vector.shape_cast %get3A_497 : vector<1x8x256xf32> to vector<8x256xf32>
      %get3A_499 = arith.constant 2 : index
      %get3A_500 = arith.constant 0 : index
      %get3A_501 = arith.constant 2560 : index
      %get3A_502 = vector.load %arg1[%get3A_499, %get3A_500, %get3A_501] : memref<3x8x16384xf32, #tpu.memory_space<vmem>>, vector<1x8x256xf32>
      %get3A_503 = vector.shape_cast %get3A_502 : vector<1x8x256xf32> to vector<8x256xf32>
      %sub3A_504 = vector.broadcast %scan3A_35 : vector<8x1xf32> to vector<8x256xf32>
      %sub3A_505 = arith.subf %get3A_493, %sub3A_504 : vector<8x256xf32>
      %sub3A_506 = vector.broadcast %scan3A_36 : vector<8x1xf32> to vector<8x256xf32>
      %sub3A_507 = arith.subf %get3A_498, %sub3A_506 : vector<8x256xf32>
      %sub3A_508 = vector.broadcast %scan3A_37 : vector<8x1xf32> to vector<8x256xf32>
      %sub3A_509 = arith.subf %get3A_503, %sub3A_508 : vector<8x256xf32>
      %mul3A_510 = arith.mulf %sub3A_505, %sub3A_505 : vector<8x256xf32>
      %mul3A_511 = arith.mulf %sub3A_509, %sub3A_509 : vector<8x256xf32>
      %add3A_512 = arith.addf %mul3A_510, %mul3A_511 : vector<8x256xf32>
      %mul3A_513 = arith.mulf %sub3A_507, %sub3A_507 : vector<8x256xf32>
      %add3A_514 = arith.addf %add3A_512, %mul3A_513 : vector<8x256xf32>
      %get3A_515 = arith.constant 0 : index
      %get3A_516 = arith.constant 2560 : index
      %get3A_517 = vector.load %arg3[%get3A_515, %get3A_516] : memref<8x16384xf32, #tpu.memory_space<vmem>>, vector<8x256xf32>
      %min3A_518 = arith.minimumf %get3A_517, %add3A_514 : vector<8x256xf32>
      %swap3A_519 = arith.constant 0 : index
      %swap3A_520 = arith.constant 2560 : index
      %swap3A_521 = vector.load %arg3[%swap3A_519, %swap3A_520] : memref<8x16384xf32, #tpu.memory_space<vmem>>, vector<8x256xf32>
      tpu.vector_store %arg3[%swap3A_519, %swap3A_520], %min3A_518 {strides = array<i32>} : memref<8x16384xf32, #tpu.memory_space<vmem>>, vector<8x256xf32>,
      %gt3A_522 = arith.cmpf ogt, %min3A_518, %max3A_482 : vector<8x256xf32>
      %max3A_523 = arith.maximumf %max3A_482, %min3A_518 : vector<8x256xf32>
      %jit3A_524 = arith.constant 10 : i32
      %broadcast_in_dim3A_525 = vector.broadcast %jit3A_524 : i32 to vector<8x256xi32>
      %select_n3A_526 = arith.select %gt3A_522, %broadcast_in_dim3A_525, %select_n3A_485 : vector<8x256xi1>, vector<8x256xi32>
      %select_n3A_527 = arith.select %gt3A_522, %get3A_493, %select_n3A_486 : vector<8x256xi1>, vector<8x256xf32>
      %select_n3A_528 = arith.select %gt3A_522, %get3A_498, %select_n3A_487 : vector<8x256xi1>, vector<8x256xf32>
      %select_n3A_529 = arith.select %gt3A_522, %get3A_503, %select_n3A_488 : vector<8x256xi1>, vector<8x256xf32>
      %get3A_530 = arith.constant 0 : index
      %get3A_531 = arith.constant 0 : index
      %get3A_532 = arith.constant 2816 : index
      %get3A_533 = vector.load %arg1[%get3A_530, %get3A_531, %get3A_532] : memref<3x8x16384xf32, #tpu.memory_space<vmem>>, vector<1x8x256xf32>
      %get3A_534 = vector.shape_cast %get3A_533 : vector<1x8x256xf32> to vector<8x256xf32>
      %get3A_535 = arith.constant 1 : index
      %get3A_536 = arith.constant 0 : index
      %get3A_537 = arith.constant 2816 : index
      %get3A_538 = vector.load %arg1[%get3A_535, %get3A_536, %get3A_537] : memref<3x8x16384xf32, #tpu.memory_space<vmem>>, vector<1x8x256xf32>
      %get3A_539 = vector.shape_cast %get3A_538 : vector<1x8x256xf32> to vector<8x256xf32>
      %get3A_540 = arith.constant 2 : index
      %get3A_541 = arith.constant 0 : index
      %get3A_542 = arith.constant 2816 : index
      %get3A_543 = vector.load %arg1[%get3A_540, %get3A_541, %get3A_542] : memref<3x8x16384xf32, #tpu.memory_space<vmem>>, vector<1x8x256xf32>
      %get3A_544 = vector.shape_cast %get3A_543 : vector<1x8x256xf32> to vector<8x256xf32>
      %sub3A_545 = vector.broadcast %scan3A_35 : vector<8x1xf32> to vector<8x256xf32>
      %sub3A_546 = arith.subf %get3A_534, %sub3A_545 : vector<8x256xf32>
      %sub3A_547 = vector.broadcast %scan3A_36 : vector<8x1xf32> to vector<8x256xf32>
      %sub3A_548 = arith.subf %get3A_539, %sub3A_547 : vector<8x256xf32>
      %sub3A_549 = vector.broadcast %scan3A_37 : vector<8x1xf32> to vector<8x256xf32>
      %sub3A_550 = arith.subf %get3A_544, %sub3A_549 : vector<8x256xf32>
      %mul3A_551 = arith.mulf %sub3A_546, %sub3A_546 : vector<8x256xf32>
      %mul3A_552 = arith.mulf %sub3A_550, %sub3A_550 : vector<8x256xf32>
      %add3A_553 = arith.addf %mul3A_551, %mul3A_552 : vector<8x256xf32>
      %mul3A_554 = arith.mulf %sub3A_548, %sub3A_548 : vector<8x256xf32>
      %add3A_555 = arith.addf %add3A_553, %mul3A_554 : vector<8x256xf32>
      %get3A_556 = arith.constant 0 : index
      %get3A_557 = arith.constant 2816 : index
      %get3A_558 = vector.load %arg3[%get3A_556, %get3A_557] : memref<8x16384xf32, #tpu.memory_space<vmem>>, vector<8x256xf32>
      %min3A_559 = arith.minimumf %get3A_558, %add3A_555 : vector<8x256xf32>
      %swap3A_560 = arith.constant 0 : index
      %swap3A_561 = arith.constant 2816 : index
      %swap3A_562 = vector.load %arg3[%swap3A_560, %swap3A_561] : memref<8x16384xf32, #tpu.memory_space<vmem>>, vector<8x256xf32>
      tpu.vector_store %arg3[%swap3A_560, %swap3A_561], %min3A_559 {strides = array<i32>} : memref<8x16384xf32, #tpu.memory_space<vmem>>, vector<8x256xf32>,
      %gt3A_563 = arith.cmpf ogt, %min3A_559, %max3A_523 : vector<8x256xf32>
      %max3A_564 = arith.maximumf %max3A_523, %min3A_559 : vector<8x256xf32>
      %jit3A_565 = arith.constant 11 : i32
      %broadcast_in_dim3A_566 = vector.broadcast %jit3A_565 : i32 to vector<8x256xi32>
      %select_n3A_567 = arith.select %gt3A_563, %broadcast_in_dim3A_566, %select_n3A_526 : vector<8x256xi1>, vector<8x256xi32>
      %select_n3A_568 = arith.select %gt3A_563, %get3A_534, %select_n3A_527 : vector<8x256xi1>, vector<8x256xf32>
      %select_n3A_569 = arith.select %gt3A_563, %get3A_539, %select_n3A_528 : vector<8x256xi1>, vector<8x256xf32>
      %select_n3A_570 = arith.select %gt3A_563, %get3A_544, %select_n3A_529 : vector<8x256xi1>, vector<8x256xf32>
      %get3A_571 = arith.constant 0 : index
      %get3A_572 = arith.constant 0 : index
      %get3A_573 = arith.constant 3072 : index
      %get3A_574 = vector.load %arg1[%get3A_571, %get3A_572, %get3A_573] : memref<3x8x16384xf32, #tpu.memory_space<vmem>>, vector<1x8x256xf32>
      %get3A_575 = vector.shape_cast %get3A_574 : vector<1x8x256xf32> to vector<8x256xf32>
      %get3A_576 = arith.constant 1 : index
      %get3A_577 = arith.constant 0 : index
      %get3A_578 = arith.constant 3072 : index
      %get3A_579 = vector.load %arg1[%get3A_576, %get3A_577, %get3A_578] : memref<3x8x16384xf32, #tpu.memory_space<vmem>>, vector<1x8x256xf32>
      %get3A_580 = vector.shape_cast %get3A_579 : vector<1x8x256xf32> to vector<8x256xf32>
      %get3A_581 = arith.constant 2 : index
      %get3A_582 = arith.constant 0 : index
      %get3A_583 = arith.constant 3072 : index
      %get3A_584 = vector.load %arg1[%get3A_581, %get3A_582, %get3A_583] : memref<3x8x16384xf32, #tpu.memory_space<vmem>>, vector<1x8x256xf32>
      %get3A_585 = vector.shape_cast %get3A_584 : vector<1x8x256xf32> to vector<8x256xf32>
      %sub3A_586 = vector.broadcast %scan3A_35 : vector<8x1xf32> to vector<8x256xf32>
      %sub3A_587 = arith.subf %get3A_575, %sub3A_586 : vector<8x256xf32>
      %sub3A_588 = vector.broadcast %scan3A_36 : vector<8x1xf32> to vector<8x256xf32>
      %sub3A_589 = arith.subf %get3A_580, %sub3A_588 : vector<8x256xf32>
      %sub3A_590 = vector.broadcast %scan3A_37 : vector<8x1xf32> to vector<8x256xf32>
      %sub3A_591 = arith.subf %get3A_585, %sub3A_590 : vector<8x256xf32>
      %mul3A_592 = arith.mulf %sub3A_587, %sub3A_587 : vector<8x256xf32>
      %mul3A_593 = arith.mulf %sub3A_591, %sub3A_591 : vector<8x256xf32>
      %add3A_594 = arith.addf %mul3A_592, %mul3A_593 : vector<8x256xf32>
      %mul3A_595 = arith.mulf %sub3A_589, %sub3A_589 : vector<8x256xf32>
      %add3A_596 = arith.addf %add3A_594, %mul3A_595 : vector<8x256xf32>
      %get3A_597 = arith.constant 0 : index
      %get3A_598 = arith.constant 3072 : index
      %get3A_599 = vector.load %arg3[%get3A_597, %get3A_598] : memref<8x16384xf32, #tpu.memory_space<vmem>>, vector<8x256xf32>
      %min3A_600 = arith.minimumf %get3A_599, %add3A_596 : vector<8x256xf32>
      %swap3A_601 = arith.constant 0 : index
      %swap3A_602 = arith.constant 3072 : index
      %swap3A_603 = vector.load %arg3[%swap3A_601, %swap3A_602] : memref<8x16384xf32, #tpu.memory_space<vmem>>, vector<8x256xf32>
      tpu.vector_store %arg3[%swap3A_601, %swap3A_602], %min3A_600 {strides = array<i32>} : memref<8x16384xf32, #tpu.memory_space<vmem>>, vector<8x256xf32>,
      %gt3A_604 = arith.cmpf ogt, %min3A_600, %max3A_564 : vector<8x256xf32>
      %max3A_605 = arith.maximumf %max3A_564, %min3A_600 : vector<8x256xf32>
      %jit3A_606 = arith.constant 12 : i32
      %broadcast_in_dim3A_607 = vector.broadcast %jit3A_606 : i32 to vector<8x256xi32>
      %select_n3A_608 = arith.select %gt3A_604, %broadcast_in_dim3A_607, %select_n3A_567 : vector<8x256xi1>, vector<8x256xi32>
      %select_n3A_609 = arith.select %gt3A_604, %get3A_575, %select_n3A_568 : vector<8x256xi1>, vector<8x256xf32>
      %select_n3A_610 = arith.select %gt3A_604, %get3A_580, %select_n3A_569 : vector<8x256xi1>, vector<8x256xf32>
      %select_n3A_611 = arith.select %gt3A_604, %get3A_585, %select_n3A_570 : vector<8x256xi1>, vector<8x256xf32>
      %get3A_612 = arith.constant 0 : index
      %get3A_613 = arith.constant 0 : index
      %get3A_614 = arith.constant 3328 : index
      %get3A_615 = vector.load %arg1[%get3A_612, %get3A_613, %get3A_614] : memref<3x8x16384xf32, #tpu.memory_space<vmem>>, vector<1x8x256xf32>
      %get3A_616 = vector.shape_cast %get3A_615 : vector<1x8x256xf32> to vector<8x256xf32>
      %get3A_617 = arith.constant 1 : index
      %get3A_618 = arith.constant 0 : index
      %get3A_619 = arith.constant 3328 : index
      %get3A_620 = vector.load %arg1[%get3A_617, %get3A_618, %get3A_619] : memref<3x8x16384xf32, #tpu.memory_space<vmem>>, vector<1x8x256xf32>
      %get3A_621 = vector.shape_cast %get3A_620 : vector<1x8x256xf32> to vector<8x256xf32>
      %get3A_622 = arith.constant 2 : index
      %get3A_623 = arith.constant 0 : index
      %get3A_624 = arith.constant 3328 : index
      %get3A_625 = vector.load %arg1[%get3A_622, %get3A_623, %get3A_624] : memref<3x8x16384xf32, #tpu.memory_space<vmem>>, vector<1x8x256xf32>
      %get3A_626 = vector.shape_cast %get3A_625 : vector<1x8x256xf32> to vector<8x256xf32>
      %sub3A_627 = vector.broadcast %scan3A_35 : vector<8x1xf32> to vector<8x256xf32>
      %sub3A_628 = arith.subf %get3A_616, %sub3A_627 : vector<8x256xf32>
      %sub3A_629 = vector.broadcast %scan3A_36 : vector<8x1xf32> to vector<8x256xf32>
      %sub3A_630 = arith.subf %get3A_621, %sub3A_629 : vector<8x256xf32>
      %sub3A_631 = vector.broadcast %scan3A_37 : vector<8x1xf32> to vector<8x256xf32>
      %sub3A_632 = arith.subf %get3A_626, %sub3A_631 : vector<8x256xf32>
      %mul3A_633 = arith.mulf %sub3A_628, %sub3A_628 : vector<8x256xf32>
      %mul3A_634 = arith.mulf %sub3A_632, %sub3A_632 : vector<8x256xf32>
      %add3A_635 = arith.addf %mul3A_633, %mul3A_634 : vector<8x256xf32>
      %mul3A_636 = arith.mulf %sub3A_630, %sub3A_630 : vector<8x256xf32>
      %add3A_637 = arith.addf %add3A_635, %mul3A_636 : vector<8x256xf32>
      %get3A_638 = arith.constant 0 : index
      %get3A_639 = arith.constant 3328 : index
      %get3A_640 = vector.load %arg3[%get3A_638, %get3A_639] : memref<8x16384xf32, #tpu.memory_space<vmem>>, vector<8x256xf32>
      %min3A_641 = arith.minimumf %get3A_640, %add3A_637 : vector<8x256xf32>
      %swap3A_642 = arith.constant 0 : index
      %swap3A_643 = arith.constant 3328 : index
      %swap3A_644 = vector.load %arg3[%swap3A_642, %swap3A_643] : memref<8x16384xf32, #tpu.memory_space<vmem>>, vector<8x256xf32>
      tpu.vector_store %arg3[%swap3A_642, %swap3A_643], %min3A_641 {strides = array<i32>} : memref<8x16384xf32, #tpu.memory_space<vmem>>, vector<8x256xf32>,
      %gt3A_645 = arith.cmpf ogt, %min3A_641, %max3A_605 : vector<8x256xf32>
      %max3A_646 = arith.maximumf %max3A_605, %min3A_641 : vector<8x256xf32>
      %jit3A_647 = arith.constant 13 : i32
      %broadcast_in_dim3A_648 = vector.broadcast %jit3A_647 : i32 to vector<8x256xi32>
      %select_n3A_649 = arith.select %gt3A_645, %broadcast_in_dim3A_648, %select_n3A_608 : vector<8x256xi1>, vector<8x256xi32>
      %select_n3A_650 = arith.select %gt3A_645, %get3A_616, %select_n3A_609 : vector<8x256xi1>, vector<8x256xf32>
      %select_n3A_651 = arith.select %gt3A_645, %get3A_621, %select_n3A_610 : vector<8x256xi1>, vector<8x256xf32>
      %select_n3A_652 = arith.select %gt3A_645, %get3A_626, %select_n3A_611 : vector<8x256xi1>, vector<8x256xf32>
      %get3A_653 = arith.constant 0 : index
      %get3A_654 = arith.constant 0 : index
      %get3A_655 = arith.constant 3584 : index
      %get3A_656 = vector.load %arg1[%get3A_653, %get3A_654, %get3A_655] : memref<3x8x16384xf32, #tpu.memory_space<vmem>>, vector<1x8x256xf32>
      %get3A_657 = vector.shape_cast %get3A_656 : vector<1x8x256xf32> to vector<8x256xf32>
      %get3A_658 = arith.constant 1 : index
      %get3A_659 = arith.constant 0 : index
      %get3A_660 = arith.constant 3584 : index
      %get3A_661 = vector.load %arg1[%get3A_658, %get3A_659, %get3A_660] : memref<3x8x16384xf32, #tpu.memory_space<vmem>>, vector<1x8x256xf32>
      %get3A_662 = vector.shape_cast %get3A_661 : vector<1x8x256xf32> to vector<8x256xf32>
      %get3A_663 = arith.constant 2 : index
      %get3A_664 = arith.constant 0 : index
      %get3A_665 = arith.constant 3584 : index
      %get3A_666 = vector.load %arg1[%get3A_663, %get3A_664, %get3A_665] : memref<3x8x16384xf32, #tpu.memory_space<vmem>>, vector<1x8x256xf32>
      %get3A_667 = vector.shape_cast %get3A_666 : vector<1x8x256xf32> to vector<8x256xf32>
      %sub3A_668 = vector.broadcast %scan3A_35 : vector<8x1xf32> to vector<8x256xf32>
      %sub3A_669 = arith.subf %get3A_657, %sub3A_668 : vector<8x256xf32>
      %sub3A_670 = vector.broadcast %scan3A_36 : vector<8x1xf32> to vector<8x256xf32>
      %sub3A_671 = arith.subf %get3A_662, %sub3A_670 : vector<8x256xf32>
      %sub3A_672 = vector.broadcast %scan3A_37 : vector<8x1xf32> to vector<8x256xf32>
      %sub3A_673 = arith.subf %get3A_667, %sub3A_672 : vector<8x256xf32>
      %mul3A_674 = arith.mulf %sub3A_669, %sub3A_669 : vector<8x256xf32>
      %mul3A_675 = arith.mulf %sub3A_673, %sub3A_673 : vector<8x256xf32>
      %add3A_676 = arith.addf %mul3A_674, %mul3A_675 : vector<8x256xf32>
      %mul3A_677 = arith.mulf %sub3A_671, %sub3A_671 : vector<8x256xf32>
      %add3A_678 = arith.addf %add3A_676, %mul3A_677 : vector<8x256xf32>
      %get3A_679 = arith.constant 0 : index
      %get3A_680 = arith.constant 3584 : index
      %get3A_681 = vector.load %arg3[%get3A_679, %get3A_680] : memref<8x16384xf32, #tpu.memory_space<vmem>>, vector<8x256xf32>
      %min3A_682 = arith.minimumf %get3A_681, %add3A_678 : vector<8x256xf32>
      %swap3A_683 = arith.constant 0 : index
      %swap3A_684 = arith.constant 3584 : index
      %swap3A_685 = vector.load %arg3[%swap3A_683, %swap3A_684] : memref<8x16384xf32, #tpu.memory_space<vmem>>, vector<8x256xf32>
      tpu.vector_store %arg3[%swap3A_683, %swap3A_684], %min3A_682 {strides = array<i32>} : memref<8x16384xf32, #tpu.memory_space<vmem>>, vector<8x256xf32>,
      %gt3A_686 = arith.cmpf ogt, %min3A_682, %max3A_646 : vector<8x256xf32>
      %max3A_687 = arith.maximumf %max3A_646, %min3A_682 : vector<8x256xf32>
      %jit3A_688 = arith.constant 14 : i32
      %broadcast_in_dim3A_689 = vector.broadcast %jit3A_688 : i32 to vector<8x256xi32>
      %select_n3A_690 = arith.select %gt3A_686, %broadcast_in_dim3A_689, %select_n3A_649 : vector<8x256xi1>, vector<8x256xi32>
      %select_n3A_691 = arith.select %gt3A_686, %get3A_657, %select_n3A_650 : vector<8x256xi1>, vector<8x256xf32>
      %select_n3A_692 = arith.select %gt3A_686, %get3A_662, %select_n3A_651 : vector<8x256xi1>, vector<8x256xf32>
      %select_n3A_693 = arith.select %gt3A_686, %get3A_667, %select_n3A_652 : vector<8x256xi1>, vector<8x256xf32>
      %get3A_694 = arith.constant 0 : index
      %get3A_695 = arith.constant 0 : index
      %get3A_696 = arith.constant 3840 : index
      %get3A_697 = vector.load %arg1[%get3A_694, %get3A_695, %get3A_696] : memref<3x8x16384xf32, #tpu.memory_space<vmem>>, vector<1x8x256xf32>
      %get3A_698 = vector.shape_cast %get3A_697 : vector<1x8x256xf32> to vector<8x256xf32>
      %get3A_699 = arith.constant 1 : index
      %get3A_700 = arith.constant 0 : index
      %get3A_701 = arith.constant 3840 : index
      %get3A_702 = vector.load %arg1[%get3A_699, %get3A_700, %get3A_701] : memref<3x8x16384xf32, #tpu.memory_space<vmem>>, vector<1x8x256xf32>
      %get3A_703 = vector.shape_cast %get3A_702 : vector<1x8x256xf32> to vector<8x256xf32>
      %get3A_704 = arith.constant 2 : index
      %get3A_705 = arith.constant 0 : index
      %get3A_706 = arith.constant 3840 : index
      %get3A_707 = vector.load %arg1[%get3A_704, %get3A_705, %get3A_706] : memref<3x8x16384xf32, #tpu.memory_space<vmem>>, vector<1x8x256xf32>
      %get3A_708 = vector.shape_cast %get3A_707 : vector<1x8x256xf32> to vector<8x256xf32>
      %sub3A_709 = vector.broadcast %scan3A_35 : vector<8x1xf32> to vector<8x256xf32>
      %sub3A_710 = arith.subf %get3A_698, %sub3A_709 : vector<8x256xf32>
      %sub3A_711 = vector.broadcast %scan3A_36 : vector<8x1xf32> to vector<8x256xf32>
      %sub3A_712 = arith.subf %get3A_703, %sub3A_711 : vector<8x256xf32>
      %sub3A_713 = vector.broadcast %scan3A_37 : vector<8x1xf32> to vector<8x256xf32>
      %sub3A_714 = arith.subf %get3A_708, %sub3A_713 : vector<8x256xf32>
      %mul3A_715 = arith.mulf %sub3A_710, %sub3A_710 : vector<8x256xf32>
      %mul3A_716 = arith.mulf %sub3A_714, %sub3A_714 : vector<8x256xf32>
      %add3A_717 = arith.addf %mul3A_715, %mul3A_716 : vector<8x256xf32>
      %mul3A_718 = arith.mulf %sub3A_712, %sub3A_712 : vector<8x256xf32>
      %add3A_719 = arith.addf %add3A_717, %mul3A_718 : vector<8x256xf32>
      %get3A_720 = arith.constant 0 : index
      %get3A_721 = arith.constant 3840 : index
      %get3A_722 = vector.load %arg3[%get3A_720, %get3A_721] : memref<8x16384xf32, #tpu.memory_space<vmem>>, vector<8x256xf32>
      %min3A_723 = arith.minimumf %get3A_722, %add3A_719 : vector<8x256xf32>
      %swap3A_724 = arith.constant 0 : index
      %swap3A_725 = arith.constant 3840 : index
      %swap3A_726 = vector.load %arg3[%swap3A_724, %swap3A_725] : memref<8x16384xf32, #tpu.memory_space<vmem>>, vector<8x256xf32>
      tpu.vector_store %arg3[%swap3A_724, %swap3A_725], %min3A_723 {strides = array<i32>} : memref<8x16384xf32, #tpu.memory_space<vmem>>, vector<8x256xf32>,
      %gt3A_727 = arith.cmpf ogt, %min3A_723, %max3A_687 : vector<8x256xf32>
      %max3A_728 = arith.maximumf %max3A_687, %min3A_723 : vector<8x256xf32>
      %jit3A_729 = arith.constant 15 : i32
      %broadcast_in_dim3A_730 = vector.broadcast %jit3A_729 : i32 to vector<8x256xi32>
      %select_n3A_731 = arith.select %gt3A_727, %broadcast_in_dim3A_730, %select_n3A_690 : vector<8x256xi1>, vector<8x256xi32>
      %select_n3A_732 = arith.select %gt3A_727, %get3A_698, %select_n3A_691 : vector<8x256xi1>, vector<8x256xf32>
      %select_n3A_733 = arith.select %gt3A_727, %get3A_703, %select_n3A_692 : vector<8x256xi1>, vector<8x256xf32>
      %select_n3A_734 = arith.select %gt3A_727, %get3A_708, %select_n3A_693 : vector<8x256xi1>, vector<8x256xf32>
      %get3A_735 = arith.constant 0 : index
      %get3A_736 = arith.constant 0 : index
      %get3A_737 = arith.constant 4096 : index
      %get3A_738 = vector.load %arg1[%get3A_735, %get3A_736, %get3A_737] : memref<3x8x16384xf32, #tpu.memory_space<vmem>>, vector<1x8x256xf32>
      %get3A_739 = vector.shape_cast %get3A_738 : vector<1x8x256xf32> to vector<8x256xf32>
      %get3A_740 = arith.constant 1 : index
      %get3A_741 = arith.constant 0 : index
      %get3A_742 = arith.constant 4096 : index
      %get3A_743 = vector.load %arg1[%get3A_740, %get3A_741, %get3A_742] : memref<3x8x16384xf32, #tpu.memory_space<vmem>>, vector<1x8x256xf32>
      %get3A_744 = vector.shape_cast %get3A_743 : vector<1x8x256xf32> to vector<8x256xf32>
      %get3A_745 = arith.constant 2 : index
      %get3A_746 = arith.constant 0 : index
      %get3A_747 = arith.constant 4096 : index
      %get3A_748 = vector.load %arg1[%get3A_745, %get3A_746, %get3A_747] : memref<3x8x16384xf32, #tpu.memory_space<vmem>>, vector<1x8x256xf32>
      %get3A_749 = vector.shape_cast %get3A_748 : vector<1x8x256xf32> to vector<8x256xf32>
      %sub3A_750 = vector.broadcast %scan3A_35 : vector<8x1xf32> to vector<8x256xf32>
      %sub3A_751 = arith.subf %get3A_739, %sub3A_750 : vector<8x256xf32>
      %sub3A_752 = vector.broadcast %scan3A_36 : vector<8x1xf32> to vector<8x256xf32>
      %sub3A_753 = arith.subf %get3A_744, %sub3A_752 : vector<8x256xf32>
      %sub3A_754 = vector.broadcast %scan3A_37 : vector<8x1xf32> to vector<8x256xf32>
      %sub3A_755 = arith.subf %get3A_749, %sub3A_754 : vector<8x256xf32>
      %mul3A_756 = arith.mulf %sub3A_751, %sub3A_751 : vector<8x256xf32>
      %mul3A_757 = arith.mulf %sub3A_755, %sub3A_755 : vector<8x256xf32>
      %add3A_758 = arith.addf %mul3A_756, %mul3A_757 : vector<8x256xf32>
      %mul3A_759 = arith.mulf %sub3A_753, %sub3A_753 : vector<8x256xf32>
      %add3A_760 = arith.addf %add3A_758, %mul3A_759 : vector<8x256xf32>
      %get3A_761 = arith.constant 0 : index
      %get3A_762 = arith.constant 4096 : index
      %get3A_763 = vector.load %arg3[%get3A_761, %get3A_762] : memref<8x16384xf32, #tpu.memory_space<vmem>>, vector<8x256xf32>
      %min3A_764 = arith.minimumf %get3A_763, %add3A_760 : vector<8x256xf32>
      %swap3A_765 = arith.constant 0 : index
      %swap3A_766 = arith.constant 4096 : index
      %swap3A_767 = vector.load %arg3[%swap3A_765, %swap3A_766] : memref<8x16384xf32, #tpu.memory_space<vmem>>, vector<8x256xf32>
      tpu.vector_store %arg3[%swap3A_765, %swap3A_766], %min3A_764 {strides = array<i32>} : memref<8x16384xf32, #tpu.memory_space<vmem>>, vector<8x256xf32>,
      %gt3A_768 = arith.cmpf ogt, %min3A_764, %max3A_728 : vector<8x256xf32>
      %max3A_769 = arith.maximumf %max3A_728, %min3A_764 : vector<8x256xf32>
      %jit3A_770 = arith.constant 16 : i32
      %broadcast_in_dim3A_771 = vector.broadcast %jit3A_770 : i32 to vector<8x256xi32>
      %select_n3A_772 = arith.select %gt3A_768, %broadcast_in_dim3A_771, %select_n3A_731 : vector<8x256xi1>, vector<8x256xi32>
      %select_n3A_773 = arith.select %gt3A_768, %get3A_739, %select_n3A_732 : vector<8x256xi1>, vector<8x256xf32>
      %select_n3A_774 = arith.select %gt3A_768, %get3A_744, %select_n3A_733 : vector<8x256xi1>, vector<8x256xf32>
      %select_n3A_775 = arith.select %gt3A_768, %get3A_749, %select_n3A_734 : vector<8x256xi1>, vector<8x256xf32>
      %get3A_776 = arith.constant 0 : index
      %get3A_777 = arith.constant 0 : index
      %get3A_778 = arith.constant 4352 : index
      %get3A_779 = vector.load %arg1[%get3A_776, %get3A_777, %get3A_778] : memref<3x8x16384xf32, #tpu.memory_space<vmem>>, vector<1x8x256xf32>
      %get3A_780 = vector.shape_cast %get3A_779 : vector<1x8x256xf32> to vector<8x256xf32>
      %get3A_781 = arith.constant 1 : index
      %get3A_782 = arith.constant 0 : index
      %get3A_783 = arith.constant 4352 : index
      %get3A_784 = vector.load %arg1[%get3A_781, %get3A_782, %get3A_783] : memref<3x8x16384xf32, #tpu.memory_space<vmem>>, vector<1x8x256xf32>
      %get3A_785 = vector.shape_cast %get3A_784 : vector<1x8x256xf32> to vector<8x256xf32>
      %get3A_786 = arith.constant 2 : index
      %get3A_787 = arith.constant 0 : index
      %get3A_788 = arith.constant 4352 : index
      %get3A_789 = vector.load %arg1[%get3A_786, %get3A_787, %get3A_788] : memref<3x8x16384xf32, #tpu.memory_space<vmem>>, vector<1x8x256xf32>
      %get3A_790 = vector.shape_cast %get3A_789 : vector<1x8x256xf32> to vector<8x256xf32>
      %sub3A_791 = vector.broadcast %scan3A_35 : vector<8x1xf32> to vector<8x256xf32>
      %sub3A_792 = arith.subf %get3A_780, %sub3A_791 : vector<8x256xf32>
      %sub3A_793 = vector.broadcast %scan3A_36 : vector<8x1xf32> to vector<8x256xf32>
      %sub3A_794 = arith.subf %get3A_785, %sub3A_793 : vector<8x256xf32>
      %sub3A_795 = vector.broadcast %scan3A_37 : vector<8x1xf32> to vector<8x256xf32>
      %sub3A_796 = arith.subf %get3A_790, %sub3A_795 : vector<8x256xf32>
      %mul3A_797 = arith.mulf %sub3A_792, %sub3A_792 : vector<8x256xf32>
      %mul3A_798 = arith.mulf %sub3A_796, %sub3A_796 : vector<8x256xf32>
      %add3A_799 = arith.addf %mul3A_797, %mul3A_798 : vector<8x256xf32>
      %mul3A_800 = arith.mulf %sub3A_794, %sub3A_794 : vector<8x256xf32>
      %add3A_801 = arith.addf %add3A_799, %mul3A_800 : vector<8x256xf32>
      %get3A_802 = arith.constant 0 : index
      %get3A_803 = arith.constant 4352 : index
      %get3A_804 = vector.load %arg3[%get3A_802, %get3A_803] : memref<8x16384xf32, #tpu.memory_space<vmem>>, vector<8x256xf32>
      %min3A_805 = arith.minimumf %get3A_804, %add3A_801 : vector<8x256xf32>
      %swap3A_806 = arith.constant 0 : index
      %swap3A_807 = arith.constant 4352 : index
      %swap3A_808 = vector.load %arg3[%swap3A_806, %swap3A_807] : memref<8x16384xf32, #tpu.memory_space<vmem>>, vector<8x256xf32>
      tpu.vector_store %arg3[%swap3A_806, %swap3A_807], %min3A_805 {strides = array<i32>} : memref<8x16384xf32, #tpu.memory_space<vmem>>, vector<8x256xf32>,
      %gt3A_809 = arith.cmpf ogt, %min3A_805, %max3A_769 : vector<8x256xf32>
      %max3A_810 = arith.maximumf %max3A_769, %min3A_805 : vector<8x256xf32>
      %jit3A_811 = arith.constant 17 : i32
      %broadcast_in_dim3A_812 = vector.broadcast %jit3A_811 : i32 to vector<8x256xi32>
      %select_n3A_813 = arith.select %gt3A_809, %broadcast_in_dim3A_812, %select_n3A_772 : vector<8x256xi1>, vector<8x256xi32>
      %select_n3A_814 = arith.select %gt3A_809, %get3A_780, %select_n3A_773 : vector<8x256xi1>, vector<8x256xf32>
      %select_n3A_815 = arith.select %gt3A_809, %get3A_785, %select_n3A_774 : vector<8x256xi1>, vector<8x256xf32>
      %select_n3A_816 = arith.select %gt3A_809, %get3A_790, %select_n3A_775 : vector<8x256xi1>, vector<8x256xf32>
      %get3A_817 = arith.constant 0 : index
      %get3A_818 = arith.constant 0 : index
      %get3A_819 = arith.constant 4608 : index
      %get3A_820 = vector.load %arg1[%get3A_817, %get3A_818, %get3A_819] : memref<3x8x16384xf32, #tpu.memory_space<vmem>>, vector<1x8x256xf32>
      %get3A_821 = vector.shape_cast %get3A_820 : vector<1x8x256xf32> to vector<8x256xf32>
      %get3A_822 = arith.constant 1 : index
      %get3A_823 = arith.constant 0 : index
      %get3A_824 = arith.constant 4608 : index
      %get3A_825 = vector.load %arg1[%get3A_822, %get3A_823, %get3A_824] : memref<3x8x16384xf32, #tpu.memory_space<vmem>>, vector<1x8x256xf32>
      %get3A_826 = vector.shape_cast %get3A_825 : vector<1x8x256xf32> to vector<8x256xf32>
      %get3A_827 = arith.constant 2 : index
      %get3A_828 = arith.constant 0 : index
      %get3A_829 = arith.constant 4608 : index
      %get3A_830 = vector.load %arg1[%get3A_827, %get3A_828, %get3A_829] : memref<3x8x16384xf32, #tpu.memory_space<vmem>>, vector<1x8x256xf32>
      %get3A_831 = vector.shape_cast %get3A_830 : vector<1x8x256xf32> to vector<8x256xf32>
      %sub3A_832 = vector.broadcast %scan3A_35 : vector<8x1xf32> to vector<8x256xf32>
      %sub3A_833 = arith.subf %get3A_821, %sub3A_832 : vector<8x256xf32>
      %sub3A_834 = vector.broadcast %scan3A_36 : vector<8x1xf32> to vector<8x256xf32>
      %sub3A_835 = arith.subf %get3A_826, %sub3A_834 : vector<8x256xf32>
      %sub3A_836 = vector.broadcast %scan3A_37 : vector<8x1xf32> to vector<8x256xf32>
      %sub3A_837 = arith.subf %get3A_831, %sub3A_836 : vector<8x256xf32>
      %mul3A_838 = arith.mulf %sub3A_833, %sub3A_833 : vector<8x256xf32>
      %mul3A_839 = arith.mulf %sub3A_837, %sub3A_837 : vector<8x256xf32>
      %add3A_840 = arith.addf %mul3A_838, %mul3A_839 : vector<8x256xf32>
      %mul3A_841 = arith.mulf %sub3A_835, %sub3A_835 : vector<8x256xf32>
      %add3A_842 = arith.addf %add3A_840, %mul3A_841 : vector<8x256xf32>
      %get3A_843 = arith.constant 0 : index
      %get3A_844 = arith.constant 4608 : index
      %get3A_845 = vector.load %arg3[%get3A_843, %get3A_844] : memref<8x16384xf32, #tpu.memory_space<vmem>>, vector<8x256xf32>
      %min3A_846 = arith.minimumf %get3A_845, %add3A_842 : vector<8x256xf32>
      %swap3A_847 = arith.constant 0 : index
      %swap3A_848 = arith.constant 4608 : index
      %swap3A_849 = vector.load %arg3[%swap3A_847, %swap3A_848] : memref<8x16384xf32, #tpu.memory_space<vmem>>, vector<8x256xf32>
      tpu.vector_store %arg3[%swap3A_847, %swap3A_848], %min3A_846 {strides = array<i32>} : memref<8x16384xf32, #tpu.memory_space<vmem>>, vector<8x256xf32>,
      %gt3A_850 = arith.cmpf ogt, %min3A_846, %max3A_810 : vector<8x256xf32>
      %max3A_851 = arith.maximumf %max3A_810, %min3A_846 : vector<8x256xf32>
      %jit3A_852 = arith.constant 18 : i32
      %broadcast_in_dim3A_853 = vector.broadcast %jit3A_852 : i32 to vector<8x256xi32>
      %select_n3A_854 = arith.select %gt3A_850, %broadcast_in_dim3A_853, %select_n3A_813 : vector<8x256xi1>, vector<8x256xi32>
      %select_n3A_855 = arith.select %gt3A_850, %get3A_821, %select_n3A_814 : vector<8x256xi1>, vector<8x256xf32>
      %select_n3A_856 = arith.select %gt3A_850, %get3A_826, %select_n3A_815 : vector<8x256xi1>, vector<8x256xf32>
      %select_n3A_857 = arith.select %gt3A_850, %get3A_831, %select_n3A_816 : vector<8x256xi1>, vector<8x256xf32>
      %get3A_858 = arith.constant 0 : index
      %get3A_859 = arith.constant 0 : index
      %get3A_860 = arith.constant 4864 : index
      %get3A_861 = vector.load %arg1[%get3A_858, %get3A_859, %get3A_860] : memref<3x8x16384xf32, #tpu.memory_space<vmem>>, vector<1x8x256xf32>
      %get3A_862 = vector.shape_cast %get3A_861 : vector<1x8x256xf32> to vector<8x256xf32>
      %get3A_863 = arith.constant 1 : index
      %get3A_864 = arith.constant 0 : index
      %get3A_865 = arith.constant 4864 : index
      %get3A_866 = vector.load %arg1[%get3A_863, %get3A_864, %get3A_865] : memref<3x8x16384xf32, #tpu.memory_space<vmem>>, vector<1x8x256xf32>
      %get3A_867 = vector.shape_cast %get3A_866 : vector<1x8x256xf32> to vector<8x256xf32>
      %get3A_868 = arith.constant 2 : index
      %get3A_869 = arith.constant 0 : index
      %get3A_870 = arith.constant 4864 : index
      %get3A_871 = vector.load %arg1[%get3A_868, %get3A_869, %get3A_870] : memref<3x8x16384xf32, #tpu.memory_space<vmem>>, vector<1x8x256xf32>
      %get3A_872 = vector.shape_cast %get3A_871 : vector<1x8x256xf32> to vector<8x256xf32>
      %sub3A_873 = vector.broadcast %scan3A_35 : vector<8x1xf32> to vector<8x256xf32>
      %sub3A_874 = arith.subf %get3A_862, %sub3A_873 : vector<8x256xf32>
      %sub3A_875 = vector.broadcast %scan3A_36 : vector<8x1xf32> to vector<8x256xf32>
      %sub3A_876 = arith.subf %get3A_867, %sub3A_875 : vector<8x256xf32>
      %sub3A_877 = vector.broadcast %scan3A_37 : vector<8x1xf32> to vector<8x256xf32>
      %sub3A_878 = arith.subf %get3A_872, %sub3A_877 : vector<8x256xf32>
      %mul3A_879 = arith.mulf %sub3A_874, %sub3A_874 : vector<8x256xf32>
      %mul3A_880 = arith.mulf %sub3A_878, %sub3A_878 : vector<8x256xf32>
      %add3A_881 = arith.addf %mul3A_879, %mul3A_880 : vector<8x256xf32>
      %mul3A_882 = arith.mulf %sub3A_876, %sub3A_876 : vector<8x256xf32>
      %add3A_883 = arith.addf %add3A_881, %mul3A_882 : vector<8x256xf32>
      %get3A_884 = arith.constant 0 : index
      %get3A_885 = arith.constant 4864 : index
      %get3A_886 = vector.load %arg3[%get3A_884, %get3A_885] : memref<8x16384xf32, #tpu.memory_space<vmem>>, vector<8x256xf32>
      %min3A_887 = arith.minimumf %get3A_886, %add3A_883 : vector<8x256xf32>
      %swap3A_888 = arith.constant 0 : index
      %swap3A_889 = arith.constant 4864 : index
      %swap3A_890 = vector.load %arg3[%swap3A_888, %swap3A_889] : memref<8x16384xf32, #tpu.memory_space<vmem>>, vector<8x256xf32>
      tpu.vector_store %arg3[%swap3A_888, %swap3A_889], %min3A_887 {strides = array<i32>} : memref<8x16384xf32, #tpu.memory_space<vmem>>, vector<8x256xf32>,
      %gt3A_891 = arith.cmpf ogt, %min3A_887, %max3A_851 : vector<8x256xf32>
      %max3A_892 = arith.maximumf %max3A_851, %min3A_887 : vector<8x256xf32>
      %jit3A_893 = arith.constant 19 : i32
      %broadcast_in_dim3A_894 = vector.broadcast %jit3A_893 : i32 to vector<8x256xi32>
      %select_n3A_895 = arith.select %gt3A_891, %broadcast_in_dim3A_894, %select_n3A_854 : vector<8x256xi1>, vector<8x256xi32>
      %select_n3A_896 = arith.select %gt3A_891, %get3A_862, %select_n3A_855 : vector<8x256xi1>, vector<8x256xf32>
      %select_n3A_897 = arith.select %gt3A_891, %get3A_867, %select_n3A_856 : vector<8x256xi1>, vector<8x256xf32>
      %select_n3A_898 = arith.select %gt3A_891, %get3A_872, %select_n3A_857 : vector<8x256xi1>, vector<8x256xf32>
      %get3A_899 = arith.constant 0 : index
      %get3A_900 = arith.constant 0 : index
      %get3A_901 = arith.constant 5120 : index
      %get3A_902 = vector.load %arg1[%get3A_899, %get3A_900, %get3A_901] : memref<3x8x16384xf32, #tpu.memory_space<vmem>>, vector<1x8x256xf32>
      %get3A_903 = vector.shape_cast %get3A_902 : vector<1x8x256xf32> to vector<8x256xf32>
      %get3A_904 = arith.constant 1 : index
      %get3A_905 = arith.constant 0 : index
      %get3A_906 = arith.constant 5120 : index
      %get3A_907 = vector.load %arg1[%get3A_904, %get3A_905, %get3A_906] : memref<3x8x16384xf32, #tpu.memory_space<vmem>>, vector<1x8x256xf32>
      %get3A_908 = vector.shape_cast %get3A_907 : vector<1x8x256xf32> to vector<8x256xf32>
      %get3A_909 = arith.constant 2 : index
      %get3A_910 = arith.constant 0 : index
      %get3A_911 = arith.constant 5120 : index
      %get3A_912 = vector.load %arg1[%get3A_909, %get3A_910, %get3A_911] : memref<3x8x16384xf32, #tpu.memory_space<vmem>>, vector<1x8x256xf32>
      %get3A_913 = vector.shape_cast %get3A_912 : vector<1x8x256xf32> to vector<8x256xf32>
      %sub3A_914 = vector.broadcast %scan3A_35 : vector<8x1xf32> to vector<8x256xf32>
      %sub3A_915 = arith.subf %get3A_903, %sub3A_914 : vector<8x256xf32>
      %sub3A_916 = vector.broadcast %scan3A_36 : vector<8x1xf32> to vector<8x256xf32>
      %sub3A_917 = arith.subf %get3A_908, %sub3A_916 : vector<8x256xf32>
      %sub3A_918 = vector.broadcast %scan3A_37 : vector<8x1xf32> to vector<8x256xf32>
      %sub3A_919 = arith.subf %get3A_913, %sub3A_918 : vector<8x256xf32>
      %mul3A_920 = arith.mulf %sub3A_915, %sub3A_915 : vector<8x256xf32>
      %mul3A_921 = arith.mulf %sub3A_919, %sub3A_919 : vector<8x256xf32>
      %add3A_922 = arith.addf %mul3A_920, %mul3A_921 : vector<8x256xf32>
      %mul3A_923 = arith.mulf %sub3A_917, %sub3A_917 : vector<8x256xf32>
      %add3A_924 = arith.addf %add3A_922, %mul3A_923 : vector<8x256xf32>
      %get3A_925 = arith.constant 0 : index
      %get3A_926 = arith.constant 5120 : index
      %get3A_927 = vector.load %arg3[%get3A_925, %get3A_926] : memref<8x16384xf32, #tpu.memory_space<vmem>>, vector<8x256xf32>
      %min3A_928 = arith.minimumf %get3A_927, %add3A_924 : vector<8x256xf32>
      %swap3A_929 = arith.constant 0 : index
      %swap3A_930 = arith.constant 5120 : index
      %swap3A_931 = vector.load %arg3[%swap3A_929, %swap3A_930] : memref<8x16384xf32, #tpu.memory_space<vmem>>, vector<8x256xf32>
      tpu.vector_store %arg3[%swap3A_929, %swap3A_930], %min3A_928 {strides = array<i32>} : memref<8x16384xf32, #tpu.memory_space<vmem>>, vector<8x256xf32>,
      %gt3A_932 = arith.cmpf ogt, %min3A_928, %max3A_892 : vector<8x256xf32>
      %max3A_933 = arith.maximumf %max3A_892, %min3A_928 : vector<8x256xf32>
      %jit3A_934 = arith.constant 20 : i32
      %broadcast_in_dim3A_935 = vector.broadcast %jit3A_934 : i32 to vector<8x256xi32>
      %select_n3A_936 = arith.select %gt3A_932, %broadcast_in_dim3A_935, %select_n3A_895 : vector<8x256xi1>, vector<8x256xi32>
      %select_n3A_937 = arith.select %gt3A_932, %get3A_903, %select_n3A_896 : vector<8x256xi1>, vector<8x256xf32>
      %select_n3A_938 = arith.select %gt3A_932, %get3A_908, %select_n3A_897 : vector<8x256xi1>, vector<8x256xf32>
      %select_n3A_939 = arith.select %gt3A_932, %get3A_913, %select_n3A_898 : vector<8x256xi1>, vector<8x256xf32>
      %get3A_940 = arith.constant 0 : index
      %get3A_941 = arith.constant 0 : index
      %get3A_942 = arith.constant 5376 : index
      %get3A_943 = vector.load %arg1[%get3A_940, %get3A_941, %get3A_942] : memref<3x8x16384xf32, #tpu.memory_space<vmem>>, vector<1x8x256xf32>
      %get3A_944 = vector.shape_cast %get3A_943 : vector<1x8x256xf32> to vector<8x256xf32>
      %get3A_945 = arith.constant 1 : index
      %get3A_946 = arith.constant 0 : index
      %get3A_947 = arith.constant 5376 : index
      %get3A_948 = vector.load %arg1[%get3A_945, %get3A_946, %get3A_947] : memref<3x8x16384xf32, #tpu.memory_space<vmem>>, vector<1x8x256xf32>
      %get3A_949 = vector.shape_cast %get3A_948 : vector<1x8x256xf32> to vector<8x256xf32>
      %get3A_950 = arith.constant 2 : index
      %get3A_951 = arith.constant 0 : index
      %get3A_952 = arith.constant 5376 : index
      %get3A_953 = vector.load %arg1[%get3A_950, %get3A_951, %get3A_952] : memref<3x8x16384xf32, #tpu.memory_space<vmem>>, vector<1x8x256xf32>
      %get3A_954 = vector.shape_cast %get3A_953 : vector<1x8x256xf32> to vector<8x256xf32>
      %sub3A_955 = vector.broadcast %scan3A_35 : vector<8x1xf32> to vector<8x256xf32>
      %sub3A_956 = arith.subf %get3A_944, %sub3A_955 : vector<8x256xf32>
      %sub3A_957 = vector.broadcast %scan3A_36 : vector<8x1xf32> to vector<8x256xf32>
      %sub3A_958 = arith.subf %get3A_949, %sub3A_957 : vector<8x256xf32>
      %sub3A_959 = vector.broadcast %scan3A_37 : vector<8x1xf32> to vector<8x256xf32>
      %sub3A_960 = arith.subf %get3A_954, %sub3A_959 : vector<8x256xf32>
      %mul3A_961 = arith.mulf %sub3A_956, %sub3A_956 : vector<8x256xf32>
      %mul3A_962 = arith.mulf %sub3A_960, %sub3A_960 : vector<8x256xf32>
      %add3A_963 = arith.addf %mul3A_961, %mul3A_962 : vector<8x256xf32>
      %mul3A_964 = arith.mulf %sub3A_958, %sub3A_958 : vector<8x256xf32>
      %add3A_965 = arith.addf %add3A_963, %mul3A_964 : vector<8x256xf32>
      %get3A_966 = arith.constant 0 : index
      %get3A_967 = arith.constant 5376 : index
      %get3A_968 = vector.load %arg3[%get3A_966, %get3A_967] : memref<8x16384xf32, #tpu.memory_space<vmem>>, vector<8x256xf32>
      %min3A_969 = arith.minimumf %get3A_968, %add3A_965 : vector<8x256xf32>
      %swap3A_970 = arith.constant 0 : index
      %swap3A_971 = arith.constant 5376 : index
      %swap3A_972 = vector.load %arg3[%swap3A_970, %swap3A_971] : memref<8x16384xf32, #tpu.memory_space<vmem>>, vector<8x256xf32>
      tpu.vector_store %arg3[%swap3A_970, %swap3A_971], %min3A_969 {strides = array<i32>} : memref<8x16384xf32, #tpu.memory_space<vmem>>, vector<8x256xf32>,
      %gt3A_973 = arith.cmpf ogt, %min3A_969, %max3A_933 : vector<8x256xf32>
      %max3A_974 = arith.maximumf %max3A_933, %min3A_969 : vector<8x256xf32>
      %jit3A_975 = arith.constant 21 : i32
      %broadcast_in_dim3A_976 = vector.broadcast %jit3A_975 : i32 to vector<8x256xi32>
      %select_n3A_977 = arith.select %gt3A_973, %broadcast_in_dim3A_976, %select_n3A_936 : vector<8x256xi1>, vector<8x256xi32>
      %select_n3A_978 = arith.select %gt3A_973, %get3A_944, %select_n3A_937 : vector<8x256xi1>, vector<8x256xf32>
      %select_n3A_979 = arith.select %gt3A_973, %get3A_949, %select_n3A_938 : vector<8x256xi1>, vector<8x256xf32>
      %select_n3A_980 = arith.select %gt3A_973, %get3A_954, %select_n3A_939 : vector<8x256xi1>, vector<8x256xf32>
      %get3A_981 = arith.constant 0 : index
      %get3A_982 = arith.constant 0 : index
      %get3A_983 = arith.constant 5632 : index
      %get3A_984 = vector.load %arg1[%get3A_981, %get3A_982, %get3A_983] : memref<3x8x16384xf32, #tpu.memory_space<vmem>>, vector<1x8x256xf32>
      %get3A_985 = vector.shape_cast %get3A_984 : vector<1x8x256xf32> to vector<8x256xf32>
      %get3A_986 = arith.constant 1 : index
      %get3A_987 = arith.constant 0 : index
      %get3A_988 = arith.constant 5632 : index
      %get3A_989 = vector.load %arg1[%get3A_986, %get3A_987, %get3A_988] : memref<3x8x16384xf32, #tpu.memory_space<vmem>>, vector<1x8x256xf32>
      %get3A_990 = vector.shape_cast %get3A_989 : vector<1x8x256xf32> to vector<8x256xf32>
      %get3A_991 = arith.constant 2 : index
      %get3A_992 = arith.constant 0 : index
      %get3A_993 = arith.constant 5632 : index
      %get3A_994 = vector.load %arg1[%get3A_991, %get3A_992, %get3A_993] : memref<3x8x16384xf32, #tpu.memory_space<vmem>>, vector<1x8x256xf32>
      %get3A_995 = vector.shape_cast %get3A_994 : vector<1x8x256xf32> to vector<8x256xf32>
      %sub3A_996 = vector.broadcast %scan3A_35 : vector<8x1xf32> to vector<8x256xf32>
      %sub3A_997 = arith.subf %get3A_985, %sub3A_996 : vector<8x256xf32>
      %sub3A_998 = vector.broadcast %scan3A_36 : vector<8x1xf32> to vector<8x256xf32>
      %sub3A_999 = arith.subf %get3A_990, %sub3A_998 : vector<8x256xf32>
      %sub3A_1000 = vector.broadcast %scan3A_37 : vector<8x1xf32> to vector<8x256xf32>
      %sub3A_1001 = arith.subf %get3A_995, %sub3A_1000 : vector<8x256xf32>
      %mul3A_1002 = arith.mulf %sub3A_997, %sub3A_997 : vector<8x256xf32>
      %mul3A_1003 = arith.mulf %sub3A_1001, %sub3A_1001 : vector<8x256xf32>
      %add3A_1004 = arith.addf %mul3A_1002, %mul3A_1003 : vector<8x256xf32>
      %mul3A_1005 = arith.mulf %sub3A_999, %sub3A_999 : vector<8x256xf32>
      %add3A_1006 = arith.addf %add3A_1004, %mul3A_1005 : vector<8x256xf32>
      %get3A_1007 = arith.constant 0 : index
      %get3A_1008 = arith.constant 5632 : index
      %get3A_1009 = vector.load %arg3[%get3A_1007, %get3A_1008] : memref<8x16384xf32, #tpu.memory_space<vmem>>, vector<8x256xf32>
      %min3A_1010 = arith.minimumf %get3A_1009, %add3A_1006 : vector<8x256xf32>
      %swap3A_1011 = arith.constant 0 : index
      %swap3A_1012 = arith.constant 5632 : index
      %swap3A_1013 = vector.load %arg3[%swap3A_1011, %swap3A_1012] : memref<8x16384xf32, #tpu.memory_space<vmem>>, vector<8x256xf32>
      tpu.vector_store %arg3[%swap3A_1011, %swap3A_1012], %min3A_1010 {strides = array<i32>} : memref<8x16384xf32, #tpu.memory_space<vmem>>, vector<8x256xf32>,
      %gt3A_1014 = arith.cmpf ogt, %min3A_1010, %max3A_974 : vector<8x256xf32>
      %max3A_1015 = arith.maximumf %max3A_974, %min3A_1010 : vector<8x256xf32>
      %jit3A_1016 = arith.constant 22 : i32
      %broadcast_in_dim3A_1017 = vector.broadcast %jit3A_1016 : i32 to vector<8x256xi32>
      %select_n3A_1018 = arith.select %gt3A_1014, %broadcast_in_dim3A_1017, %select_n3A_977 : vector<8x256xi1>, vector<8x256xi32>
      %select_n3A_1019 = arith.select %gt3A_1014, %get3A_985, %select_n3A_978 : vector<8x256xi1>, vector<8x256xf32>
      %select_n3A_1020 = arith.select %gt3A_1014, %get3A_990, %select_n3A_979 : vector<8x256xi1>, vector<8x256xf32>
      %select_n3A_1021 = arith.select %gt3A_1014, %get3A_995, %select_n3A_980 : vector<8x256xi1>, vector<8x256xf32>
      %get3A_1022 = arith.constant 0 : index
      %get3A_1023 = arith.constant 0 : index
      %get3A_1024 = arith.constant 5888 : index
      %get3A_1025 = vector.load %arg1[%get3A_1022, %get3A_1023, %get3A_1024] : memref<3x8x16384xf32, #tpu.memory_space<vmem>>, vector<1x8x256xf32>
      %get3A_1026 = vector.shape_cast %get3A_1025 : vector<1x8x256xf32> to vector<8x256xf32>
      %get3A_1027 = arith.constant 1 : index
      %get3A_1028 = arith.constant 0 : index
      %get3A_1029 = arith.constant 5888 : index
      %get3A_1030 = vector.load %arg1[%get3A_1027, %get3A_1028, %get3A_1029] : memref<3x8x16384xf32, #tpu.memory_space<vmem>>, vector<1x8x256xf32>
      %get3A_1031 = vector.shape_cast %get3A_1030 : vector<1x8x256xf32> to vector<8x256xf32>
      %get3A_1032 = arith.constant 2 : index
      %get3A_1033 = arith.constant 0 : index
      %get3A_1034 = arith.constant 5888 : index
      %get3A_1035 = vector.load %arg1[%get3A_1032, %get3A_1033, %get3A_1034] : memref<3x8x16384xf32, #tpu.memory_space<vmem>>, vector<1x8x256xf32>
      %get3A_1036 = vector.shape_cast %get3A_1035 : vector<1x8x256xf32> to vector<8x256xf32>
      %sub3A_1037 = vector.broadcast %scan3A_35 : vector<8x1xf32> to vector<8x256xf32>
      %sub3A_1038 = arith.subf %get3A_1026, %sub3A_1037 : vector<8x256xf32>
      %sub3A_1039 = vector.broadcast %scan3A_36 : vector<8x1xf32> to vector<8x256xf32>
      %sub3A_1040 = arith.subf %get3A_1031, %sub3A_1039 : vector<8x256xf32>
      %sub3A_1041 = vector.broadcast %scan3A_37 : vector<8x1xf32> to vector<8x256xf32>
      %sub3A_1042 = arith.subf %get3A_1036, %sub3A_1041 : vector<8x256xf32>
      %mul3A_1043 = arith.mulf %sub3A_1038, %sub3A_1038 : vector<8x256xf32>
      %mul3A_1044 = arith.mulf %sub3A_1042, %sub3A_1042 : vector<8x256xf32>
      %add3A_1045 = arith.addf %mul3A_1043, %mul3A_1044 : vector<8x256xf32>
      %mul3A_1046 = arith.mulf %sub3A_1040, %sub3A_1040 : vector<8x256xf32>
      %add3A_1047 = arith.addf %add3A_1045, %mul3A_1046 : vector<8x256xf32>
      %get3A_1048 = arith.constant 0 : index
      %get3A_1049 = arith.constant 5888 : index
      %get3A_1050 = vector.load %arg3[%get3A_1048, %get3A_1049] : memref<8x16384xf32, #tpu.memory_space<vmem>>, vector<8x256xf32>
      %min3A_1051 = arith.minimumf %get3A_1050, %add3A_1047 : vector<8x256xf32>
      %swap3A_1052 = arith.constant 0 : index
      %swap3A_1053 = arith.constant 5888 : index
      %swap3A_1054 = vector.load %arg3[%swap3A_1052, %swap3A_1053] : memref<8x16384xf32, #tpu.memory_space<vmem>>, vector<8x256xf32>
      tpu.vector_store %arg3[%swap3A_1052, %swap3A_1053], %min3A_1051 {strides = array<i32>} : memref<8x16384xf32, #tpu.memory_space<vmem>>, vector<8x256xf32>,
      %gt3A_1055 = arith.cmpf ogt, %min3A_1051, %max3A_1015 : vector<8x256xf32>
      %max3A_1056 = arith.maximumf %max3A_1015, %min3A_1051 : vector<8x256xf32>
      %jit3A_1057 = arith.constant 23 : i32
      %broadcast_in_dim3A_1058 = vector.broadcast %jit3A_1057 : i32 to vector<8x256xi32>
      %select_n3A_1059 = arith.select %gt3A_1055, %broadcast_in_dim3A_1058, %select_n3A_1018 : vector<8x256xi1>, vector<8x256xi32>
      %select_n3A_1060 = arith.select %gt3A_1055, %get3A_1026, %select_n3A_1019 : vector<8x256xi1>, vector<8x256xf32>
      %select_n3A_1061 = arith.select %gt3A_1055, %get3A_1031, %select_n3A_1020 : vector<8x256xi1>, vector<8x256xf32>
      %select_n3A_1062 = arith.select %gt3A_1055, %get3A_1036, %select_n3A_1021 : vector<8x256xi1>, vector<8x256xf32>
      %get3A_1063 = arith.constant 0 : index
      %get3A_1064 = arith.constant 0 : index
      %get3A_1065 = arith.constant 6144 : index
      %get3A_1066 = vector.load %arg1[%get3A_1063, %get3A_1064, %get3A_1065] : memref<3x8x16384xf32, #tpu.memory_space<vmem>>, vector<1x8x256xf32>
      %get3A_1067 = vector.shape_cast %get3A_1066 : vector<1x8x256xf32> to vector<8x256xf32>
      %get3A_1068 = arith.constant 1 : index
      %get3A_1069 = arith.constant 0 : index
      %get3A_1070 = arith.constant 6144 : index
      %get3A_1071 = vector.load %arg1[%get3A_1068, %get3A_1069, %get3A_1070] : memref<3x8x16384xf32, #tpu.memory_space<vmem>>, vector<1x8x256xf32>
      %get3A_1072 = vector.shape_cast %get3A_1071 : vector<1x8x256xf32> to vector<8x256xf32>
      %get3A_1073 = arith.constant 2 : index
      %get3A_1074 = arith.constant 0 : index
      %get3A_1075 = arith.constant 6144 : index
      %get3A_1076 = vector.load %arg1[%get3A_1073, %get3A_1074, %get3A_1075] : memref<3x8x16384xf32, #tpu.memory_space<vmem>>, vector<1x8x256xf32>
      %get3A_1077 = vector.shape_cast %get3A_1076 : vector<1x8x256xf32> to vector<8x256xf32>
      %sub3A_1078 = vector.broadcast %scan3A_35 : vector<8x1xf32> to vector<8x256xf32>
      %sub3A_1079 = arith.subf %get3A_1067, %sub3A_1078 : vector<8x256xf32>
      %sub3A_1080 = vector.broadcast %scan3A_36 : vector<8x1xf32> to vector<8x256xf32>
      %sub3A_1081 = arith.subf %get3A_1072, %sub3A_1080 : vector<8x256xf32>
      %sub3A_1082 = vector.broadcast %scan3A_37 : vector<8x1xf32> to vector<8x256xf32>
      %sub3A_1083 = arith.subf %get3A_1077, %sub3A_1082 : vector<8x256xf32>
      %mul3A_1084 = arith.mulf %sub3A_1079, %sub3A_1079 : vector<8x256xf32>
      %mul3A_1085 = arith.mulf %sub3A_1083, %sub3A_1083 : vector<8x256xf32>
      %add3A_1086 = arith.addf %mul3A_1084, %mul3A_1085 : vector<8x256xf32>
      %mul3A_1087 = arith.mulf %sub3A_1081, %sub3A_1081 : vector<8x256xf32>
      %add3A_1088 = arith.addf %add3A_1086, %mul3A_1087 : vector<8x256xf32>
      %get3A_1089 = arith.constant 0 : index
      %get3A_1090 = arith.constant 6144 : index
      %get3A_1091 = vector.load %arg3[%get3A_1089, %get3A_1090] : memref<8x16384xf32, #tpu.memory_space<vmem>>, vector<8x256xf32>
      %min3A_1092 = arith.minimumf %get3A_1091, %add3A_1088 : vector<8x256xf32>
      %swap3A_1093 = arith.constant 0 : index
      %swap3A_1094 = arith.constant 6144 : index
      %swap3A_1095 = vector.load %arg3[%swap3A_1093, %swap3A_1094] : memref<8x16384xf32, #tpu.memory_space<vmem>>, vector<8x256xf32>
      tpu.vector_store %arg3[%swap3A_1093, %swap3A_1094], %min3A_1092 {strides = array<i32>} : memref<8x16384xf32, #tpu.memory_space<vmem>>, vector<8x256xf32>,
      %gt3A_1096 = arith.cmpf ogt, %min3A_1092, %max3A_1056 : vector<8x256xf32>
      %max3A_1097 = arith.maximumf %max3A_1056, %min3A_1092 : vector<8x256xf32>
      %jit3A_1098 = arith.constant 24 : i32
      %broadcast_in_dim3A_1099 = vector.broadcast %jit3A_1098 : i32 to vector<8x256xi32>
      %select_n3A_1100 = arith.select %gt3A_1096, %broadcast_in_dim3A_1099, %select_n3A_1059 : vector<8x256xi1>, vector<8x256xi32>
      %select_n3A_1101 = arith.select %gt3A_1096, %get3A_1067, %select_n3A_1060 : vector<8x256xi1>, vector<8x256xf32>
      %select_n3A_1102 = arith.select %gt3A_1096, %get3A_1072, %select_n3A_1061 : vector<8x256xi1>, vector<8x256xf32>
      %select_n3A_1103 = arith.select %gt3A_1096, %get3A_1077, %select_n3A_1062 : vector<8x256xi1>, vector<8x256xf32>
      %get3A_1104 = arith.constant 0 : index
      %get3A_1105 = arith.constant 0 : index
      %get3A_1106 = arith.constant 6400 : index
      %get3A_1107 = vector.load %arg1[%get3A_1104, %get3A_1105, %get3A_1106] : memref<3x8x16384xf32, #tpu.memory_space<vmem>>, vector<1x8x256xf32>
      %get3A_1108 = vector.shape_cast %get3A_1107 : vector<1x8x256xf32> to vector<8x256xf32>
      %get3A_1109 = arith.constant 1 : index
      %get3A_1110 = arith.constant 0 : index
      %get3A_1111 = arith.constant 6400 : index
      %get3A_1112 = vector.load %arg1[%get3A_1109, %get3A_1110, %get3A_1111] : memref<3x8x16384xf32, #tpu.memory_space<vmem>>, vector<1x8x256xf32>
      %get3A_1113 = vector.shape_cast %get3A_1112 : vector<1x8x256xf32> to vector<8x256xf32>
      %get3A_1114 = arith.constant 2 : index
      %get3A_1115 = arith.constant 0 : index
      %get3A_1116 = arith.constant 6400 : index
      %get3A_1117 = vector.load %arg1[%get3A_1114, %get3A_1115, %get3A_1116] : memref<3x8x16384xf32, #tpu.memory_space<vmem>>, vector<1x8x256xf32>
      %get3A_1118 = vector.shape_cast %get3A_1117 : vector<1x8x256xf32> to vector<8x256xf32>
      %sub3A_1119 = vector.broadcast %scan3A_35 : vector<8x1xf32> to vector<8x256xf32>
      %sub3A_1120 = arith.subf %get3A_1108, %sub3A_1119 : vector<8x256xf32>
      %sub3A_1121 = vector.broadcast %scan3A_36 : vector<8x1xf32> to vector<8x256xf32>
      %sub3A_1122 = arith.subf %get3A_1113, %sub3A_1121 : vector<8x256xf32>
      %sub3A_1123 = vector.broadcast %scan3A_37 : vector<8x1xf32> to vector<8x256xf32>
      %sub3A_1124 = arith.subf %get3A_1118, %sub3A_1123 : vector<8x256xf32>
      %mul3A_1125 = arith.mulf %sub3A_1120, %sub3A_1120 : vector<8x256xf32>
      %mul3A_1126 = arith.mulf %sub3A_1124, %sub3A_1124 : vector<8x256xf32>
      %add3A_1127 = arith.addf %mul3A_1125, %mul3A_1126 : vector<8x256xf32>
      %mul3A_1128 = arith.mulf %sub3A_1122, %sub3A_1122 : vector<8x256xf32>
      %add3A_1129 = arith.addf %add3A_1127, %mul3A_1128 : vector<8x256xf32>
      %get3A_1130 = arith.constant 0 : index
      %get3A_1131 = arith.constant 6400 : index
      %get3A_1132 = vector.load %arg3[%get3A_1130, %get3A_1131] : memref<8x16384xf32, #tpu.memory_space<vmem>>, vector<8x256xf32>
      %min3A_1133 = arith.minimumf %get3A_1132, %add3A_1129 : vector<8x256xf32>
      %swap3A_1134 = arith.constant 0 : index
      %swap3A_1135 = arith.constant 6400 : index
      %swap3A_1136 = vector.load %arg3[%swap3A_1134, %swap3A_1135] : memref<8x16384xf32, #tpu.memory_space<vmem>>, vector<8x256xf32>
      tpu.vector_store %arg3[%swap3A_1134, %swap3A_1135], %min3A_1133 {strides = array<i32>} : memref<8x16384xf32, #tpu.memory_space<vmem>>, vector<8x256xf32>,
      %gt3A_1137 = arith.cmpf ogt, %min3A_1133, %max3A_1097 : vector<8x256xf32>
      %max3A_1138 = arith.maximumf %max3A_1097, %min3A_1133 : vector<8x256xf32>
      %jit3A_1139 = arith.constant 25 : i32
      %broadcast_in_dim3A_1140 = vector.broadcast %jit3A_1139 : i32 to vector<8x256xi32>
      %select_n3A_1141 = arith.select %gt3A_1137, %broadcast_in_dim3A_1140, %select_n3A_1100 : vector<8x256xi1>, vector<8x256xi32>
      %select_n3A_1142 = arith.select %gt3A_1137, %get3A_1108, %select_n3A_1101 : vector<8x256xi1>, vector<8x256xf32>
      %select_n3A_1143 = arith.select %gt3A_1137, %get3A_1113, %select_n3A_1102 : vector<8x256xi1>, vector<8x256xf32>
      %select_n3A_1144 = arith.select %gt3A_1137, %get3A_1118, %select_n3A_1103 : vector<8x256xi1>, vector<8x256xf32>
      %get3A_1145 = arith.constant 0 : index
      %get3A_1146 = arith.constant 0 : index
      %get3A_1147 = arith.constant 6656 : index
      %get3A_1148 = vector.load %arg1[%get3A_1145, %get3A_1146, %get3A_1147] : memref<3x8x16384xf32, #tpu.memory_space<vmem>>, vector<1x8x256xf32>
      %get3A_1149 = vector.shape_cast %get3A_1148 : vector<1x8x256xf32> to vector<8x256xf32>
      %get3A_1150 = arith.constant 1 : index
      %get3A_1151 = arith.constant 0 : index
      %get3A_1152 = arith.constant 6656 : index
      %get3A_1153 = vector.load %arg1[%get3A_1150, %get3A_1151, %get3A_1152] : memref<3x8x16384xf32, #tpu.memory_space<vmem>>, vector<1x8x256xf32>
      %get3A_1154 = vector.shape_cast %get3A_1153 : vector<1x8x256xf32> to vector<8x256xf32>
      %get3A_1155 = arith.constant 2 : index
      %get3A_1156 = arith.constant 0 : index
      %get3A_1157 = arith.constant 6656 : index
      %get3A_1158 = vector.load %arg1[%get3A_1155, %get3A_1156, %get3A_1157] : memref<3x8x16384xf32, #tpu.memory_space<vmem>>, vector<1x8x256xf32>
      %get3A_1159 = vector.shape_cast %get3A_1158 : vector<1x8x256xf32> to vector<8x256xf32>
      %sub3A_1160 = vector.broadcast %scan3A_35 : vector<8x1xf32> to vector<8x256xf32>
      %sub3A_1161 = arith.subf %get3A_1149, %sub3A_1160 : vector<8x256xf32>
      %sub3A_1162 = vector.broadcast %scan3A_36 : vector<8x1xf32> to vector<8x256xf32>
      %sub3A_1163 = arith.subf %get3A_1154, %sub3A_1162 : vector<8x256xf32>
      %sub3A_1164 = vector.broadcast %scan3A_37 : vector<8x1xf32> to vector<8x256xf32>
      %sub3A_1165 = arith.subf %get3A_1159, %sub3A_1164 : vector<8x256xf32>
      %mul3A_1166 = arith.mulf %sub3A_1161, %sub3A_1161 : vector<8x256xf32>
      %mul3A_1167 = arith.mulf %sub3A_1165, %sub3A_1165 : vector<8x256xf32>
      %add3A_1168 = arith.addf %mul3A_1166, %mul3A_1167 : vector<8x256xf32>
      %mul3A_1169 = arith.mulf %sub3A_1163, %sub3A_1163 : vector<8x256xf32>
      %add3A_1170 = arith.addf %add3A_1168, %mul3A_1169 : vector<8x256xf32>
      %get3A_1171 = arith.constant 0 : index
      %get3A_1172 = arith.constant 6656 : index
      %get3A_1173 = vector.load %arg3[%get3A_1171, %get3A_1172] : memref<8x16384xf32, #tpu.memory_space<vmem>>, vector<8x256xf32>
      %min3A_1174 = arith.minimumf %get3A_1173, %add3A_1170 : vector<8x256xf32>
      %swap3A_1175 = arith.constant 0 : index
      %swap3A_1176 = arith.constant 6656 : index
      %swap3A_1177 = vector.load %arg3[%swap3A_1175, %swap3A_1176] : memref<8x16384xf32, #tpu.memory_space<vmem>>, vector<8x256xf32>
      tpu.vector_store %arg3[%swap3A_1175, %swap3A_1176], %min3A_1174 {strides = array<i32>} : memref<8x16384xf32, #tpu.memory_space<vmem>>, vector<8x256xf32>,
      %gt3A_1178 = arith.cmpf ogt, %min3A_1174, %max3A_1138 : vector<8x256xf32>
      %max3A_1179 = arith.maximumf %max3A_1138, %min3A_1174 : vector<8x256xf32>
      %jit3A_1180 = arith.constant 26 : i32
      %broadcast_in_dim3A_1181 = vector.broadcast %jit3A_1180 : i32 to vector<8x256xi32>
      %select_n3A_1182 = arith.select %gt3A_1178, %broadcast_in_dim3A_1181, %select_n3A_1141 : vector<8x256xi1>, vector<8x256xi32>
      %select_n3A_1183 = arith.select %gt3A_1178, %get3A_1149, %select_n3A_1142 : vector<8x256xi1>, vector<8x256xf32>
      %select_n3A_1184 = arith.select %gt3A_1178, %get3A_1154, %select_n3A_1143 : vector<8x256xi1>, vector<8x256xf32>
      %select_n3A_1185 = arith.select %gt3A_1178, %get3A_1159, %select_n3A_1144 : vector<8x256xi1>, vector<8x256xf32>
      %get3A_1186 = arith.constant 0 : index
      %get3A_1187 = arith.constant 0 : index
      %get3A_1188 = arith.constant 6912 : index
      %get3A_1189 = vector.load %arg1[%get3A_1186, %get3A_1187, %get3A_1188] : memref<3x8x16384xf32, #tpu.memory_space<vmem>>, vector<1x8x256xf32>
      %get3A_1190 = vector.shape_cast %get3A_1189 : vector<1x8x256xf32> to vector<8x256xf32>
      %get3A_1191 = arith.constant 1 : index
      %get3A_1192 = arith.constant 0 : index
      %get3A_1193 = arith.constant 6912 : index
      %get3A_1194 = vector.load %arg1[%get3A_1191, %get3A_1192, %get3A_1193] : memref<3x8x16384xf32, #tpu.memory_space<vmem>>, vector<1x8x256xf32>
      %get3A_1195 = vector.shape_cast %get3A_1194 : vector<1x8x256xf32> to vector<8x256xf32>
      %get3A_1196 = arith.constant 2 : index
      %get3A_1197 = arith.constant 0 : index
      %get3A_1198 = arith.constant 6912 : index
      %get3A_1199 = vector.load %arg1[%get3A_1196, %get3A_1197, %get3A_1198] : memref<3x8x16384xf32, #tpu.memory_space<vmem>>, vector<1x8x256xf32>
      %get3A_1200 = vector.shape_cast %get3A_1199 : vector<1x8x256xf32> to vector<8x256xf32>
      %sub3A_1201 = vector.broadcast %scan3A_35 : vector<8x1xf32> to vector<8x256xf32>
      %sub3A_1202 = arith.subf %get3A_1190, %sub3A_1201 : vector<8x256xf32>
      %sub3A_1203 = vector.broadcast %scan3A_36 : vector<8x1xf32> to vector<8x256xf32>
      %sub3A_1204 = arith.subf %get3A_1195, %sub3A_1203 : vector<8x256xf32>
      %sub3A_1205 = vector.broadcast %scan3A_37 : vector<8x1xf32> to vector<8x256xf32>
      %sub3A_1206 = arith.subf %get3A_1200, %sub3A_1205 : vector<8x256xf32>
      %mul3A_1207 = arith.mulf %sub3A_1202, %sub3A_1202 : vector<8x256xf32>
      %mul3A_1208 = arith.mulf %sub3A_1206, %sub3A_1206 : vector<8x256xf32>
      %add3A_1209 = arith.addf %mul3A_1207, %mul3A_1208 : vector<8x256xf32>
      %mul3A_1210 = arith.mulf %sub3A_1204, %sub3A_1204 : vector<8x256xf32>
      %add3A_1211 = arith.addf %add3A_1209, %mul3A_1210 : vector<8x256xf32>
      %get3A_1212 = arith.constant 0 : index
      %get3A_1213 = arith.constant 6912 : index
      %get3A_1214 = vector.load %arg3[%get3A_1212, %get3A_1213] : memref<8x16384xf32, #tpu.memory_space<vmem>>, vector<8x256xf32>
      %min3A_1215 = arith.minimumf %get3A_1214, %add3A_1211 : vector<8x256xf32>
      %swap3A_1216 = arith.constant 0 : index
      %swap3A_1217 = arith.constant 6912 : index
      %swap3A_1218 = vector.load %arg3[%swap3A_1216, %swap3A_1217] : memref<8x16384xf32, #tpu.memory_space<vmem>>, vector<8x256xf32>
      tpu.vector_store %arg3[%swap3A_1216, %swap3A_1217], %min3A_1215 {strides = array<i32>} : memref<8x16384xf32, #tpu.memory_space<vmem>>, vector<8x256xf32>,
      %gt3A_1219 = arith.cmpf ogt, %min3A_1215, %max3A_1179 : vector<8x256xf32>
      %max3A_1220 = arith.maximumf %max3A_1179, %min3A_1215 : vector<8x256xf32>
      %jit3A_1221 = arith.constant 27 : i32
      %broadcast_in_dim3A_1222 = vector.broadcast %jit3A_1221 : i32 to vector<8x256xi32>
      %select_n3A_1223 = arith.select %gt3A_1219, %broadcast_in_dim3A_1222, %select_n3A_1182 : vector<8x256xi1>, vector<8x256xi32>
      %select_n3A_1224 = arith.select %gt3A_1219, %get3A_1190, %select_n3A_1183 : vector<8x256xi1>, vector<8x256xf32>
      %select_n3A_1225 = arith.select %gt3A_1219, %get3A_1195, %select_n3A_1184 : vector<8x256xi1>, vector<8x256xf32>
      %select_n3A_1226 = arith.select %gt3A_1219, %get3A_1200, %select_n3A_1185 : vector<8x256xi1>, vector<8x256xf32>
      %get3A_1227 = arith.constant 0 : index
      %get3A_1228 = arith.constant 0 : index
      %get3A_1229 = arith.constant 7168 : index
      %get3A_1230 = vector.load %arg1[%get3A_1227, %get3A_1228, %get3A_1229] : memref<3x8x16384xf32, #tpu.memory_space<vmem>>, vector<1x8x256xf32>
      %get3A_1231 = vector.shape_cast %get3A_1230 : vector<1x8x256xf32> to vector<8x256xf32>
      %get3A_1232 = arith.constant 1 : index
      %get3A_1233 = arith.constant 0 : index
      %get3A_1234 = arith.constant 7168 : index
      %get3A_1235 = vector.load %arg1[%get3A_1232, %get3A_1233, %get3A_1234] : memref<3x8x16384xf32, #tpu.memory_space<vmem>>, vector<1x8x256xf32>
      %get3A_1236 = vector.shape_cast %get3A_1235 : vector<1x8x256xf32> to vector<8x256xf32>
      %get3A_1237 = arith.constant 2 : index
      %get3A_1238 = arith.constant 0 : index
      %get3A_1239 = arith.constant 7168 : index
      %get3A_1240 = vector.load %arg1[%get3A_1237, %get3A_1238, %get3A_1239] : memref<3x8x16384xf32, #tpu.memory_space<vmem>>, vector<1x8x256xf32>
      %get3A_1241 = vector.shape_cast %get3A_1240 : vector<1x8x256xf32> to vector<8x256xf32>
      %sub3A_1242 = vector.broadcast %scan3A_35 : vector<8x1xf32> to vector<8x256xf32>
      %sub3A_1243 = arith.subf %get3A_1231, %sub3A_1242 : vector<8x256xf32>
      %sub3A_1244 = vector.broadcast %scan3A_36 : vector<8x1xf32> to vector<8x256xf32>
      %sub3A_1245 = arith.subf %get3A_1236, %sub3A_1244 : vector<8x256xf32>
      %sub3A_1246 = vector.broadcast %scan3A_37 : vector<8x1xf32> to vector<8x256xf32>
      %sub3A_1247 = arith.subf %get3A_1241, %sub3A_1246 : vector<8x256xf32>
      %mul3A_1248 = arith.mulf %sub3A_1243, %sub3A_1243 : vector<8x256xf32>
      %mul3A_1249 = arith.mulf %sub3A_1247, %sub3A_1247 : vector<8x256xf32>
      %add3A_1250 = arith.addf %mul3A_1248, %mul3A_1249 : vector<8x256xf32>
      %mul3A_1251 = arith.mulf %sub3A_1245, %sub3A_1245 : vector<8x256xf32>
      %add3A_1252 = arith.addf %add3A_1250, %mul3A_1251 : vector<8x256xf32>
      %get3A_1253 = arith.constant 0 : index
      %get3A_1254 = arith.constant 7168 : index
      %get3A_1255 = vector.load %arg3[%get3A_1253, %get3A_1254] : memref<8x16384xf32, #tpu.memory_space<vmem>>, vector<8x256xf32>
      %min3A_1256 = arith.minimumf %get3A_1255, %add3A_1252 : vector<8x256xf32>
      %swap3A_1257 = arith.constant 0 : index
      %swap3A_1258 = arith.constant 7168 : index
      %swap3A_1259 = vector.load %arg3[%swap3A_1257, %swap3A_1258] : memref<8x16384xf32, #tpu.memory_space<vmem>>, vector<8x256xf32>
      tpu.vector_store %arg3[%swap3A_1257, %swap3A_1258], %min3A_1256 {strides = array<i32>} : memref<8x16384xf32, #tpu.memory_space<vmem>>, vector<8x256xf32>,
      %gt3A_1260 = arith.cmpf ogt, %min3A_1256, %max3A_1220 : vector<8x256xf32>
      %max3A_1261 = arith.maximumf %max3A_1220, %min3A_1256 : vector<8x256xf32>
      %jit3A_1262 = arith.constant 28 : i32
      %broadcast_in_dim3A_1263 = vector.broadcast %jit3A_1262 : i32 to vector<8x256xi32>
      %select_n3A_1264 = arith.select %gt3A_1260, %broadcast_in_dim3A_1263, %select_n3A_1223 : vector<8x256xi1>, vector<8x256xi32>
      %select_n3A_1265 = arith.select %gt3A_1260, %get3A_1231, %select_n3A_1224 : vector<8x256xi1>, vector<8x256xf32>
      %select_n3A_1266 = arith.select %gt3A_1260, %get3A_1236, %select_n3A_1225 : vector<8x256xi1>, vector<8x256xf32>
      %select_n3A_1267 = arith.select %gt3A_1260, %get3A_1241, %select_n3A_1226 : vector<8x256xi1>, vector<8x256xf32>
      %get3A_1268 = arith.constant 0 : index
      %get3A_1269 = arith.constant 0 : index
      %get3A_1270 = arith.constant 7424 : index
      %get3A_1271 = vector.load %arg1[%get3A_1268, %get3A_1269, %get3A_1270] : memref<3x8x16384xf32, #tpu.memory_space<vmem>>, vector<1x8x256xf32>
      %get3A_1272 = vector.shape_cast %get3A_1271 : vector<1x8x256xf32> to vector<8x256xf32>
      %get3A_1273 = arith.constant 1 : index
      %get3A_1274 = arith.constant 0 : index
      %get3A_1275 = arith.constant 7424 : index
      %get3A_1276 = vector.load %arg1[%get3A_1273, %get3A_1274, %get3A_1275] : memref<3x8x16384xf32, #tpu.memory_space<vmem>>, vector<1x8x256xf32>
      %get3A_1277 = vector.shape_cast %get3A_1276 : vector<1x8x256xf32> to vector<8x256xf32>
      %get3A_1278 = arith.constant 2 : index
      %get3A_1279 = arith.constant 0 : index
      %get3A_1280 = arith.constant 7424 : index
      %get3A_1281 = vector.load %arg1[%get3A_1278, %get3A_1279, %get3A_1280] : memref<3x8x16384xf32, #tpu.memory_space<vmem>>, vector<1x8x256xf32>
      %get3A_1282 = vector.shape_cast %get3A_1281 : vector<1x8x256xf32> to vector<8x256xf32>
      %sub3A_1283 = vector.broadcast %scan3A_35 : vector<8x1xf32> to vector<8x256xf32>
      %sub3A_1284 = arith.subf %get3A_1272, %sub3A_1283 : vector<8x256xf32>
      %sub3A_1285 = vector.broadcast %scan3A_36 : vector<8x1xf32> to vector<8x256xf32>
      %sub3A_1286 = arith.subf %get3A_1277, %sub3A_1285 : vector<8x256xf32>
      %sub3A_1287 = vector.broadcast %scan3A_37 : vector<8x1xf32> to vector<8x256xf32>
      %sub3A_1288 = arith.subf %get3A_1282, %sub3A_1287 : vector<8x256xf32>
      %mul3A_1289 = arith.mulf %sub3A_1284, %sub3A_1284 : vector<8x256xf32>
      %mul3A_1290 = arith.mulf %sub3A_1288, %sub3A_1288 : vector<8x256xf32>
      %add3A_1291 = arith.addf %mul3A_1289, %mul3A_1290 : vector<8x256xf32>
      %mul3A_1292 = arith.mulf %sub3A_1286, %sub3A_1286 : vector<8x256xf32>
      %add3A_1293 = arith.addf %add3A_1291, %mul3A_1292 : vector<8x256xf32>
      %get3A_1294 = arith.constant 0 : index
      %get3A_1295 = arith.constant 7424 : index
      %get3A_1296 = vector.load %arg3[%get3A_1294, %get3A_1295] : memref<8x16384xf32, #tpu.memory_space<vmem>>, vector<8x256xf32>
      %min3A_1297 = arith.minimumf %get3A_1296, %add3A_1293 : vector<8x256xf32>
      %swap3A_1298 = arith.constant 0 : index
      %swap3A_1299 = arith.constant 7424 : index
      %swap3A_1300 = vector.load %arg3[%swap3A_1298, %swap3A_1299] : memref<8x16384xf32, #tpu.memory_space<vmem>>, vector<8x256xf32>
      tpu.vector_store %arg3[%swap3A_1298, %swap3A_1299], %min3A_1297 {strides = array<i32>} : memref<8x16384xf32, #tpu.memory_space<vmem>>, vector<8x256xf32>,
      %gt3A_1301 = arith.cmpf ogt, %min3A_1297, %max3A_1261 : vector<8x256xf32>
      %max3A_1302 = arith.maximumf %max3A_1261, %min3A_1297 : vector<8x256xf32>
      %jit3A_1303 = arith.constant 29 : i32
      %broadcast_in_dim3A_1304 = vector.broadcast %jit3A_1303 : i32 to vector<8x256xi32>
      %select_n3A_1305 = arith.select %gt3A_1301, %broadcast_in_dim3A_1304, %select_n3A_1264 : vector<8x256xi1>, vector<8x256xi32>
      %select_n3A_1306 = arith.select %gt3A_1301, %get3A_1272, %select_n3A_1265 : vector<8x256xi1>, vector<8x256xf32>
      %select_n3A_1307 = arith.select %gt3A_1301, %get3A_1277, %select_n3A_1266 : vector<8x256xi1>, vector<8x256xf32>
      %select_n3A_1308 = arith.select %gt3A_1301, %get3A_1282, %select_n3A_1267 : vector<8x256xi1>, vector<8x256xf32>
      %get3A_1309 = arith.constant 0 : index
      %get3A_1310 = arith.constant 0 : index
      %get3A_1311 = arith.constant 7680 : index
      %get3A_1312 = vector.load %arg1[%get3A_1309, %get3A_1310, %get3A_1311] : memref<3x8x16384xf32, #tpu.memory_space<vmem>>, vector<1x8x256xf32>
      %get3A_1313 = vector.shape_cast %get3A_1312 : vector<1x8x256xf32> to vector<8x256xf32>
      %get3A_1314 = arith.constant 1 : index
      %get3A_1315 = arith.constant 0 : index
      %get3A_1316 = arith.constant 7680 : index
      %get3A_1317 = vector.load %arg1[%get3A_1314, %get3A_1315, %get3A_1316] : memref<3x8x16384xf32, #tpu.memory_space<vmem>>, vector<1x8x256xf32>
      %get3A_1318 = vector.shape_cast %get3A_1317 : vector<1x8x256xf32> to vector<8x256xf32>
      %get3A_1319 = arith.constant 2 : index
      %get3A_1320 = arith.constant 0 : index
      %get3A_1321 = arith.constant 7680 : index
      %get3A_1322 = vector.load %arg1[%get3A_1319, %get3A_1320, %get3A_1321] : memref<3x8x16384xf32, #tpu.memory_space<vmem>>, vector<1x8x256xf32>
      %get3A_1323 = vector.shape_cast %get3A_1322 : vector<1x8x256xf32> to vector<8x256xf32>
      %sub3A_1324 = vector.broadcast %scan3A_35 : vector<8x1xf32> to vector<8x256xf32>
      %sub3A_1325 = arith.subf %get3A_1313, %sub3A_1324 : vector<8x256xf32>
      %sub3A_1326 = vector.broadcast %scan3A_36 : vector<8x1xf32> to vector<8x256xf32>
      %sub3A_1327 = arith.subf %get3A_1318, %sub3A_1326 : vector<8x256xf32>
      %sub3A_1328 = vector.broadcast %scan3A_37 : vector<8x1xf32> to vector<8x256xf32>
      %sub3A_1329 = arith.subf %get3A_1323, %sub3A_1328 : vector<8x256xf32>
      %mul3A_1330 = arith.mulf %sub3A_1325, %sub3A_1325 : vector<8x256xf32>
      %mul3A_1331 = arith.mulf %sub3A_1329, %sub3A_1329 : vector<8x256xf32>
      %add3A_1332 = arith.addf %mul3A_1330, %mul3A_1331 : vector<8x256xf32>
      %mul3A_1333 = arith.mulf %sub3A_1327, %sub3A_1327 : vector<8x256xf32>
      %add3A_1334 = arith.addf %add3A_1332, %mul3A_1333 : vector<8x256xf32>
      %get3A_1335 = arith.constant 0 : index
      %get3A_1336 = arith.constant 7680 : index
      %get3A_1337 = vector.load %arg3[%get3A_1335, %get3A_1336] : memref<8x16384xf32, #tpu.memory_space<vmem>>, vector<8x256xf32>
      %min3A_1338 = arith.minimumf %get3A_1337, %add3A_1334 : vector<8x256xf32>
      %swap3A_1339 = arith.constant 0 : index
      %swap3A_1340 = arith.constant 7680 : index
      %swap3A_1341 = vector.load %arg3[%swap3A_1339, %swap3A_1340] : memref<8x16384xf32, #tpu.memory_space<vmem>>, vector<8x256xf32>
      tpu.vector_store %arg3[%swap3A_1339, %swap3A_1340], %min3A_1338 {strides = array<i32>} : memref<8x16384xf32, #tpu.memory_space<vmem>>, vector<8x256xf32>,
      %gt3A_1342 = arith.cmpf ogt, %min3A_1338, %max3A_1302 : vector<8x256xf32>
      %max3A_1343 = arith.maximumf %max3A_1302, %min3A_1338 : vector<8x256xf32>
      %jit3A_1344 = arith.constant 30 : i32
      %broadcast_in_dim3A_1345 = vector.broadcast %jit3A_1344 : i32 to vector<8x256xi32>
      %select_n3A_1346 = arith.select %gt3A_1342, %broadcast_in_dim3A_1345, %select_n3A_1305 : vector<8x256xi1>, vector<8x256xi32>
      %select_n3A_1347 = arith.select %gt3A_1342, %get3A_1313, %select_n3A_1306 : vector<8x256xi1>, vector<8x256xf32>
      %select_n3A_1348 = arith.select %gt3A_1342, %get3A_1318, %select_n3A_1307 : vector<8x256xi1>, vector<8x256xf32>
      %select_n3A_1349 = arith.select %gt3A_1342, %get3A_1323, %select_n3A_1308 : vector<8x256xi1>, vector<8x256xf32>
      %get3A_1350 = arith.constant 0 : index
      %get3A_1351 = arith.constant 0 : index
      %get3A_1352 = arith.constant 7936 : index
      %get3A_1353 = vector.load %arg1[%get3A_1350, %get3A_1351, %get3A_1352] : memref<3x8x16384xf32, #tpu.memory_space<vmem>>, vector<1x8x256xf32>
      %get3A_1354 = vector.shape_cast %get3A_1353 : vector<1x8x256xf32> to vector<8x256xf32>
      %get3A_1355 = arith.constant 1 : index
      %get3A_1356 = arith.constant 0 : index
      %get3A_1357 = arith.constant 7936 : index
      %get3A_1358 = vector.load %arg1[%get3A_1355, %get3A_1356, %get3A_1357] : memref<3x8x16384xf32, #tpu.memory_space<vmem>>, vector<1x8x256xf32>
      %get3A_1359 = vector.shape_cast %get3A_1358 : vector<1x8x256xf32> to vector<8x256xf32>
      %get3A_1360 = arith.constant 2 : index
      %get3A_1361 = arith.constant 0 : index
      %get3A_1362 = arith.constant 7936 : index
      %get3A_1363 = vector.load %arg1[%get3A_1360, %get3A_1361, %get3A_1362] : memref<3x8x16384xf32, #tpu.memory_space<vmem>>, vector<1x8x256xf32>
      %get3A_1364 = vector.shape_cast %get3A_1363 : vector<1x8x256xf32> to vector<8x256xf32>
      %sub3A_1365 = vector.broadcast %scan3A_35 : vector<8x1xf32> to vector<8x256xf32>
      %sub3A_1366 = arith.subf %get3A_1354, %sub3A_1365 : vector<8x256xf32>
      %sub3A_1367 = vector.broadcast %scan3A_36 : vector<8x1xf32> to vector<8x256xf32>
      %sub3A_1368 = arith.subf %get3A_1359, %sub3A_1367 : vector<8x256xf32>
      %sub3A_1369 = vector.broadcast %scan3A_37 : vector<8x1xf32> to vector<8x256xf32>
      %sub3A_1370 = arith.subf %get3A_1364, %sub3A_1369 : vector<8x256xf32>
      %mul3A_1371 = arith.mulf %sub3A_1366, %sub3A_1366 : vector<8x256xf32>
      %mul3A_1372 = arith.mulf %sub3A_1370, %sub3A_1370 : vector<8x256xf32>
      %add3A_1373 = arith.addf %mul3A_1371, %mul3A_1372 : vector<8x256xf32>
      %mul3A_1374 = arith.mulf %sub3A_1368, %sub3A_1368 : vector<8x256xf32>
      %add3A_1375 = arith.addf %add3A_1373, %mul3A_1374 : vector<8x256xf32>
      %get3A_1376 = arith.constant 0 : index
      %get3A_1377 = arith.constant 7936 : index
      %get3A_1378 = vector.load %arg3[%get3A_1376, %get3A_1377] : memref<8x16384xf32, #tpu.memory_space<vmem>>, vector<8x256xf32>
      %min3A_1379 = arith.minimumf %get3A_1378, %add3A_1375 : vector<8x256xf32>
      %swap3A_1380 = arith.constant 0 : index
      %swap3A_1381 = arith.constant 7936 : index
      %swap3A_1382 = vector.load %arg3[%swap3A_1380, %swap3A_1381] : memref<8x16384xf32, #tpu.memory_space<vmem>>, vector<8x256xf32>
      tpu.vector_store %arg3[%swap3A_1380, %swap3A_1381], %min3A_1379 {strides = array<i32>} : memref<8x16384xf32, #tpu.memory_space<vmem>>, vector<8x256xf32>,
      %gt3A_1383 = arith.cmpf ogt, %min3A_1379, %max3A_1343 : vector<8x256xf32>
      %max3A_1384 = arith.maximumf %max3A_1343, %min3A_1379 : vector<8x256xf32>
      %jit3A_1385 = arith.constant 31 : i32
      %broadcast_in_dim3A_1386 = vector.broadcast %jit3A_1385 : i32 to vector<8x256xi32>
      %select_n3A_1387 = arith.select %gt3A_1383, %broadcast_in_dim3A_1386, %select_n3A_1346 : vector<8x256xi1>, vector<8x256xi32>
      %select_n3A_1388 = arith.select %gt3A_1383, %get3A_1354, %select_n3A_1347 : vector<8x256xi1>, vector<8x256xf32>
      %select_n3A_1389 = arith.select %gt3A_1383, %get3A_1359, %select_n3A_1348 : vector<8x256xi1>, vector<8x256xf32>
      %select_n3A_1390 = arith.select %gt3A_1383, %get3A_1364, %select_n3A_1349 : vector<8x256xi1>, vector<8x256xf32>
      %get3A_1391 = arith.constant 0 : index
      %get3A_1392 = arith.constant 0 : index
      %get3A_1393 = arith.constant 8192 : index
      %get3A_1394 = vector.load %arg1[%get3A_1391, %get3A_1392, %get3A_1393] : memref<3x8x16384xf32, #tpu.memory_space<vmem>>, vector<1x8x256xf32>
      %get3A_1395 = vector.shape_cast %get3A_1394 : vector<1x8x256xf32> to vector<8x256xf32>
      %get3A_1396 = arith.constant 1 : index
      %get3A_1397 = arith.constant 0 : index
      %get3A_1398 = arith.constant 8192 : index
      %get3A_1399 = vector.load %arg1[%get3A_1396, %get3A_1397, %get3A_1398] : memref<3x8x16384xf32, #tpu.memory_space<vmem>>, vector<1x8x256xf32>
      %get3A_1400 = vector.shape_cast %get3A_1399 : vector<1x8x256xf32> to vector<8x256xf32>
      %get3A_1401 = arith.constant 2 : index
      %get3A_1402 = arith.constant 0 : index
      %get3A_1403 = arith.constant 8192 : index
      %get3A_1404 = vector.load %arg1[%get3A_1401, %get3A_1402, %get3A_1403] : memref<3x8x16384xf32, #tpu.memory_space<vmem>>, vector<1x8x256xf32>
      %get3A_1405 = vector.shape_cast %get3A_1404 : vector<1x8x256xf32> to vector<8x256xf32>
      %sub3A_1406 = vector.broadcast %scan3A_35 : vector<8x1xf32> to vector<8x256xf32>
      %sub3A_1407 = arith.subf %get3A_1395, %sub3A_1406 : vector<8x256xf32>
      %sub3A_1408 = vector.broadcast %scan3A_36 : vector<8x1xf32> to vector<8x256xf32>
      %sub3A_1409 = arith.subf %get3A_1400, %sub3A_1408 : vector<8x256xf32>
      %sub3A_1410 = vector.broadcast %scan3A_37 : vector<8x1xf32> to vector<8x256xf32>
      %sub3A_1411 = arith.subf %get3A_1405, %sub3A_1410 : vector<8x256xf32>
      %mul3A_1412 = arith.mulf %sub3A_1407, %sub3A_1407 : vector<8x256xf32>
      %mul3A_1413 = arith.mulf %sub3A_1411, %sub3A_1411 : vector<8x256xf32>
      %add3A_1414 = arith.addf %mul3A_1412, %mul3A_1413 : vector<8x256xf32>
      %mul3A_1415 = arith.mulf %sub3A_1409, %sub3A_1409 : vector<8x256xf32>
      %add3A_1416 = arith.addf %add3A_1414, %mul3A_1415 : vector<8x256xf32>
      %get3A_1417 = arith.constant 0 : index
      %get3A_1418 = arith.constant 8192 : index
      %get3A_1419 = vector.load %arg3[%get3A_1417, %get3A_1418] : memref<8x16384xf32, #tpu.memory_space<vmem>>, vector<8x256xf32>
      %min3A_1420 = arith.minimumf %get3A_1419, %add3A_1416 : vector<8x256xf32>
      %swap3A_1421 = arith.constant 0 : index
      %swap3A_1422 = arith.constant 8192 : index
      %swap3A_1423 = vector.load %arg3[%swap3A_1421, %swap3A_1422] : memref<8x16384xf32, #tpu.memory_space<vmem>>, vector<8x256xf32>
      tpu.vector_store %arg3[%swap3A_1421, %swap3A_1422], %min3A_1420 {strides = array<i32>} : memref<8x16384xf32, #tpu.memory_space<vmem>>, vector<8x256xf32>,
      %gt3A_1424 = arith.cmpf ogt, %min3A_1420, %max3A_1384 : vector<8x256xf32>
      %max3A_1425 = arith.maximumf %max3A_1384, %min3A_1420 : vector<8x256xf32>
      %jit3A_1426 = arith.constant 32 : i32
      %broadcast_in_dim3A_1427 = vector.broadcast %jit3A_1426 : i32 to vector<8x256xi32>
      %select_n3A_1428 = arith.select %gt3A_1424, %broadcast_in_dim3A_1427, %select_n3A_1387 : vector<8x256xi1>, vector<8x256xi32>
      %select_n3A_1429 = arith.select %gt3A_1424, %get3A_1395, %select_n3A_1388 : vector<8x256xi1>, vector<8x256xf32>
      %select_n3A_1430 = arith.select %gt3A_1424, %get3A_1400, %select_n3A_1389 : vector<8x256xi1>, vector<8x256xf32>
      %select_n3A_1431 = arith.select %gt3A_1424, %get3A_1405, %select_n3A_1390 : vector<8x256xi1>, vector<8x256xf32>
      %get3A_1432 = arith.constant 0 : index
      %get3A_1433 = arith.constant 0 : index
      %get3A_1434 = arith.constant 8448 : index
      %get3A_1435 = vector.load %arg1[%get3A_1432, %get3A_1433, %get3A_1434] : memref<3x8x16384xf32, #tpu.memory_space<vmem>>, vector<1x8x256xf32>
      %get3A_1436 = vector.shape_cast %get3A_1435 : vector<1x8x256xf32> to vector<8x256xf32>
      %get3A_1437 = arith.constant 1 : index
      %get3A_1438 = arith.constant 0 : index
      %get3A_1439 = arith.constant 8448 : index
      %get3A_1440 = vector.load %arg1[%get3A_1437, %get3A_1438, %get3A_1439] : memref<3x8x16384xf32, #tpu.memory_space<vmem>>, vector<1x8x256xf32>
      %get3A_1441 = vector.shape_cast %get3A_1440 : vector<1x8x256xf32> to vector<8x256xf32>
      %get3A_1442 = arith.constant 2 : index
      %get3A_1443 = arith.constant 0 : index
      %get3A_1444 = arith.constant 8448 : index
      %get3A_1445 = vector.load %arg1[%get3A_1442, %get3A_1443, %get3A_1444] : memref<3x8x16384xf32, #tpu.memory_space<vmem>>, vector<1x8x256xf32>
      %get3A_1446 = vector.shape_cast %get3A_1445 : vector<1x8x256xf32> to vector<8x256xf32>
      %sub3A_1447 = vector.broadcast %scan3A_35 : vector<8x1xf32> to vector<8x256xf32>
      %sub3A_1448 = arith.subf %get3A_1436, %sub3A_1447 : vector<8x256xf32>
      %sub3A_1449 = vector.broadcast %scan3A_36 : vector<8x1xf32> to vector<8x256xf32>
      %sub3A_1450 = arith.subf %get3A_1441, %sub3A_1449 : vector<8x256xf32>
      %sub3A_1451 = vector.broadcast %scan3A_37 : vector<8x1xf32> to vector<8x256xf32>
      %sub3A_1452 = arith.subf %get3A_1446, %sub3A_1451 : vector<8x256xf32>
      %mul3A_1453 = arith.mulf %sub3A_1448, %sub3A_1448 : vector<8x256xf32>
      %mul3A_1454 = arith.mulf %sub3A_1452, %sub3A_1452 : vector<8x256xf32>
      %add3A_1455 = arith.addf %mul3A_1453, %mul3A_1454 : vector<8x256xf32>
      %mul3A_1456 = arith.mulf %sub3A_1450, %sub3A_1450 : vector<8x256xf32>
      %add3A_1457 = arith.addf %add3A_1455, %mul3A_1456 : vector<8x256xf32>
      %get3A_1458 = arith.constant 0 : index
      %get3A_1459 = arith.constant 8448 : index
      %get3A_1460 = vector.load %arg3[%get3A_1458, %get3A_1459] : memref<8x16384xf32, #tpu.memory_space<vmem>>, vector<8x256xf32>
      %min3A_1461 = arith.minimumf %get3A_1460, %add3A_1457 : vector<8x256xf32>
      %swap3A_1462 = arith.constant 0 : index
      %swap3A_1463 = arith.constant 8448 : index
      %swap3A_1464 = vector.load %arg3[%swap3A_1462, %swap3A_1463] : memref<8x16384xf32, #tpu.memory_space<vmem>>, vector<8x256xf32>
      tpu.vector_store %arg3[%swap3A_1462, %swap3A_1463], %min3A_1461 {strides = array<i32>} : memref<8x16384xf32, #tpu.memory_space<vmem>>, vector<8x256xf32>,
      %gt3A_1465 = arith.cmpf ogt, %min3A_1461, %max3A_1425 : vector<8x256xf32>
      %max3A_1466 = arith.maximumf %max3A_1425, %min3A_1461 : vector<8x256xf32>
      %jit3A_1467 = arith.constant 33 : i32
      %broadcast_in_dim3A_1468 = vector.broadcast %jit3A_1467 : i32 to vector<8x256xi32>
      %select_n3A_1469 = arith.select %gt3A_1465, %broadcast_in_dim3A_1468, %select_n3A_1428 : vector<8x256xi1>, vector<8x256xi32>
      %select_n3A_1470 = arith.select %gt3A_1465, %get3A_1436, %select_n3A_1429 : vector<8x256xi1>, vector<8x256xf32>
      %select_n3A_1471 = arith.select %gt3A_1465, %get3A_1441, %select_n3A_1430 : vector<8x256xi1>, vector<8x256xf32>
      %select_n3A_1472 = arith.select %gt3A_1465, %get3A_1446, %select_n3A_1431 : vector<8x256xi1>, vector<8x256xf32>
      %get3A_1473 = arith.constant 0 : index
      %get3A_1474 = arith.constant 0 : index
      %get3A_1475 = arith.constant 8704 : index
      %get3A_1476 = vector.load %arg1[%get3A_1473, %get3A_1474, %get3A_1475] : memref<3x8x16384xf32, #tpu.memory_space<vmem>>, vector<1x8x256xf32>
      %get3A_1477 = vector.shape_cast %get3A_1476 : vector<1x8x256xf32> to vector<8x256xf32>
      %get3A_1478 = arith.constant 1 : index
      %get3A_1479 = arith.constant 0 : index
      %get3A_1480 = arith.constant 8704 : index
      %get3A_1481 = vector.load %arg1[%get3A_1478, %get3A_1479, %get3A_1480] : memref<3x8x16384xf32, #tpu.memory_space<vmem>>, vector<1x8x256xf32>
      %get3A_1482 = vector.shape_cast %get3A_1481 : vector<1x8x256xf32> to vector<8x256xf32>
      %get3A_1483 = arith.constant 2 : index
      %get3A_1484 = arith.constant 0 : index
      %get3A_1485 = arith.constant 8704 : index
      %get3A_1486 = vector.load %arg1[%get3A_1483, %get3A_1484, %get3A_1485] : memref<3x8x16384xf32, #tpu.memory_space<vmem>>, vector<1x8x256xf32>
      %get3A_1487 = vector.shape_cast %get3A_1486 : vector<1x8x256xf32> to vector<8x256xf32>
      %sub3A_1488 = vector.broadcast %scan3A_35 : vector<8x1xf32> to vector<8x256xf32>
      %sub3A_1489 = arith.subf %get3A_1477, %sub3A_1488 : vector<8x256xf32>
      %sub3A_1490 = vector.broadcast %scan3A_36 : vector<8x1xf32> to vector<8x256xf32>
      %sub3A_1491 = arith.subf %get3A_1482, %sub3A_1490 : vector<8x256xf32>
      %sub3A_1492 = vector.broadcast %scan3A_37 : vector<8x1xf32> to vector<8x256xf32>
      %sub3A_1493 = arith.subf %get3A_1487, %sub3A_1492 : vector<8x256xf32>
      %mul3A_1494 = arith.mulf %sub3A_1489, %sub3A_1489 : vector<8x256xf32>
      %mul3A_1495 = arith.mulf %sub3A_1493, %sub3A_1493 : vector<8x256xf32>
      %add3A_1496 = arith.addf %mul3A_1494, %mul3A_1495 : vector<8x256xf32>
      %mul3A_1497 = arith.mulf %sub3A_1491, %sub3A_1491 : vector<8x256xf32>
      %add3A_1498 = arith.addf %add3A_1496, %mul3A_1497 : vector<8x256xf32>
      %get3A_1499 = arith.constant 0 : index
      %get3A_1500 = arith.constant 8704 : index
      %get3A_1501 = vector.load %arg3[%get3A_1499, %get3A_1500] : memref<8x16384xf32, #tpu.memory_space<vmem>>, vector<8x256xf32>
      %min3A_1502 = arith.minimumf %get3A_1501, %add3A_1498 : vector<8x256xf32>
      %swap3A_1503 = arith.constant 0 : index
      %swap3A_1504 = arith.constant 8704 : index
      %swap3A_1505 = vector.load %arg3[%swap3A_1503, %swap3A_1504] : memref<8x16384xf32, #tpu.memory_space<vmem>>, vector<8x256xf32>
      tpu.vector_store %arg3[%swap3A_1503, %swap3A_1504], %min3A_1502 {strides = array<i32>} : memref<8x16384xf32, #tpu.memory_space<vmem>>, vector<8x256xf32>,
      %gt3A_1506 = arith.cmpf ogt, %min3A_1502, %max3A_1466 : vector<8x256xf32>
      %max3A_1507 = arith.maximumf %max3A_1466, %min3A_1502 : vector<8x256xf32>
      %jit3A_1508 = arith.constant 34 : i32
      %broadcast_in_dim3A_1509 = vector.broadcast %jit3A_1508 : i32 to vector<8x256xi32>
      %select_n3A_1510 = arith.select %gt3A_1506, %broadcast_in_dim3A_1509, %select_n3A_1469 : vector<8x256xi1>, vector<8x256xi32>
      %select_n3A_1511 = arith.select %gt3A_1506, %get3A_1477, %select_n3A_1470 : vector<8x256xi1>, vector<8x256xf32>
      %select_n3A_1512 = arith.select %gt3A_1506, %get3A_1482, %select_n3A_1471 : vector<8x256xi1>, vector<8x256xf32>
      %select_n3A_1513 = arith.select %gt3A_1506, %get3A_1487, %select_n3A_1472 : vector<8x256xi1>, vector<8x256xf32>
      %get3A_1514 = arith.constant 0 : index
      %get3A_1515 = arith.constant 0 : index
      %get3A_1516 = arith.constant 8960 : index
      %get3A_1517 = vector.load %arg1[%get3A_1514, %get3A_1515, %get3A_1516] : memref<3x8x16384xf32, #tpu.memory_space<vmem>>, vector<1x8x256xf32>
      %get3A_1518 = vector.shape_cast %get3A_1517 : vector<1x8x256xf32> to vector<8x256xf32>
      %get3A_1519 = arith.constant 1 : index
      %get3A_1520 = arith.constant 0 : index
      %get3A_1521 = arith.constant 8960 : index
      %get3A_1522 = vector.load %arg1[%get3A_1519, %get3A_1520, %get3A_1521] : memref<3x8x16384xf32, #tpu.memory_space<vmem>>, vector<1x8x256xf32>
      %get3A_1523 = vector.shape_cast %get3A_1522 : vector<1x8x256xf32> to vector<8x256xf32>
      %get3A_1524 = arith.constant 2 : index
      %get3A_1525 = arith.constant 0 : index
      %get3A_1526 = arith.constant 8960 : index
      %get3A_1527 = vector.load %arg1[%get3A_1524, %get3A_1525, %get3A_1526] : memref<3x8x16384xf32, #tpu.memory_space<vmem>>, vector<1x8x256xf32>
      %get3A_1528 = vector.shape_cast %get3A_1527 : vector<1x8x256xf32> to vector<8x256xf32>
      %sub3A_1529 = vector.broadcast %scan3A_35 : vector<8x1xf32> to vector<8x256xf32>
      %sub3A_1530 = arith.subf %get3A_1518, %sub3A_1529 : vector<8x256xf32>
      %sub3A_1531 = vector.broadcast %scan3A_36 : vector<8x1xf32> to vector<8x256xf32>
      %sub3A_1532 = arith.subf %get3A_1523, %sub3A_1531 : vector<8x256xf32>
      %sub3A_1533 = vector.broadcast %scan3A_37 : vector<8x1xf32> to vector<8x256xf32>
      %sub3A_1534 = arith.subf %get3A_1528, %sub3A_1533 : vector<8x256xf32>
      %mul3A_1535 = arith.mulf %sub3A_1530, %sub3A_1530 : vector<8x256xf32>
      %mul3A_1536 = arith.mulf %sub3A_1534, %sub3A_1534 : vector<8x256xf32>
      %add3A_1537 = arith.addf %mul3A_1535, %mul3A_1536 : vector<8x256xf32>
      %mul3A_1538 = arith.mulf %sub3A_1532, %sub3A_1532 : vector<8x256xf32>
      %add3A_1539 = arith.addf %add3A_1537, %mul3A_1538 : vector<8x256xf32>
      %get3A_1540 = arith.constant 0 : index
      %get3A_1541 = arith.constant 8960 : index
      %get3A_1542 = vector.load %arg3[%get3A_1540, %get3A_1541] : memref<8x16384xf32, #tpu.memory_space<vmem>>, vector<8x256xf32>
      %min3A_1543 = arith.minimumf %get3A_1542, %add3A_1539 : vector<8x256xf32>
      %swap3A_1544 = arith.constant 0 : index
      %swap3A_1545 = arith.constant 8960 : index
      %swap3A_1546 = vector.load %arg3[%swap3A_1544, %swap3A_1545] : memref<8x16384xf32, #tpu.memory_space<vmem>>, vector<8x256xf32>
      tpu.vector_store %arg3[%swap3A_1544, %swap3A_1545], %min3A_1543 {strides = array<i32>} : memref<8x16384xf32, #tpu.memory_space<vmem>>, vector<8x256xf32>,
      %gt3A_1547 = arith.cmpf ogt, %min3A_1543, %max3A_1507 : vector<8x256xf32>
      %max3A_1548 = arith.maximumf %max3A_1507, %min3A_1543 : vector<8x256xf32>
      %jit3A_1549 = arith.constant 35 : i32
      %broadcast_in_dim3A_1550 = vector.broadcast %jit3A_1549 : i32 to vector<8x256xi32>
      %select_n3A_1551 = arith.select %gt3A_1547, %broadcast_in_dim3A_1550, %select_n3A_1510 : vector<8x256xi1>, vector<8x256xi32>
      %select_n3A_1552 = arith.select %gt3A_1547, %get3A_1518, %select_n3A_1511 : vector<8x256xi1>, vector<8x256xf32>
      %select_n3A_1553 = arith.select %gt3A_1547, %get3A_1523, %select_n3A_1512 : vector<8x256xi1>, vector<8x256xf32>
      %select_n3A_1554 = arith.select %gt3A_1547, %get3A_1528, %select_n3A_1513 : vector<8x256xi1>, vector<8x256xf32>
      %get3A_1555 = arith.constant 0 : index
      %get3A_1556 = arith.constant 0 : index
      %get3A_1557 = arith.constant 9216 : index
      %get3A_1558 = vector.load %arg1[%get3A_1555, %get3A_1556, %get3A_1557] : memref<3x8x16384xf32, #tpu.memory_space<vmem>>, vector<1x8x256xf32>
      %get3A_1559 = vector.shape_cast %get3A_1558 : vector<1x8x256xf32> to vector<8x256xf32>
      %get3A_1560 = arith.constant 1 : index
      %get3A_1561 = arith.constant 0 : index
      %get3A_1562 = arith.constant 9216 : index
      %get3A_1563 = vector.load %arg1[%get3A_1560, %get3A_1561, %get3A_1562] : memref<3x8x16384xf32, #tpu.memory_space<vmem>>, vector<1x8x256xf32>
      %get3A_1564 = vector.shape_cast %get3A_1563 : vector<1x8x256xf32> to vector<8x256xf32>
      %get3A_1565 = arith.constant 2 : index
      %get3A_1566 = arith.constant 0 : index
      %get3A_1567 = arith.constant 9216 : index
      %get3A_1568 = vector.load %arg1[%get3A_1565, %get3A_1566, %get3A_1567] : memref<3x8x16384xf32, #tpu.memory_space<vmem>>, vector<1x8x256xf32>
      %get3A_1569 = vector.shape_cast %get3A_1568 : vector<1x8x256xf32> to vector<8x256xf32>
      %sub3A_1570 = vector.broadcast %scan3A_35 : vector<8x1xf32> to vector<8x256xf32>
      %sub3A_1571 = arith.subf %get3A_1559, %sub3A_1570 : vector<8x256xf32>
      %sub3A_1572 = vector.broadcast %scan3A_36 : vector<8x1xf32> to vector<8x256xf32>
      %sub3A_1573 = arith.subf %get3A_1564, %sub3A_1572 : vector<8x256xf32>
      %sub3A_1574 = vector.broadcast %scan3A_37 : vector<8x1xf32> to vector<8x256xf32>
      %sub3A_1575 = arith.subf %get3A_1569, %sub3A_1574 : vector<8x256xf32>
      %mul3A_1576 = arith.mulf %sub3A_1571, %sub3A_1571 : vector<8x256xf32>
      %mul3A_1577 = arith.mulf %sub3A_1575, %sub3A_1575 : vector<8x256xf32>
      %add3A_1578 = arith.addf %mul3A_1576, %mul3A_1577 : vector<8x256xf32>
      %mul3A_1579 = arith.mulf %sub3A_1573, %sub3A_1573 : vector<8x256xf32>
      %add3A_1580 = arith.addf %add3A_1578, %mul3A_1579 : vector<8x256xf32>
      %get3A_1581 = arith.constant 0 : index
      %get3A_1582 = arith.constant 9216 : index
      %get3A_1583 = vector.load %arg3[%get3A_1581, %get3A_1582] : memref<8x16384xf32, #tpu.memory_space<vmem>>, vector<8x256xf32>
      %min3A_1584 = arith.minimumf %get3A_1583, %add3A_1580 : vector<8x256xf32>
      %swap3A_1585 = arith.constant 0 : index
      %swap3A_1586 = arith.constant 9216 : index
      %swap3A_1587 = vector.load %arg3[%swap3A_1585, %swap3A_1586] : memref<8x16384xf32, #tpu.memory_space<vmem>>, vector<8x256xf32>
      tpu.vector_store %arg3[%swap3A_1585, %swap3A_1586], %min3A_1584 {strides = array<i32>} : memref<8x16384xf32, #tpu.memory_space<vmem>>, vector<8x256xf32>,
      %gt3A_1588 = arith.cmpf ogt, %min3A_1584, %max3A_1548 : vector<8x256xf32>
      %max3A_1589 = arith.maximumf %max3A_1548, %min3A_1584 : vector<8x256xf32>
      %jit3A_1590 = arith.constant 36 : i32
      %broadcast_in_dim3A_1591 = vector.broadcast %jit3A_1590 : i32 to vector<8x256xi32>
      %select_n3A_1592 = arith.select %gt3A_1588, %broadcast_in_dim3A_1591, %select_n3A_1551 : vector<8x256xi1>, vector<8x256xi32>
      %select_n3A_1593 = arith.select %gt3A_1588, %get3A_1559, %select_n3A_1552 : vector<8x256xi1>, vector<8x256xf32>
      %select_n3A_1594 = arith.select %gt3A_1588, %get3A_1564, %select_n3A_1553 : vector<8x256xi1>, vector<8x256xf32>
      %select_n3A_1595 = arith.select %gt3A_1588, %get3A_1569, %select_n3A_1554 : vector<8x256xi1>, vector<8x256xf32>
      %get3A_1596 = arith.constant 0 : index
      %get3A_1597 = arith.constant 0 : index
      %get3A_1598 = arith.constant 9472 : index
      %get3A_1599 = vector.load %arg1[%get3A_1596, %get3A_1597, %get3A_1598] : memref<3x8x16384xf32, #tpu.memory_space<vmem>>, vector<1x8x256xf32>
      %get3A_1600 = vector.shape_cast %get3A_1599 : vector<1x8x256xf32> to vector<8x256xf32>
      %get3A_1601 = arith.constant 1 : index
      %get3A_1602 = arith.constant 0 : index
      %get3A_1603 = arith.constant 9472 : index
      %get3A_1604 = vector.load %arg1[%get3A_1601, %get3A_1602, %get3A_1603] : memref<3x8x16384xf32, #tpu.memory_space<vmem>>, vector<1x8x256xf32>
      %get3A_1605 = vector.shape_cast %get3A_1604 : vector<1x8x256xf32> to vector<8x256xf32>
      %get3A_1606 = arith.constant 2 : index
      %get3A_1607 = arith.constant 0 : index
      %get3A_1608 = arith.constant 9472 : index
      %get3A_1609 = vector.load %arg1[%get3A_1606, %get3A_1607, %get3A_1608] : memref<3x8x16384xf32, #tpu.memory_space<vmem>>, vector<1x8x256xf32>
      %get3A_1610 = vector.shape_cast %get3A_1609 : vector<1x8x256xf32> to vector<8x256xf32>
      %sub3A_1611 = vector.broadcast %scan3A_35 : vector<8x1xf32> to vector<8x256xf32>
      %sub3A_1612 = arith.subf %get3A_1600, %sub3A_1611 : vector<8x256xf32>
      %sub3A_1613 = vector.broadcast %scan3A_36 : vector<8x1xf32> to vector<8x256xf32>
      %sub3A_1614 = arith.subf %get3A_1605, %sub3A_1613 : vector<8x256xf32>
      %sub3A_1615 = vector.broadcast %scan3A_37 : vector<8x1xf32> to vector<8x256xf32>
      %sub3A_1616 = arith.subf %get3A_1610, %sub3A_1615 : vector<8x256xf32>
      %mul3A_1617 = arith.mulf %sub3A_1612, %sub3A_1612 : vector<8x256xf32>
      %mul3A_1618 = arith.mulf %sub3A_1616, %sub3A_1616 : vector<8x256xf32>
      %add3A_1619 = arith.addf %mul3A_1617, %mul3A_1618 : vector<8x256xf32>
      %mul3A_1620 = arith.mulf %sub3A_1614, %sub3A_1614 : vector<8x256xf32>
      %add3A_1621 = arith.addf %add3A_1619, %mul3A_1620 : vector<8x256xf32>
      %get3A_1622 = arith.constant 0 : index
      %get3A_1623 = arith.constant 9472 : index
      %get3A_1624 = vector.load %arg3[%get3A_1622, %get3A_1623] : memref<8x16384xf32, #tpu.memory_space<vmem>>, vector<8x256xf32>
      %min3A_1625 = arith.minimumf %get3A_1624, %add3A_1621 : vector<8x256xf32>
      %swap3A_1626 = arith.constant 0 : index
      %swap3A_1627 = arith.constant 9472 : index
      %swap3A_1628 = vector.load %arg3[%swap3A_1626, %swap3A_1627] : memref<8x16384xf32, #tpu.memory_space<vmem>>, vector<8x256xf32>
      tpu.vector_store %arg3[%swap3A_1626, %swap3A_1627], %min3A_1625 {strides = array<i32>} : memref<8x16384xf32, #tpu.memory_space<vmem>>, vector<8x256xf32>,
      %gt3A_1629 = arith.cmpf ogt, %min3A_1625, %max3A_1589 : vector<8x256xf32>
      %max3A_1630 = arith.maximumf %max3A_1589, %min3A_1625 : vector<8x256xf32>
      %jit3A_1631 = arith.constant 37 : i32
      %broadcast_in_dim3A_1632 = vector.broadcast %jit3A_1631 : i32 to vector<8x256xi32>
      %select_n3A_1633 = arith.select %gt3A_1629, %broadcast_in_dim3A_1632, %select_n3A_1592 : vector<8x256xi1>, vector<8x256xi32>
      %select_n3A_1634 = arith.select %gt3A_1629, %get3A_1600, %select_n3A_1593 : vector<8x256xi1>, vector<8x256xf32>
      %select_n3A_1635 = arith.select %gt3A_1629, %get3A_1605, %select_n3A_1594 : vector<8x256xi1>, vector<8x256xf32>
      %select_n3A_1636 = arith.select %gt3A_1629, %get3A_1610, %select_n3A_1595 : vector<8x256xi1>, vector<8x256xf32>
      %get3A_1637 = arith.constant 0 : index
      %get3A_1638 = arith.constant 0 : index
      %get3A_1639 = arith.constant 9728 : index
      %get3A_1640 = vector.load %arg1[%get3A_1637, %get3A_1638, %get3A_1639] : memref<3x8x16384xf32, #tpu.memory_space<vmem>>, vector<1x8x256xf32>
      %get3A_1641 = vector.shape_cast %get3A_1640 : vector<1x8x256xf32> to vector<8x256xf32>
      %get3A_1642 = arith.constant 1 : index
      %get3A_1643 = arith.constant 0 : index
      %get3A_1644 = arith.constant 9728 : index
      %get3A_1645 = vector.load %arg1[%get3A_1642, %get3A_1643, %get3A_1644] : memref<3x8x16384xf32, #tpu.memory_space<vmem>>, vector<1x8x256xf32>
      %get3A_1646 = vector.shape_cast %get3A_1645 : vector<1x8x256xf32> to vector<8x256xf32>
      %get3A_1647 = arith.constant 2 : index
      %get3A_1648 = arith.constant 0 : index
      %get3A_1649 = arith.constant 9728 : index
      %get3A_1650 = vector.load %arg1[%get3A_1647, %get3A_1648, %get3A_1649] : memref<3x8x16384xf32, #tpu.memory_space<vmem>>, vector<1x8x256xf32>
      %get3A_1651 = vector.shape_cast %get3A_1650 : vector<1x8x256xf32> to vector<8x256xf32>
      %sub3A_1652 = vector.broadcast %scan3A_35 : vector<8x1xf32> to vector<8x256xf32>
      %sub3A_1653 = arith.subf %get3A_1641, %sub3A_1652 : vector<8x256xf32>
      %sub3A_1654 = vector.broadcast %scan3A_36 : vector<8x1xf32> to vector<8x256xf32>
      %sub3A_1655 = arith.subf %get3A_1646, %sub3A_1654 : vector<8x256xf32>
      %sub3A_1656 = vector.broadcast %scan3A_37 : vector<8x1xf32> to vector<8x256xf32>
      %sub3A_1657 = arith.subf %get3A_1651, %sub3A_1656 : vector<8x256xf32>
      %mul3A_1658 = arith.mulf %sub3A_1653, %sub3A_1653 : vector<8x256xf32>
      %mul3A_1659 = arith.mulf %sub3A_1657, %sub3A_1657 : vector<8x256xf32>
      %add3A_1660 = arith.addf %mul3A_1658, %mul3A_1659 : vector<8x256xf32>
      %mul3A_1661 = arith.mulf %sub3A_1655, %sub3A_1655 : vector<8x256xf32>
      %add3A_1662 = arith.addf %add3A_1660, %mul3A_1661 : vector<8x256xf32>
      %get3A_1663 = arith.constant 0 : index
      %get3A_1664 = arith.constant 9728 : index
      %get3A_1665 = vector.load %arg3[%get3A_1663, %get3A_1664] : memref<8x16384xf32, #tpu.memory_space<vmem>>, vector<8x256xf32>
      %min3A_1666 = arith.minimumf %get3A_1665, %add3A_1662 : vector<8x256xf32>
      %swap3A_1667 = arith.constant 0 : index
      %swap3A_1668 = arith.constant 9728 : index
      %swap3A_1669 = vector.load %arg3[%swap3A_1667, %swap3A_1668] : memref<8x16384xf32, #tpu.memory_space<vmem>>, vector<8x256xf32>
      tpu.vector_store %arg3[%swap3A_1667, %swap3A_1668], %min3A_1666 {strides = array<i32>} : memref<8x16384xf32, #tpu.memory_space<vmem>>, vector<8x256xf32>,
      %gt3A_1670 = arith.cmpf ogt, %min3A_1666, %max3A_1630 : vector<8x256xf32>
      %max3A_1671 = arith.maximumf %max3A_1630, %min3A_1666 : vector<8x256xf32>
      %jit3A_1672 = arith.constant 38 : i32
      %broadcast_in_dim3A_1673 = vector.broadcast %jit3A_1672 : i32 to vector<8x256xi32>
      %select_n3A_1674 = arith.select %gt3A_1670, %broadcast_in_dim3A_1673, %select_n3A_1633 : vector<8x256xi1>, vector<8x256xi32>
      %select_n3A_1675 = arith.select %gt3A_1670, %get3A_1641, %select_n3A_1634 : vector<8x256xi1>, vector<8x256xf32>
      %select_n3A_1676 = arith.select %gt3A_1670, %get3A_1646, %select_n3A_1635 : vector<8x256xi1>, vector<8x256xf32>
      %select_n3A_1677 = arith.select %gt3A_1670, %get3A_1651, %select_n3A_1636 : vector<8x256xi1>, vector<8x256xf32>
      %get3A_1678 = arith.constant 0 : index
      %get3A_1679 = arith.constant 0 : index
      %get3A_1680 = arith.constant 9984 : index
      %get3A_1681 = vector.load %arg1[%get3A_1678, %get3A_1679, %get3A_1680] : memref<3x8x16384xf32, #tpu.memory_space<vmem>>, vector<1x8x256xf32>
      %get3A_1682 = vector.shape_cast %get3A_1681 : vector<1x8x256xf32> to vector<8x256xf32>
      %get3A_1683 = arith.constant 1 : index
      %get3A_1684 = arith.constant 0 : index
      %get3A_1685 = arith.constant 9984 : index
      %get3A_1686 = vector.load %arg1[%get3A_1683, %get3A_1684, %get3A_1685] : memref<3x8x16384xf32, #tpu.memory_space<vmem>>, vector<1x8x256xf32>
      %get3A_1687 = vector.shape_cast %get3A_1686 : vector<1x8x256xf32> to vector<8x256xf32>
      %get3A_1688 = arith.constant 2 : index
      %get3A_1689 = arith.constant 0 : index
      %get3A_1690 = arith.constant 9984 : index
      %get3A_1691 = vector.load %arg1[%get3A_1688, %get3A_1689, %get3A_1690] : memref<3x8x16384xf32, #tpu.memory_space<vmem>>, vector<1x8x256xf32>
      %get3A_1692 = vector.shape_cast %get3A_1691 : vector<1x8x256xf32> to vector<8x256xf32>
      %sub3A_1693 = vector.broadcast %scan3A_35 : vector<8x1xf32> to vector<8x256xf32>
      %sub3A_1694 = arith.subf %get3A_1682, %sub3A_1693 : vector<8x256xf32>
      %sub3A_1695 = vector.broadcast %scan3A_36 : vector<8x1xf32> to vector<8x256xf32>
      %sub3A_1696 = arith.subf %get3A_1687, %sub3A_1695 : vector<8x256xf32>
      %sub3A_1697 = vector.broadcast %scan3A_37 : vector<8x1xf32> to vector<8x256xf32>
      %sub3A_1698 = arith.subf %get3A_1692, %sub3A_1697 : vector<8x256xf32>
      %mul3A_1699 = arith.mulf %sub3A_1694, %sub3A_1694 : vector<8x256xf32>
      %mul3A_1700 = arith.mulf %sub3A_1698, %sub3A_1698 : vector<8x256xf32>
      %add3A_1701 = arith.addf %mul3A_1699, %mul3A_1700 : vector<8x256xf32>
      %mul3A_1702 = arith.mulf %sub3A_1696, %sub3A_1696 : vector<8x256xf32>
      %add3A_1703 = arith.addf %add3A_1701, %mul3A_1702 : vector<8x256xf32>
      %get3A_1704 = arith.constant 0 : index
      %get3A_1705 = arith.constant 9984 : index
      %get3A_1706 = vector.load %arg3[%get3A_1704, %get3A_1705] : memref<8x16384xf32, #tpu.memory_space<vmem>>, vector<8x256xf32>
      %min3A_1707 = arith.minimumf %get3A_1706, %add3A_1703 : vector<8x256xf32>
      %swap3A_1708 = arith.constant 0 : index
      %swap3A_1709 = arith.constant 9984 : index
      %swap3A_1710 = vector.load %arg3[%swap3A_1708, %swap3A_1709] : memref<8x16384xf32, #tpu.memory_space<vmem>>, vector<8x256xf32>
      tpu.vector_store %arg3[%swap3A_1708, %swap3A_1709], %min3A_1707 {strides = array<i32>} : memref<8x16384xf32, #tpu.memory_space<vmem>>, vector<8x256xf32>,
      %gt3A_1711 = arith.cmpf ogt, %min3A_1707, %max3A_1671 : vector<8x256xf32>
      %max3A_1712 = arith.maximumf %max3A_1671, %min3A_1707 : vector<8x256xf32>
      %jit3A_1713 = arith.constant 39 : i32
      %broadcast_in_dim3A_1714 = vector.broadcast %jit3A_1713 : i32 to vector<8x256xi32>
      %select_n3A_1715 = arith.select %gt3A_1711, %broadcast_in_dim3A_1714, %select_n3A_1674 : vector<8x256xi1>, vector<8x256xi32>
      %select_n3A_1716 = arith.select %gt3A_1711, %get3A_1682, %select_n3A_1675 : vector<8x256xi1>, vector<8x256xf32>
      %select_n3A_1717 = arith.select %gt3A_1711, %get3A_1687, %select_n3A_1676 : vector<8x256xi1>, vector<8x256xf32>
      %select_n3A_1718 = arith.select %gt3A_1711, %get3A_1692, %select_n3A_1677 : vector<8x256xi1>, vector<8x256xf32>
      %get3A_1719 = arith.constant 0 : index
      %get3A_1720 = arith.constant 0 : index
      %get3A_1721 = arith.constant 10240 : index
      %get3A_1722 = vector.load %arg1[%get3A_1719, %get3A_1720, %get3A_1721] : memref<3x8x16384xf32, #tpu.memory_space<vmem>>, vector<1x8x256xf32>
      %get3A_1723 = vector.shape_cast %get3A_1722 : vector<1x8x256xf32> to vector<8x256xf32>
      %get3A_1724 = arith.constant 1 : index
      %get3A_1725 = arith.constant 0 : index
      %get3A_1726 = arith.constant 10240 : index
      %get3A_1727 = vector.load %arg1[%get3A_1724, %get3A_1725, %get3A_1726] : memref<3x8x16384xf32, #tpu.memory_space<vmem>>, vector<1x8x256xf32>
      %get3A_1728 = vector.shape_cast %get3A_1727 : vector<1x8x256xf32> to vector<8x256xf32>
      %get3A_1729 = arith.constant 2 : index
      %get3A_1730 = arith.constant 0 : index
      %get3A_1731 = arith.constant 10240 : index
      %get3A_1732 = vector.load %arg1[%get3A_1729, %get3A_1730, %get3A_1731] : memref<3x8x16384xf32, #tpu.memory_space<vmem>>, vector<1x8x256xf32>
      %get3A_1733 = vector.shape_cast %get3A_1732 : vector<1x8x256xf32> to vector<8x256xf32>
      %sub3A_1734 = vector.broadcast %scan3A_35 : vector<8x1xf32> to vector<8x256xf32>
      %sub3A_1735 = arith.subf %get3A_1723, %sub3A_1734 : vector<8x256xf32>
      %sub3A_1736 = vector.broadcast %scan3A_36 : vector<8x1xf32> to vector<8x256xf32>
      %sub3A_1737 = arith.subf %get3A_1728, %sub3A_1736 : vector<8x256xf32>
      %sub3A_1738 = vector.broadcast %scan3A_37 : vector<8x1xf32> to vector<8x256xf32>
      %sub3A_1739 = arith.subf %get3A_1733, %sub3A_1738 : vector<8x256xf32>
      %mul3A_1740 = arith.mulf %sub3A_1735, %sub3A_1735 : vector<8x256xf32>
      %mul3A_1741 = arith.mulf %sub3A_1739, %sub3A_1739 : vector<8x256xf32>
      %add3A_1742 = arith.addf %mul3A_1740, %mul3A_1741 : vector<8x256xf32>
      %mul3A_1743 = arith.mulf %sub3A_1737, %sub3A_1737 : vector<8x256xf32>
      %add3A_1744 = arith.addf %add3A_1742, %mul3A_1743 : vector<8x256xf32>
      %get3A_1745 = arith.constant 0 : index
      %get3A_1746 = arith.constant 10240 : index
      %get3A_1747 = vector.load %arg3[%get3A_1745, %get3A_1746] : memref<8x16384xf32, #tpu.memory_space<vmem>>, vector<8x256xf32>
      %min3A_1748 = arith.minimumf %get3A_1747, %add3A_1744 : vector<8x256xf32>
      %swap3A_1749 = arith.constant 0 : index
      %swap3A_1750 = arith.constant 10240 : index
      %swap3A_1751 = vector.load %arg3[%swap3A_1749, %swap3A_1750] : memref<8x16384xf32, #tpu.memory_space<vmem>>, vector<8x256xf32>
      tpu.vector_store %arg3[%swap3A_1749, %swap3A_1750], %min3A_1748 {strides = array<i32>} : memref<8x16384xf32, #tpu.memory_space<vmem>>, vector<8x256xf32>,
      %gt3A_1752 = arith.cmpf ogt, %min3A_1748, %max3A_1712 : vector<8x256xf32>
      %max3A_1753 = arith.maximumf %max3A_1712, %min3A_1748 : vector<8x256xf32>
      %jit3A_1754 = arith.constant 40 : i32
      %broadcast_in_dim3A_1755 = vector.broadcast %jit3A_1754 : i32 to vector<8x256xi32>
      %select_n3A_1756 = arith.select %gt3A_1752, %broadcast_in_dim3A_1755, %select_n3A_1715 : vector<8x256xi1>, vector<8x256xi32>
      %select_n3A_1757 = arith.select %gt3A_1752, %get3A_1723, %select_n3A_1716 : vector<8x256xi1>, vector<8x256xf32>
      %select_n3A_1758 = arith.select %gt3A_1752, %get3A_1728, %select_n3A_1717 : vector<8x256xi1>, vector<8x256xf32>
      %select_n3A_1759 = arith.select %gt3A_1752, %get3A_1733, %select_n3A_1718 : vector<8x256xi1>, vector<8x256xf32>
      %get3A_1760 = arith.constant 0 : index
      %get3A_1761 = arith.constant 0 : index
      %get3A_1762 = arith.constant 10496 : index
      %get3A_1763 = vector.load %arg1[%get3A_1760, %get3A_1761, %get3A_1762] : memref<3x8x16384xf32, #tpu.memory_space<vmem>>, vector<1x8x256xf32>
      %get3A_1764 = vector.shape_cast %get3A_1763 : vector<1x8x256xf32> to vector<8x256xf32>
      %get3A_1765 = arith.constant 1 : index
      %get3A_1766 = arith.constant 0 : index
      %get3A_1767 = arith.constant 10496 : index
      %get3A_1768 = vector.load %arg1[%get3A_1765, %get3A_1766, %get3A_1767] : memref<3x8x16384xf32, #tpu.memory_space<vmem>>, vector<1x8x256xf32>
      %get3A_1769 = vector.shape_cast %get3A_1768 : vector<1x8x256xf32> to vector<8x256xf32>
      %get3A_1770 = arith.constant 2 : index
      %get3A_1771 = arith.constant 0 : index
      %get3A_1772 = arith.constant 10496 : index
      %get3A_1773 = vector.load %arg1[%get3A_1770, %get3A_1771, %get3A_1772] : memref<3x8x16384xf32, #tpu.memory_space<vmem>>, vector<1x8x256xf32>
      %get3A_1774 = vector.shape_cast %get3A_1773 : vector<1x8x256xf32> to vector<8x256xf32>
      %sub3A_1775 = vector.broadcast %scan3A_35 : vector<8x1xf32> to vector<8x256xf32>
      %sub3A_1776 = arith.subf %get3A_1764, %sub3A_1775 : vector<8x256xf32>
      %sub3A_1777 = vector.broadcast %scan3A_36 : vector<8x1xf32> to vector<8x256xf32>
      %sub3A_1778 = arith.subf %get3A_1769, %sub3A_1777 : vector<8x256xf32>
      %sub3A_1779 = vector.broadcast %scan3A_37 : vector<8x1xf32> to vector<8x256xf32>
      %sub3A_1780 = arith.subf %get3A_1774, %sub3A_1779 : vector<8x256xf32>
      %mul3A_1781 = arith.mulf %sub3A_1776, %sub3A_1776 : vector<8x256xf32>
      %mul3A_1782 = arith.mulf %sub3A_1780, %sub3A_1780 : vector<8x256xf32>
      %add3A_1783 = arith.addf %mul3A_1781, %mul3A_1782 : vector<8x256xf32>
      %mul3A_1784 = arith.mulf %sub3A_1778, %sub3A_1778 : vector<8x256xf32>
      %add3A_1785 = arith.addf %add3A_1783, %mul3A_1784 : vector<8x256xf32>
      %get3A_1786 = arith.constant 0 : index
      %get3A_1787 = arith.constant 10496 : index
      %get3A_1788 = vector.load %arg3[%get3A_1786, %get3A_1787] : memref<8x16384xf32, #tpu.memory_space<vmem>>, vector<8x256xf32>
      %min3A_1789 = arith.minimumf %get3A_1788, %add3A_1785 : vector<8x256xf32>
      %swap3A_1790 = arith.constant 0 : index
      %swap3A_1791 = arith.constant 10496 : index
      %swap3A_1792 = vector.load %arg3[%swap3A_1790, %swap3A_1791] : memref<8x16384xf32, #tpu.memory_space<vmem>>, vector<8x256xf32>
      tpu.vector_store %arg3[%swap3A_1790, %swap3A_1791], %min3A_1789 {strides = array<i32>} : memref<8x16384xf32, #tpu.memory_space<vmem>>, vector<8x256xf32>,
      %gt3A_1793 = arith.cmpf ogt, %min3A_1789, %max3A_1753 : vector<8x256xf32>
      %max3A_1794 = arith.maximumf %max3A_1753, %min3A_1789 : vector<8x256xf32>
      %jit3A_1795 = arith.constant 41 : i32
      %broadcast_in_dim3A_1796 = vector.broadcast %jit3A_1795 : i32 to vector<8x256xi32>
      %select_n3A_1797 = arith.select %gt3A_1793, %broadcast_in_dim3A_1796, %select_n3A_1756 : vector<8x256xi1>, vector<8x256xi32>
      %select_n3A_1798 = arith.select %gt3A_1793, %get3A_1764, %select_n3A_1757 : vector<8x256xi1>, vector<8x256xf32>
      %select_n3A_1799 = arith.select %gt3A_1793, %get3A_1769, %select_n3A_1758 : vector<8x256xi1>, vector<8x256xf32>
      %select_n3A_1800 = arith.select %gt3A_1793, %get3A_1774, %select_n3A_1759 : vector<8x256xi1>, vector<8x256xf32>
      %get3A_1801 = arith.constant 0 : index
      %get3A_1802 = arith.constant 0 : index
      %get3A_1803 = arith.constant 10752 : index
      %get3A_1804 = vector.load %arg1[%get3A_1801, %get3A_1802, %get3A_1803] : memref<3x8x16384xf32, #tpu.memory_space<vmem>>, vector<1x8x256xf32>
      %get3A_1805 = vector.shape_cast %get3A_1804 : vector<1x8x256xf32> to vector<8x256xf32>
      %get3A_1806 = arith.constant 1 : index
      %get3A_1807 = arith.constant 0 : index
      %get3A_1808 = arith.constant 10752 : index
      %get3A_1809 = vector.load %arg1[%get3A_1806, %get3A_1807, %get3A_1808] : memref<3x8x16384xf32, #tpu.memory_space<vmem>>, vector<1x8x256xf32>
      %get3A_1810 = vector.shape_cast %get3A_1809 : vector<1x8x256xf32> to vector<8x256xf32>
      %get3A_1811 = arith.constant 2 : index
      %get3A_1812 = arith.constant 0 : index
      %get3A_1813 = arith.constant 10752 : index
      %get3A_1814 = vector.load %arg1[%get3A_1811, %get3A_1812, %get3A_1813] : memref<3x8x16384xf32, #tpu.memory_space<vmem>>, vector<1x8x256xf32>
      %get3A_1815 = vector.shape_cast %get3A_1814 : vector<1x8x256xf32> to vector<8x256xf32>
      %sub3A_1816 = vector.broadcast %scan3A_35 : vector<8x1xf32> to vector<8x256xf32>
      %sub3A_1817 = arith.subf %get3A_1805, %sub3A_1816 : vector<8x256xf32>
      %sub3A_1818 = vector.broadcast %scan3A_36 : vector<8x1xf32> to vector<8x256xf32>
      %sub3A_1819 = arith.subf %get3A_1810, %sub3A_1818 : vector<8x256xf32>
      %sub3A_1820 = vector.broadcast %scan3A_37 : vector<8x1xf32> to vector<8x256xf32>
      %sub3A_1821 = arith.subf %get3A_1815, %sub3A_1820 : vector<8x256xf32>
      %mul3A_1822 = arith.mulf %sub3A_1817, %sub3A_1817 : vector<8x256xf32>
      %mul3A_1823 = arith.mulf %sub3A_1821, %sub3A_1821 : vector<8x256xf32>
      %add3A_1824 = arith.addf %mul3A_1822, %mul3A_1823 : vector<8x256xf32>
      %mul3A_1825 = arith.mulf %sub3A_1819, %sub3A_1819 : vector<8x256xf32>
      %add3A_1826 = arith.addf %add3A_1824, %mul3A_1825 : vector<8x256xf32>
      %get3A_1827 = arith.constant 0 : index
      %get3A_1828 = arith.constant 10752 : index
      %get3A_1829 = vector.load %arg3[%get3A_1827, %get3A_1828] : memref<8x16384xf32, #tpu.memory_space<vmem>>, vector<8x256xf32>
      %min3A_1830 = arith.minimumf %get3A_1829, %add3A_1826 : vector<8x256xf32>
      %swap3A_1831 = arith.constant 0 : index
      %swap3A_1832 = arith.constant 10752 : index
      %swap3A_1833 = vector.load %arg3[%swap3A_1831, %swap3A_1832] : memref<8x16384xf32, #tpu.memory_space<vmem>>, vector<8x256xf32>
      tpu.vector_store %arg3[%swap3A_1831, %swap3A_1832], %min3A_1830 {strides = array<i32>} : memref<8x16384xf32, #tpu.memory_space<vmem>>, vector<8x256xf32>,
      %gt3A_1834 = arith.cmpf ogt, %min3A_1830, %max3A_1794 : vector<8x256xf32>
      %max3A_1835 = arith.maximumf %max3A_1794, %min3A_1830 : vector<8x256xf32>
      %jit3A_1836 = arith.constant 42 : i32
      %broadcast_in_dim3A_1837 = vector.broadcast %jit3A_1836 : i32 to vector<8x256xi32>
      %select_n3A_1838 = arith.select %gt3A_1834, %broadcast_in_dim3A_1837, %select_n3A_1797 : vector<8x256xi1>, vector<8x256xi32>
      %select_n3A_1839 = arith.select %gt3A_1834, %get3A_1805, %select_n3A_1798 : vector<8x256xi1>, vector<8x256xf32>
      %select_n3A_1840 = arith.select %gt3A_1834, %get3A_1810, %select_n3A_1799 : vector<8x256xi1>, vector<8x256xf32>
      %select_n3A_1841 = arith.select %gt3A_1834, %get3A_1815, %select_n3A_1800 : vector<8x256xi1>, vector<8x256xf32>
      %get3A_1842 = arith.constant 0 : index
      %get3A_1843 = arith.constant 0 : index
      %get3A_1844 = arith.constant 11008 : index
      %get3A_1845 = vector.load %arg1[%get3A_1842, %get3A_1843, %get3A_1844] : memref<3x8x16384xf32, #tpu.memory_space<vmem>>, vector<1x8x256xf32>
      %get3A_1846 = vector.shape_cast %get3A_1845 : vector<1x8x256xf32> to vector<8x256xf32>
      %get3A_1847 = arith.constant 1 : index
      %get3A_1848 = arith.constant 0 : index
      %get3A_1849 = arith.constant 11008 : index
      %get3A_1850 = vector.load %arg1[%get3A_1847, %get3A_1848, %get3A_1849] : memref<3x8x16384xf32, #tpu.memory_space<vmem>>, vector<1x8x256xf32>
      %get3A_1851 = vector.shape_cast %get3A_1850 : vector<1x8x256xf32> to vector<8x256xf32>
      %get3A_1852 = arith.constant 2 : index
      %get3A_1853 = arith.constant 0 : index
      %get3A_1854 = arith.constant 11008 : index
      %get3A_1855 = vector.load %arg1[%get3A_1852, %get3A_1853, %get3A_1854] : memref<3x8x16384xf32, #tpu.memory_space<vmem>>, vector<1x8x256xf32>
      %get3A_1856 = vector.shape_cast %get3A_1855 : vector<1x8x256xf32> to vector<8x256xf32>
      %sub3A_1857 = vector.broadcast %scan3A_35 : vector<8x1xf32> to vector<8x256xf32>
      %sub3A_1858 = arith.subf %get3A_1846, %sub3A_1857 : vector<8x256xf32>
      %sub3A_1859 = vector.broadcast %scan3A_36 : vector<8x1xf32> to vector<8x256xf32>
      %sub3A_1860 = arith.subf %get3A_1851, %sub3A_1859 : vector<8x256xf32>
      %sub3A_1861 = vector.broadcast %scan3A_37 : vector<8x1xf32> to vector<8x256xf32>
      %sub3A_1862 = arith.subf %get3A_1856, %sub3A_1861 : vector<8x256xf32>
      %mul3A_1863 = arith.mulf %sub3A_1858, %sub3A_1858 : vector<8x256xf32>
      %mul3A_1864 = arith.mulf %sub3A_1862, %sub3A_1862 : vector<8x256xf32>
      %add3A_1865 = arith.addf %mul3A_1863, %mul3A_1864 : vector<8x256xf32>
      %mul3A_1866 = arith.mulf %sub3A_1860, %sub3A_1860 : vector<8x256xf32>
      %add3A_1867 = arith.addf %add3A_1865, %mul3A_1866 : vector<8x256xf32>
      %get3A_1868 = arith.constant 0 : index
      %get3A_1869 = arith.constant 11008 : index
      %get3A_1870 = vector.load %arg3[%get3A_1868, %get3A_1869] : memref<8x16384xf32, #tpu.memory_space<vmem>>, vector<8x256xf32>
      %min3A_1871 = arith.minimumf %get3A_1870, %add3A_1867 : vector<8x256xf32>
      %swap3A_1872 = arith.constant 0 : index
      %swap3A_1873 = arith.constant 11008 : index
      %swap3A_1874 = vector.load %arg3[%swap3A_1872, %swap3A_1873] : memref<8x16384xf32, #tpu.memory_space<vmem>>, vector<8x256xf32>
      tpu.vector_store %arg3[%swap3A_1872, %swap3A_1873], %min3A_1871 {strides = array<i32>} : memref<8x16384xf32, #tpu.memory_space<vmem>>, vector<8x256xf32>,
      %gt3A_1875 = arith.cmpf ogt, %min3A_1871, %max3A_1835 : vector<8x256xf32>
      %max3A_1876 = arith.maximumf %max3A_1835, %min3A_1871 : vector<8x256xf32>
      %jit3A_1877 = arith.constant 43 : i32
      %broadcast_in_dim3A_1878 = vector.broadcast %jit3A_1877 : i32 to vector<8x256xi32>
      %select_n3A_1879 = arith.select %gt3A_1875, %broadcast_in_dim3A_1878, %select_n3A_1838 : vector<8x256xi1>, vector<8x256xi32>
      %select_n3A_1880 = arith.select %gt3A_1875, %get3A_1846, %select_n3A_1839 : vector<8x256xi1>, vector<8x256xf32>
      %select_n3A_1881 = arith.select %gt3A_1875, %get3A_1851, %select_n3A_1840 : vector<8x256xi1>, vector<8x256xf32>
      %select_n3A_1882 = arith.select %gt3A_1875, %get3A_1856, %select_n3A_1841 : vector<8x256xi1>, vector<8x256xf32>
      %get3A_1883 = arith.constant 0 : index
      %get3A_1884 = arith.constant 0 : index
      %get3A_1885 = arith.constant 11264 : index
      %get3A_1886 = vector.load %arg1[%get3A_1883, %get3A_1884, %get3A_1885] : memref<3x8x16384xf32, #tpu.memory_space<vmem>>, vector<1x8x256xf32>
      %get3A_1887 = vector.shape_cast %get3A_1886 : vector<1x8x256xf32> to vector<8x256xf32>
      %get3A_1888 = arith.constant 1 : index
      %get3A_1889 = arith.constant 0 : index
      %get3A_1890 = arith.constant 11264 : index
      %get3A_1891 = vector.load %arg1[%get3A_1888, %get3A_1889, %get3A_1890] : memref<3x8x16384xf32, #tpu.memory_space<vmem>>, vector<1x8x256xf32>
      %get3A_1892 = vector.shape_cast %get3A_1891 : vector<1x8x256xf32> to vector<8x256xf32>
      %get3A_1893 = arith.constant 2 : index
      %get3A_1894 = arith.constant 0 : index
      %get3A_1895 = arith.constant 11264 : index
      %get3A_1896 = vector.load %arg1[%get3A_1893, %get3A_1894, %get3A_1895] : memref<3x8x16384xf32, #tpu.memory_space<vmem>>, vector<1x8x256xf32>
      %get3A_1897 = vector.shape_cast %get3A_1896 : vector<1x8x256xf32> to vector<8x256xf32>
      %sub3A_1898 = vector.broadcast %scan3A_35 : vector<8x1xf32> to vector<8x256xf32>
      %sub3A_1899 = arith.subf %get3A_1887, %sub3A_1898 : vector<8x256xf32>
      %sub3A_1900 = vector.broadcast %scan3A_36 : vector<8x1xf32> to vector<8x256xf32>
      %sub3A_1901 = arith.subf %get3A_1892, %sub3A_1900 : vector<8x256xf32>
      %sub3A_1902 = vector.broadcast %scan3A_37 : vector<8x1xf32> to vector<8x256xf32>
      %sub3A_1903 = arith.subf %get3A_1897, %sub3A_1902 : vector<8x256xf32>
      %mul3A_1904 = arith.mulf %sub3A_1899, %sub3A_1899 : vector<8x256xf32>
      %mul3A_1905 = arith.mulf %sub3A_1903, %sub3A_1903 : vector<8x256xf32>
      %add3A_1906 = arith.addf %mul3A_1904, %mul3A_1905 : vector<8x256xf32>
      %mul3A_1907 = arith.mulf %sub3A_1901, %sub3A_1901 : vector<8x256xf32>
      %add3A_1908 = arith.addf %add3A_1906, %mul3A_1907 : vector<8x256xf32>
      %get3A_1909 = arith.constant 0 : index
      %get3A_1910 = arith.constant 11264 : index
      %get3A_1911 = vector.load %arg3[%get3A_1909, %get3A_1910] : memref<8x16384xf32, #tpu.memory_space<vmem>>, vector<8x256xf32>
      %min3A_1912 = arith.minimumf %get3A_1911, %add3A_1908 : vector<8x256xf32>
      %swap3A_1913 = arith.constant 0 : index
      %swap3A_1914 = arith.constant 11264 : index
      %swap3A_1915 = vector.load %arg3[%swap3A_1913, %swap3A_1914] : memref<8x16384xf32, #tpu.memory_space<vmem>>, vector<8x256xf32>
      tpu.vector_store %arg3[%swap3A_1913, %swap3A_1914], %min3A_1912 {strides = array<i32>} : memref<8x16384xf32, #tpu.memory_space<vmem>>, vector<8x256xf32>,
      %gt3A_1916 = arith.cmpf ogt, %min3A_1912, %max3A_1876 : vector<8x256xf32>
      %max3A_1917 = arith.maximumf %max3A_1876, %min3A_1912 : vector<8x256xf32>
      %jit3A_1918 = arith.constant 44 : i32
      %broadcast_in_dim3A_1919 = vector.broadcast %jit3A_1918 : i32 to vector<8x256xi32>
      %select_n3A_1920 = arith.select %gt3A_1916, %broadcast_in_dim3A_1919, %select_n3A_1879 : vector<8x256xi1>, vector<8x256xi32>
      %select_n3A_1921 = arith.select %gt3A_1916, %get3A_1887, %select_n3A_1880 : vector<8x256xi1>, vector<8x256xf32>
      %select_n3A_1922 = arith.select %gt3A_1916, %get3A_1892, %select_n3A_1881 : vector<8x256xi1>, vector<8x256xf32>
      %select_n3A_1923 = arith.select %gt3A_1916, %get3A_1897, %select_n3A_1882 : vector<8x256xi1>, vector<8x256xf32>
      %get3A_1924 = arith.constant 0 : index
      %get3A_1925 = arith.constant 0 : index
      %get3A_1926 = arith.constant 11520 : index
      %get3A_1927 = vector.load %arg1[%get3A_1924, %get3A_1925, %get3A_1926] : memref<3x8x16384xf32, #tpu.memory_space<vmem>>, vector<1x8x256xf32>
      %get3A_1928 = vector.shape_cast %get3A_1927 : vector<1x8x256xf32> to vector<8x256xf32>
      %get3A_1929 = arith.constant 1 : index
      %get3A_1930 = arith.constant 0 : index
      %get3A_1931 = arith.constant 11520 : index
      %get3A_1932 = vector.load %arg1[%get3A_1929, %get3A_1930, %get3A_1931] : memref<3x8x16384xf32, #tpu.memory_space<vmem>>, vector<1x8x256xf32>
      %get3A_1933 = vector.shape_cast %get3A_1932 : vector<1x8x256xf32> to vector<8x256xf32>
      %get3A_1934 = arith.constant 2 : index
      %get3A_1935 = arith.constant 0 : index
      %get3A_1936 = arith.constant 11520 : index
      %get3A_1937 = vector.load %arg1[%get3A_1934, %get3A_1935, %get3A_1936] : memref<3x8x16384xf32, #tpu.memory_space<vmem>>, vector<1x8x256xf32>
      %get3A_1938 = vector.shape_cast %get3A_1937 : vector<1x8x256xf32> to vector<8x256xf32>
      %sub3A_1939 = vector.broadcast %scan3A_35 : vector<8x1xf32> to vector<8x256xf32>
      %sub3A_1940 = arith.subf %get3A_1928, %sub3A_1939 : vector<8x256xf32>
      %sub3A_1941 = vector.broadcast %scan3A_36 : vector<8x1xf32> to vector<8x256xf32>
      %sub3A_1942 = arith.subf %get3A_1933, %sub3A_1941 : vector<8x256xf32>
      %sub3A_1943 = vector.broadcast %scan3A_37 : vector<8x1xf32> to vector<8x256xf32>
      %sub3A_1944 = arith.subf %get3A_1938, %sub3A_1943 : vector<8x256xf32>
      %mul3A_1945 = arith.mulf %sub3A_1940, %sub3A_1940 : vector<8x256xf32>
      %mul3A_1946 = arith.mulf %sub3A_1944, %sub3A_1944 : vector<8x256xf32>
      %add3A_1947 = arith.addf %mul3A_1945, %mul3A_1946 : vector<8x256xf32>
      %mul3A_1948 = arith.mulf %sub3A_1942, %sub3A_1942 : vector<8x256xf32>
      %add3A_1949 = arith.addf %add3A_1947, %mul3A_1948 : vector<8x256xf32>
      %get3A_1950 = arith.constant 0 : index
      %get3A_1951 = arith.constant 11520 : index
      %get3A_1952 = vector.load %arg3[%get3A_1950, %get3A_1951] : memref<8x16384xf32, #tpu.memory_space<vmem>>, vector<8x256xf32>
      %min3A_1953 = arith.minimumf %get3A_1952, %add3A_1949 : vector<8x256xf32>
      %swap3A_1954 = arith.constant 0 : index
      %swap3A_1955 = arith.constant 11520 : index
      %swap3A_1956 = vector.load %arg3[%swap3A_1954, %swap3A_1955] : memref<8x16384xf32, #tpu.memory_space<vmem>>, vector<8x256xf32>
      tpu.vector_store %arg3[%swap3A_1954, %swap3A_1955], %min3A_1953 {strides = array<i32>} : memref<8x16384xf32, #tpu.memory_space<vmem>>, vector<8x256xf32>,
      %gt3A_1957 = arith.cmpf ogt, %min3A_1953, %max3A_1917 : vector<8x256xf32>
      %max3A_1958 = arith.maximumf %max3A_1917, %min3A_1953 : vector<8x256xf32>
      %jit3A_1959 = arith.constant 45 : i32
      %broadcast_in_dim3A_1960 = vector.broadcast %jit3A_1959 : i32 to vector<8x256xi32>
      %select_n3A_1961 = arith.select %gt3A_1957, %broadcast_in_dim3A_1960, %select_n3A_1920 : vector<8x256xi1>, vector<8x256xi32>
      %select_n3A_1962 = arith.select %gt3A_1957, %get3A_1928, %select_n3A_1921 : vector<8x256xi1>, vector<8x256xf32>
      %select_n3A_1963 = arith.select %gt3A_1957, %get3A_1933, %select_n3A_1922 : vector<8x256xi1>, vector<8x256xf32>
      %select_n3A_1964 = arith.select %gt3A_1957, %get3A_1938, %select_n3A_1923 : vector<8x256xi1>, vector<8x256xf32>
      %get3A_1965 = arith.constant 0 : index
      %get3A_1966 = arith.constant 0 : index
      %get3A_1967 = arith.constant 11776 : index
      %get3A_1968 = vector.load %arg1[%get3A_1965, %get3A_1966, %get3A_1967] : memref<3x8x16384xf32, #tpu.memory_space<vmem>>, vector<1x8x256xf32>
      %get3A_1969 = vector.shape_cast %get3A_1968 : vector<1x8x256xf32> to vector<8x256xf32>
      %get3A_1970 = arith.constant 1 : index
      %get3A_1971 = arith.constant 0 : index
      %get3A_1972 = arith.constant 11776 : index
      %get3A_1973 = vector.load %arg1[%get3A_1970, %get3A_1971, %get3A_1972] : memref<3x8x16384xf32, #tpu.memory_space<vmem>>, vector<1x8x256xf32>
      %get3A_1974 = vector.shape_cast %get3A_1973 : vector<1x8x256xf32> to vector<8x256xf32>
      %get3A_1975 = arith.constant 2 : index
      %get3A_1976 = arith.constant 0 : index
      %get3A_1977 = arith.constant 11776 : index
      %get3A_1978 = vector.load %arg1[%get3A_1975, %get3A_1976, %get3A_1977] : memref<3x8x16384xf32, #tpu.memory_space<vmem>>, vector<1x8x256xf32>
      %get3A_1979 = vector.shape_cast %get3A_1978 : vector<1x8x256xf32> to vector<8x256xf32>
      %sub3A_1980 = vector.broadcast %scan3A_35 : vector<8x1xf32> to vector<8x256xf32>
      %sub3A_1981 = arith.subf %get3A_1969, %sub3A_1980 : vector<8x256xf32>
      %sub3A_1982 = vector.broadcast %scan3A_36 : vector<8x1xf32> to vector<8x256xf32>
      %sub3A_1983 = arith.subf %get3A_1974, %sub3A_1982 : vector<8x256xf32>
      %sub3A_1984 = vector.broadcast %scan3A_37 : vector<8x1xf32> to vector<8x256xf32>
      %sub3A_1985 = arith.subf %get3A_1979, %sub3A_1984 : vector<8x256xf32>
      %mul3A_1986 = arith.mulf %sub3A_1981, %sub3A_1981 : vector<8x256xf32>
      %mul3A_1987 = arith.mulf %sub3A_1985, %sub3A_1985 : vector<8x256xf32>
      %add3A_1988 = arith.addf %mul3A_1986, %mul3A_1987 : vector<8x256xf32>
      %mul3A_1989 = arith.mulf %sub3A_1983, %sub3A_1983 : vector<8x256xf32>
      %add3A_1990 = arith.addf %add3A_1988, %mul3A_1989 : vector<8x256xf32>
      %get3A_1991 = arith.constant 0 : index
      %get3A_1992 = arith.constant 11776 : index
      %get3A_1993 = vector.load %arg3[%get3A_1991, %get3A_1992] : memref<8x16384xf32, #tpu.memory_space<vmem>>, vector<8x256xf32>
      %min3A_1994 = arith.minimumf %get3A_1993, %add3A_1990 : vector<8x256xf32>
      %swap3A_1995 = arith.constant 0 : index
      %swap3A_1996 = arith.constant 11776 : index
      %swap3A_1997 = vector.load %arg3[%swap3A_1995, %swap3A_1996] : memref<8x16384xf32, #tpu.memory_space<vmem>>, vector<8x256xf32>
      tpu.vector_store %arg3[%swap3A_1995, %swap3A_1996], %min3A_1994 {strides = array<i32>} : memref<8x16384xf32, #tpu.memory_space<vmem>>, vector<8x256xf32>,
      %gt3A_1998 = arith.cmpf ogt, %min3A_1994, %max3A_1958 : vector<8x256xf32>
      %max3A_1999 = arith.maximumf %max3A_1958, %min3A_1994 : vector<8x256xf32>
      %jit3A_2000 = arith.constant 46 : i32
      %broadcast_in_dim3A_2001 = vector.broadcast %jit3A_2000 : i32 to vector<8x256xi32>
      %select_n3A_2002 = arith.select %gt3A_1998, %broadcast_in_dim3A_2001, %select_n3A_1961 : vector<8x256xi1>, vector<8x256xi32>
      %select_n3A_2003 = arith.select %gt3A_1998, %get3A_1969, %select_n3A_1962 : vector<8x256xi1>, vector<8x256xf32>
      %select_n3A_2004 = arith.select %gt3A_1998, %get3A_1974, %select_n3A_1963 : vector<8x256xi1>, vector<8x256xf32>
      %select_n3A_2005 = arith.select %gt3A_1998, %get3A_1979, %select_n3A_1964 : vector<8x256xi1>, vector<8x256xf32>
      %get3A_2006 = arith.constant 0 : index
      %get3A_2007 = arith.constant 0 : index
      %get3A_2008 = arith.constant 12032 : index
      %get3A_2009 = vector.load %arg1[%get3A_2006, %get3A_2007, %get3A_2008] : memref<3x8x16384xf32, #tpu.memory_space<vmem>>, vector<1x8x256xf32>
      %get3A_2010 = vector.shape_cast %get3A_2009 : vector<1x8x256xf32> to vector<8x256xf32>
      %get3A_2011 = arith.constant 1 : index
      %get3A_2012 = arith.constant 0 : index
      %get3A_2013 = arith.constant 12032 : index
      %get3A_2014 = vector.load %arg1[%get3A_2011, %get3A_2012, %get3A_2013] : memref<3x8x16384xf32, #tpu.memory_space<vmem>>, vector<1x8x256xf32>
      %get3A_2015 = vector.shape_cast %get3A_2014 : vector<1x8x256xf32> to vector<8x256xf32>
      %get3A_2016 = arith.constant 2 : index
      %get3A_2017 = arith.constant 0 : index
      %get3A_2018 = arith.constant 12032 : index
      %get3A_2019 = vector.load %arg1[%get3A_2016, %get3A_2017, %get3A_2018] : memref<3x8x16384xf32, #tpu.memory_space<vmem>>, vector<1x8x256xf32>
      %get3A_2020 = vector.shape_cast %get3A_2019 : vector<1x8x256xf32> to vector<8x256xf32>
      %sub3A_2021 = vector.broadcast %scan3A_35 : vector<8x1xf32> to vector<8x256xf32>
      %sub3A_2022 = arith.subf %get3A_2010, %sub3A_2021 : vector<8x256xf32>
      %sub3A_2023 = vector.broadcast %scan3A_36 : vector<8x1xf32> to vector<8x256xf32>
      %sub3A_2024 = arith.subf %get3A_2015, %sub3A_2023 : vector<8x256xf32>
      %sub3A_2025 = vector.broadcast %scan3A_37 : vector<8x1xf32> to vector<8x256xf32>
      %sub3A_2026 = arith.subf %get3A_2020, %sub3A_2025 : vector<8x256xf32>
      %mul3A_2027 = arith.mulf %sub3A_2022, %sub3A_2022 : vector<8x256xf32>
      %mul3A_2028 = arith.mulf %sub3A_2026, %sub3A_2026 : vector<8x256xf32>
      %add3A_2029 = arith.addf %mul3A_2027, %mul3A_2028 : vector<8x256xf32>
      %mul3A_2030 = arith.mulf %sub3A_2024, %sub3A_2024 : vector<8x256xf32>
      %add3A_2031 = arith.addf %add3A_2029, %mul3A_2030 : vector<8x256xf32>
      %get3A_2032 = arith.constant 0 : index
      %get3A_2033 = arith.constant 12032 : index
      %get3A_2034 = vector.load %arg3[%get3A_2032, %get3A_2033] : memref<8x16384xf32, #tpu.memory_space<vmem>>, vector<8x256xf32>
      %min3A_2035 = arith.minimumf %get3A_2034, %add3A_2031 : vector<8x256xf32>
      %swap3A_2036 = arith.constant 0 : index
      %swap3A_2037 = arith.constant 12032 : index
      %swap3A_2038 = vector.load %arg3[%swap3A_2036, %swap3A_2037] : memref<8x16384xf32, #tpu.memory_space<vmem>>, vector<8x256xf32>
      tpu.vector_store %arg3[%swap3A_2036, %swap3A_2037], %min3A_2035 {strides = array<i32>} : memref<8x16384xf32, #tpu.memory_space<vmem>>, vector<8x256xf32>,
      %gt3A_2039 = arith.cmpf ogt, %min3A_2035, %max3A_1999 : vector<8x256xf32>
      %max3A_2040 = arith.maximumf %max3A_1999, %min3A_2035 : vector<8x256xf32>
      %jit3A_2041 = arith.constant 47 : i32
      %broadcast_in_dim3A_2042 = vector.broadcast %jit3A_2041 : i32 to vector<8x256xi32>
      %select_n3A_2043 = arith.select %gt3A_2039, %broadcast_in_dim3A_2042, %select_n3A_2002 : vector<8x256xi1>, vector<8x256xi32>
      %select_n3A_2044 = arith.select %gt3A_2039, %get3A_2010, %select_n3A_2003 : vector<8x256xi1>, vector<8x256xf32>
      %select_n3A_2045 = arith.select %gt3A_2039, %get3A_2015, %select_n3A_2004 : vector<8x256xi1>, vector<8x256xf32>
      %select_n3A_2046 = arith.select %gt3A_2039, %get3A_2020, %select_n3A_2005 : vector<8x256xi1>, vector<8x256xf32>
      %get3A_2047 = arith.constant 0 : index
      %get3A_2048 = arith.constant 0 : index
      %get3A_2049 = arith.constant 12288 : index
      %get3A_2050 = vector.load %arg1[%get3A_2047, %get3A_2048, %get3A_2049] : memref<3x8x16384xf32, #tpu.memory_space<vmem>>, vector<1x8x256xf32>
      %get3A_2051 = vector.shape_cast %get3A_2050 : vector<1x8x256xf32> to vector<8x256xf32>
      %get3A_2052 = arith.constant 1 : index
      %get3A_2053 = arith.constant 0 : index
      %get3A_2054 = arith.constant 12288 : index
      %get3A_2055 = vector.load %arg1[%get3A_2052, %get3A_2053, %get3A_2054] : memref<3x8x16384xf32, #tpu.memory_space<vmem>>, vector<1x8x256xf32>
      %get3A_2056 = vector.shape_cast %get3A_2055 : vector<1x8x256xf32> to vector<8x256xf32>
      %get3A_2057 = arith.constant 2 : index
      %get3A_2058 = arith.constant 0 : index
      %get3A_2059 = arith.constant 12288 : index
      %get3A_2060 = vector.load %arg1[%get3A_2057, %get3A_2058, %get3A_2059] : memref<3x8x16384xf32, #tpu.memory_space<vmem>>, vector<1x8x256xf32>
      %get3A_2061 = vector.shape_cast %get3A_2060 : vector<1x8x256xf32> to vector<8x256xf32>
      %sub3A_2062 = vector.broadcast %scan3A_35 : vector<8x1xf32> to vector<8x256xf32>
      %sub3A_2063 = arith.subf %get3A_2051, %sub3A_2062 : vector<8x256xf32>
      %sub3A_2064 = vector.broadcast %scan3A_36 : vector<8x1xf32> to vector<8x256xf32>
      %sub3A_2065 = arith.subf %get3A_2056, %sub3A_2064 : vector<8x256xf32>
      %sub3A_2066 = vector.broadcast %scan3A_37 : vector<8x1xf32> to vector<8x256xf32>
      %sub3A_2067 = arith.subf %get3A_2061, %sub3A_2066 : vector<8x256xf32>
      %mul3A_2068 = arith.mulf %sub3A_2063, %sub3A_2063 : vector<8x256xf32>
      %mul3A_2069 = arith.mulf %sub3A_2067, %sub3A_2067 : vector<8x256xf32>
      %add3A_2070 = arith.addf %mul3A_2068, %mul3A_2069 : vector<8x256xf32>
      %mul3A_2071 = arith.mulf %sub3A_2065, %sub3A_2065 : vector<8x256xf32>
      %add3A_2072 = arith.addf %add3A_2070, %mul3A_2071 : vector<8x256xf32>
      %get3A_2073 = arith.constant 0 : index
      %get3A_2074 = arith.constant 12288 : index
      %get3A_2075 = vector.load %arg3[%get3A_2073, %get3A_2074] : memref<8x16384xf32, #tpu.memory_space<vmem>>, vector<8x256xf32>
      %min3A_2076 = arith.minimumf %get3A_2075, %add3A_2072 : vector<8x256xf32>
      %swap3A_2077 = arith.constant 0 : index
      %swap3A_2078 = arith.constant 12288 : index
      %swap3A_2079 = vector.load %arg3[%swap3A_2077, %swap3A_2078] : memref<8x16384xf32, #tpu.memory_space<vmem>>, vector<8x256xf32>
      tpu.vector_store %arg3[%swap3A_2077, %swap3A_2078], %min3A_2076 {strides = array<i32>} : memref<8x16384xf32, #tpu.memory_space<vmem>>, vector<8x256xf32>,
      %gt3A_2080 = arith.cmpf ogt, %min3A_2076, %max3A_2040 : vector<8x256xf32>
      %max3A_2081 = arith.maximumf %max3A_2040, %min3A_2076 : vector<8x256xf32>
      %jit3A_2082 = arith.constant 48 : i32
      %broadcast_in_dim3A_2083 = vector.broadcast %jit3A_2082 : i32 to vector<8x256xi32>
      %select_n3A_2084 = arith.select %gt3A_2080, %broadcast_in_dim3A_2083, %select_n3A_2043 : vector<8x256xi1>, vector<8x256xi32>
      %select_n3A_2085 = arith.select %gt3A_2080, %get3A_2051, %select_n3A_2044 : vector<8x256xi1>, vector<8x256xf32>
      %select_n3A_2086 = arith.select %gt3A_2080, %get3A_2056, %select_n3A_2045 : vector<8x256xi1>, vector<8x256xf32>
      %select_n3A_2087 = arith.select %gt3A_2080, %get3A_2061, %select_n3A_2046 : vector<8x256xi1>, vector<8x256xf32>
      %get3A_2088 = arith.constant 0 : index
      %get3A_2089 = arith.constant 0 : index
      %get3A_2090 = arith.constant 12544 : index
      %get3A_2091 = vector.load %arg1[%get3A_2088, %get3A_2089, %get3A_2090] : memref<3x8x16384xf32, #tpu.memory_space<vmem>>, vector<1x8x256xf32>
      %get3A_2092 = vector.shape_cast %get3A_2091 : vector<1x8x256xf32> to vector<8x256xf32>
      %get3A_2093 = arith.constant 1 : index
      %get3A_2094 = arith.constant 0 : index
      %get3A_2095 = arith.constant 12544 : index
      %get3A_2096 = vector.load %arg1[%get3A_2093, %get3A_2094, %get3A_2095] : memref<3x8x16384xf32, #tpu.memory_space<vmem>>, vector<1x8x256xf32>
      %get3A_2097 = vector.shape_cast %get3A_2096 : vector<1x8x256xf32> to vector<8x256xf32>
      %get3A_2098 = arith.constant 2 : index
      %get3A_2099 = arith.constant 0 : index
      %get3A_2100 = arith.constant 12544 : index
      %get3A_2101 = vector.load %arg1[%get3A_2098, %get3A_2099, %get3A_2100] : memref<3x8x16384xf32, #tpu.memory_space<vmem>>, vector<1x8x256xf32>
      %get3A_2102 = vector.shape_cast %get3A_2101 : vector<1x8x256xf32> to vector<8x256xf32>
      %sub3A_2103 = vector.broadcast %scan3A_35 : vector<8x1xf32> to vector<8x256xf32>
      %sub3A_2104 = arith.subf %get3A_2092, %sub3A_2103 : vector<8x256xf32>
      %sub3A_2105 = vector.broadcast %scan3A_36 : vector<8x1xf32> to vector<8x256xf32>
      %sub3A_2106 = arith.subf %get3A_2097, %sub3A_2105 : vector<8x256xf32>
      %sub3A_2107 = vector.broadcast %scan3A_37 : vector<8x1xf32> to vector<8x256xf32>
      %sub3A_2108 = arith.subf %get3A_2102, %sub3A_2107 : vector<8x256xf32>
      %mul3A_2109 = arith.mulf %sub3A_2104, %sub3A_2104 : vector<8x256xf32>
      %mul3A_2110 = arith.mulf %sub3A_2108, %sub3A_2108 : vector<8x256xf32>
      %add3A_2111 = arith.addf %mul3A_2109, %mul3A_2110 : vector<8x256xf32>
      %mul3A_2112 = arith.mulf %sub3A_2106, %sub3A_2106 : vector<8x256xf32>
      %add3A_2113 = arith.addf %add3A_2111, %mul3A_2112 : vector<8x256xf32>
      %get3A_2114 = arith.constant 0 : index
      %get3A_2115 = arith.constant 12544 : index
      %get3A_2116 = vector.load %arg3[%get3A_2114, %get3A_2115] : memref<8x16384xf32, #tpu.memory_space<vmem>>, vector<8x256xf32>
      %min3A_2117 = arith.minimumf %get3A_2116, %add3A_2113 : vector<8x256xf32>
      %swap3A_2118 = arith.constant 0 : index
      %swap3A_2119 = arith.constant 12544 : index
      %swap3A_2120 = vector.load %arg3[%swap3A_2118, %swap3A_2119] : memref<8x16384xf32, #tpu.memory_space<vmem>>, vector<8x256xf32>
      tpu.vector_store %arg3[%swap3A_2118, %swap3A_2119], %min3A_2117 {strides = array<i32>} : memref<8x16384xf32, #tpu.memory_space<vmem>>, vector<8x256xf32>,
      %gt3A_2121 = arith.cmpf ogt, %min3A_2117, %max3A_2081 : vector<8x256xf32>
      %max3A_2122 = arith.maximumf %max3A_2081, %min3A_2117 : vector<8x256xf32>
      %jit3A_2123 = arith.constant 49 : i32
      %broadcast_in_dim3A_2124 = vector.broadcast %jit3A_2123 : i32 to vector<8x256xi32>
      %select_n3A_2125 = arith.select %gt3A_2121, %broadcast_in_dim3A_2124, %select_n3A_2084 : vector<8x256xi1>, vector<8x256xi32>
      %select_n3A_2126 = arith.select %gt3A_2121, %get3A_2092, %select_n3A_2085 : vector<8x256xi1>, vector<8x256xf32>
      %select_n3A_2127 = arith.select %gt3A_2121, %get3A_2097, %select_n3A_2086 : vector<8x256xi1>, vector<8x256xf32>
      %select_n3A_2128 = arith.select %gt3A_2121, %get3A_2102, %select_n3A_2087 : vector<8x256xi1>, vector<8x256xf32>
      %get3A_2129 = arith.constant 0 : index
      %get3A_2130 = arith.constant 0 : index
      %get3A_2131 = arith.constant 12800 : index
      %get3A_2132 = vector.load %arg1[%get3A_2129, %get3A_2130, %get3A_2131] : memref<3x8x16384xf32, #tpu.memory_space<vmem>>, vector<1x8x256xf32>
      %get3A_2133 = vector.shape_cast %get3A_2132 : vector<1x8x256xf32> to vector<8x256xf32>
      %get3A_2134 = arith.constant 1 : index
      %get3A_2135 = arith.constant 0 : index
      %get3A_2136 = arith.constant 12800 : index
      %get3A_2137 = vector.load %arg1[%get3A_2134, %get3A_2135, %get3A_2136] : memref<3x8x16384xf32, #tpu.memory_space<vmem>>, vector<1x8x256xf32>
      %get3A_2138 = vector.shape_cast %get3A_2137 : vector<1x8x256xf32> to vector<8x256xf32>
      %get3A_2139 = arith.constant 2 : index
      %get3A_2140 = arith.constant 0 : index
      %get3A_2141 = arith.constant 12800 : index
      %get3A_2142 = vector.load %arg1[%get3A_2139, %get3A_2140, %get3A_2141] : memref<3x8x16384xf32, #tpu.memory_space<vmem>>, vector<1x8x256xf32>
      %get3A_2143 = vector.shape_cast %get3A_2142 : vector<1x8x256xf32> to vector<8x256xf32>
      %sub3A_2144 = vector.broadcast %scan3A_35 : vector<8x1xf32> to vector<8x256xf32>
      %sub3A_2145 = arith.subf %get3A_2133, %sub3A_2144 : vector<8x256xf32>
      %sub3A_2146 = vector.broadcast %scan3A_36 : vector<8x1xf32> to vector<8x256xf32>
      %sub3A_2147 = arith.subf %get3A_2138, %sub3A_2146 : vector<8x256xf32>
      %sub3A_2148 = vector.broadcast %scan3A_37 : vector<8x1xf32> to vector<8x256xf32>
      %sub3A_2149 = arith.subf %get3A_2143, %sub3A_2148 : vector<8x256xf32>
      %mul3A_2150 = arith.mulf %sub3A_2145, %sub3A_2145 : vector<8x256xf32>
      %mul3A_2151 = arith.mulf %sub3A_2149, %sub3A_2149 : vector<8x256xf32>
      %add3A_2152 = arith.addf %mul3A_2150, %mul3A_2151 : vector<8x256xf32>
      %mul3A_2153 = arith.mulf %sub3A_2147, %sub3A_2147 : vector<8x256xf32>
      %add3A_2154 = arith.addf %add3A_2152, %mul3A_2153 : vector<8x256xf32>
      %get3A_2155 = arith.constant 0 : index
      %get3A_2156 = arith.constant 12800 : index
      %get3A_2157 = vector.load %arg3[%get3A_2155, %get3A_2156] : memref<8x16384xf32, #tpu.memory_space<vmem>>, vector<8x256xf32>
      %min3A_2158 = arith.minimumf %get3A_2157, %add3A_2154 : vector<8x256xf32>
      %swap3A_2159 = arith.constant 0 : index
      %swap3A_2160 = arith.constant 12800 : index
      %swap3A_2161 = vector.load %arg3[%swap3A_2159, %swap3A_2160] : memref<8x16384xf32, #tpu.memory_space<vmem>>, vector<8x256xf32>
      tpu.vector_store %arg3[%swap3A_2159, %swap3A_2160], %min3A_2158 {strides = array<i32>} : memref<8x16384xf32, #tpu.memory_space<vmem>>, vector<8x256xf32>,
      %gt3A_2162 = arith.cmpf ogt, %min3A_2158, %max3A_2122 : vector<8x256xf32>
      %max3A_2163 = arith.maximumf %max3A_2122, %min3A_2158 : vector<8x256xf32>
      %jit3A_2164 = arith.constant 50 : i32
      %broadcast_in_dim3A_2165 = vector.broadcast %jit3A_2164 : i32 to vector<8x256xi32>
      %select_n3A_2166 = arith.select %gt3A_2162, %broadcast_in_dim3A_2165, %select_n3A_2125 : vector<8x256xi1>, vector<8x256xi32>
      %select_n3A_2167 = arith.select %gt3A_2162, %get3A_2133, %select_n3A_2126 : vector<8x256xi1>, vector<8x256xf32>
      %select_n3A_2168 = arith.select %gt3A_2162, %get3A_2138, %select_n3A_2127 : vector<8x256xi1>, vector<8x256xf32>
      %select_n3A_2169 = arith.select %gt3A_2162, %get3A_2143, %select_n3A_2128 : vector<8x256xi1>, vector<8x256xf32>
      %get3A_2170 = arith.constant 0 : index
      %get3A_2171 = arith.constant 0 : index
      %get3A_2172 = arith.constant 13056 : index
      %get3A_2173 = vector.load %arg1[%get3A_2170, %get3A_2171, %get3A_2172] : memref<3x8x16384xf32, #tpu.memory_space<vmem>>, vector<1x8x256xf32>
      %get3A_2174 = vector.shape_cast %get3A_2173 : vector<1x8x256xf32> to vector<8x256xf32>
      %get3A_2175 = arith.constant 1 : index
      %get3A_2176 = arith.constant 0 : index
      %get3A_2177 = arith.constant 13056 : index
      %get3A_2178 = vector.load %arg1[%get3A_2175, %get3A_2176, %get3A_2177] : memref<3x8x16384xf32, #tpu.memory_space<vmem>>, vector<1x8x256xf32>
      %get3A_2179 = vector.shape_cast %get3A_2178 : vector<1x8x256xf32> to vector<8x256xf32>
      %get3A_2180 = arith.constant 2 : index
      %get3A_2181 = arith.constant 0 : index
      %get3A_2182 = arith.constant 13056 : index
      %get3A_2183 = vector.load %arg1[%get3A_2180, %get3A_2181, %get3A_2182] : memref<3x8x16384xf32, #tpu.memory_space<vmem>>, vector<1x8x256xf32>
      %get3A_2184 = vector.shape_cast %get3A_2183 : vector<1x8x256xf32> to vector<8x256xf32>
      %sub3A_2185 = vector.broadcast %scan3A_35 : vector<8x1xf32> to vector<8x256xf32>
      %sub3A_2186 = arith.subf %get3A_2174, %sub3A_2185 : vector<8x256xf32>
      %sub3A_2187 = vector.broadcast %scan3A_36 : vector<8x1xf32> to vector<8x256xf32>
      %sub3A_2188 = arith.subf %get3A_2179, %sub3A_2187 : vector<8x256xf32>
      %sub3A_2189 = vector.broadcast %scan3A_37 : vector<8x1xf32> to vector<8x256xf32>
      %sub3A_2190 = arith.subf %get3A_2184, %sub3A_2189 : vector<8x256xf32>
      %mul3A_2191 = arith.mulf %sub3A_2186, %sub3A_2186 : vector<8x256xf32>
      %mul3A_2192 = arith.mulf %sub3A_2190, %sub3A_2190 : vector<8x256xf32>
      %add3A_2193 = arith.addf %mul3A_2191, %mul3A_2192 : vector<8x256xf32>
      %mul3A_2194 = arith.mulf %sub3A_2188, %sub3A_2188 : vector<8x256xf32>
      %add3A_2195 = arith.addf %add3A_2193, %mul3A_2194 : vector<8x256xf32>
      %get3A_2196 = arith.constant 0 : index
      %get3A_2197 = arith.constant 13056 : index
      %get3A_2198 = vector.load %arg3[%get3A_2196, %get3A_2197] : memref<8x16384xf32, #tpu.memory_space<vmem>>, vector<8x256xf32>
      %min3A_2199 = arith.minimumf %get3A_2198, %add3A_2195 : vector<8x256xf32>
      %swap3A_2200 = arith.constant 0 : index
      %swap3A_2201 = arith.constant 13056 : index
      %swap3A_2202 = vector.load %arg3[%swap3A_2200, %swap3A_2201] : memref<8x16384xf32, #tpu.memory_space<vmem>>, vector<8x256xf32>
      tpu.vector_store %arg3[%swap3A_2200, %swap3A_2201], %min3A_2199 {strides = array<i32>} : memref<8x16384xf32, #tpu.memory_space<vmem>>, vector<8x256xf32>,
      %gt3A_2203 = arith.cmpf ogt, %min3A_2199, %max3A_2163 : vector<8x256xf32>
      %max3A_2204 = arith.maximumf %max3A_2163, %min3A_2199 : vector<8x256xf32>
      %jit3A_2205 = arith.constant 51 : i32
      %broadcast_in_dim3A_2206 = vector.broadcast %jit3A_2205 : i32 to vector<8x256xi32>
      %select_n3A_2207 = arith.select %gt3A_2203, %broadcast_in_dim3A_2206, %select_n3A_2166 : vector<8x256xi1>, vector<8x256xi32>
      %select_n3A_2208 = arith.select %gt3A_2203, %get3A_2174, %select_n3A_2167 : vector<8x256xi1>, vector<8x256xf32>
      %select_n3A_2209 = arith.select %gt3A_2203, %get3A_2179, %select_n3A_2168 : vector<8x256xi1>, vector<8x256xf32>
      %select_n3A_2210 = arith.select %gt3A_2203, %get3A_2184, %select_n3A_2169 : vector<8x256xi1>, vector<8x256xf32>
      %get3A_2211 = arith.constant 0 : index
      %get3A_2212 = arith.constant 0 : index
      %get3A_2213 = arith.constant 13312 : index
      %get3A_2214 = vector.load %arg1[%get3A_2211, %get3A_2212, %get3A_2213] : memref<3x8x16384xf32, #tpu.memory_space<vmem>>, vector<1x8x256xf32>
      %get3A_2215 = vector.shape_cast %get3A_2214 : vector<1x8x256xf32> to vector<8x256xf32>
      %get3A_2216 = arith.constant 1 : index
      %get3A_2217 = arith.constant 0 : index
      %get3A_2218 = arith.constant 13312 : index
      %get3A_2219 = vector.load %arg1[%get3A_2216, %get3A_2217, %get3A_2218] : memref<3x8x16384xf32, #tpu.memory_space<vmem>>, vector<1x8x256xf32>
      %get3A_2220 = vector.shape_cast %get3A_2219 : vector<1x8x256xf32> to vector<8x256xf32>
      %get3A_2221 = arith.constant 2 : index
      %get3A_2222 = arith.constant 0 : index
      %get3A_2223 = arith.constant 13312 : index
      %get3A_2224 = vector.load %arg1[%get3A_2221, %get3A_2222, %get3A_2223] : memref<3x8x16384xf32, #tpu.memory_space<vmem>>, vector<1x8x256xf32>
      %get3A_2225 = vector.shape_cast %get3A_2224 : vector<1x8x256xf32> to vector<8x256xf32>
      %sub3A_2226 = vector.broadcast %scan3A_35 : vector<8x1xf32> to vector<8x256xf32>
      %sub3A_2227 = arith.subf %get3A_2215, %sub3A_2226 : vector<8x256xf32>
      %sub3A_2228 = vector.broadcast %scan3A_36 : vector<8x1xf32> to vector<8x256xf32>
      %sub3A_2229 = arith.subf %get3A_2220, %sub3A_2228 : vector<8x256xf32>
      %sub3A_2230 = vector.broadcast %scan3A_37 : vector<8x1xf32> to vector<8x256xf32>
      %sub3A_2231 = arith.subf %get3A_2225, %sub3A_2230 : vector<8x256xf32>
      %mul3A_2232 = arith.mulf %sub3A_2227, %sub3A_2227 : vector<8x256xf32>
      %mul3A_2233 = arith.mulf %sub3A_2231, %sub3A_2231 : vector<8x256xf32>
      %add3A_2234 = arith.addf %mul3A_2232, %mul3A_2233 : vector<8x256xf32>
      %mul3A_2235 = arith.mulf %sub3A_2229, %sub3A_2229 : vector<8x256xf32>
      %add3A_2236 = arith.addf %add3A_2234, %mul3A_2235 : vector<8x256xf32>
      %get3A_2237 = arith.constant 0 : index
      %get3A_2238 = arith.constant 13312 : index
      %get3A_2239 = vector.load %arg3[%get3A_2237, %get3A_2238] : memref<8x16384xf32, #tpu.memory_space<vmem>>, vector<8x256xf32>
      %min3A_2240 = arith.minimumf %get3A_2239, %add3A_2236 : vector<8x256xf32>
      %swap3A_2241 = arith.constant 0 : index
      %swap3A_2242 = arith.constant 13312 : index
      %swap3A_2243 = vector.load %arg3[%swap3A_2241, %swap3A_2242] : memref<8x16384xf32, #tpu.memory_space<vmem>>, vector<8x256xf32>
      tpu.vector_store %arg3[%swap3A_2241, %swap3A_2242], %min3A_2240 {strides = array<i32>} : memref<8x16384xf32, #tpu.memory_space<vmem>>, vector<8x256xf32>,
      %gt3A_2244 = arith.cmpf ogt, %min3A_2240, %max3A_2204 : vector<8x256xf32>
      %max3A_2245 = arith.maximumf %max3A_2204, %min3A_2240 : vector<8x256xf32>
      %jit3A_2246 = arith.constant 52 : i32
      %broadcast_in_dim3A_2247 = vector.broadcast %jit3A_2246 : i32 to vector<8x256xi32>
      %select_n3A_2248 = arith.select %gt3A_2244, %broadcast_in_dim3A_2247, %select_n3A_2207 : vector<8x256xi1>, vector<8x256xi32>
      %select_n3A_2249 = arith.select %gt3A_2244, %get3A_2215, %select_n3A_2208 : vector<8x256xi1>, vector<8x256xf32>
      %select_n3A_2250 = arith.select %gt3A_2244, %get3A_2220, %select_n3A_2209 : vector<8x256xi1>, vector<8x256xf32>
      %select_n3A_2251 = arith.select %gt3A_2244, %get3A_2225, %select_n3A_2210 : vector<8x256xi1>, vector<8x256xf32>
      %get3A_2252 = arith.constant 0 : index
      %get3A_2253 = arith.constant 0 : index
      %get3A_2254 = arith.constant 13568 : index
      %get3A_2255 = vector.load %arg1[%get3A_2252, %get3A_2253, %get3A_2254] : memref<3x8x16384xf32, #tpu.memory_space<vmem>>, vector<1x8x256xf32>
      %get3A_2256 = vector.shape_cast %get3A_2255 : vector<1x8x256xf32> to vector<8x256xf32>
      %get3A_2257 = arith.constant 1 : index
      %get3A_2258 = arith.constant 0 : index
      %get3A_2259 = arith.constant 13568 : index
      %get3A_2260 = vector.load %arg1[%get3A_2257, %get3A_2258, %get3A_2259] : memref<3x8x16384xf32, #tpu.memory_space<vmem>>, vector<1x8x256xf32>
      %get3A_2261 = vector.shape_cast %get3A_2260 : vector<1x8x256xf32> to vector<8x256xf32>
      %get3A_2262 = arith.constant 2 : index
      %get3A_2263 = arith.constant 0 : index
      %get3A_2264 = arith.constant 13568 : index
      %get3A_2265 = vector.load %arg1[%get3A_2262, %get3A_2263, %get3A_2264] : memref<3x8x16384xf32, #tpu.memory_space<vmem>>, vector<1x8x256xf32>
      %get3A_2266 = vector.shape_cast %get3A_2265 : vector<1x8x256xf32> to vector<8x256xf32>
      %sub3A_2267 = vector.broadcast %scan3A_35 : vector<8x1xf32> to vector<8x256xf32>
      %sub3A_2268 = arith.subf %get3A_2256, %sub3A_2267 : vector<8x256xf32>
      %sub3A_2269 = vector.broadcast %scan3A_36 : vector<8x1xf32> to vector<8x256xf32>
      %sub3A_2270 = arith.subf %get3A_2261, %sub3A_2269 : vector<8x256xf32>
      %sub3A_2271 = vector.broadcast %scan3A_37 : vector<8x1xf32> to vector<8x256xf32>
      %sub3A_2272 = arith.subf %get3A_2266, %sub3A_2271 : vector<8x256xf32>
      %mul3A_2273 = arith.mulf %sub3A_2268, %sub3A_2268 : vector<8x256xf32>
      %mul3A_2274 = arith.mulf %sub3A_2272, %sub3A_2272 : vector<8x256xf32>
      %add3A_2275 = arith.addf %mul3A_2273, %mul3A_2274 : vector<8x256xf32>
      %mul3A_2276 = arith.mulf %sub3A_2270, %sub3A_2270 : vector<8x256xf32>
      %add3A_2277 = arith.addf %add3A_2275, %mul3A_2276 : vector<8x256xf32>
      %get3A_2278 = arith.constant 0 : index
      %get3A_2279 = arith.constant 13568 : index
      %get3A_2280 = vector.load %arg3[%get3A_2278, %get3A_2279] : memref<8x16384xf32, #tpu.memory_space<vmem>>, vector<8x256xf32>
      %min3A_2281 = arith.minimumf %get3A_2280, %add3A_2277 : vector<8x256xf32>
      %swap3A_2282 = arith.constant 0 : index
      %swap3A_2283 = arith.constant 13568 : index
      %swap3A_2284 = vector.load %arg3[%swap3A_2282, %swap3A_2283] : memref<8x16384xf32, #tpu.memory_space<vmem>>, vector<8x256xf32>
      tpu.vector_store %arg3[%swap3A_2282, %swap3A_2283], %min3A_2281 {strides = array<i32>} : memref<8x16384xf32, #tpu.memory_space<vmem>>, vector<8x256xf32>,
      %gt3A_2285 = arith.cmpf ogt, %min3A_2281, %max3A_2245 : vector<8x256xf32>
      %max3A_2286 = arith.maximumf %max3A_2245, %min3A_2281 : vector<8x256xf32>
      %jit3A_2287 = arith.constant 53 : i32
      %broadcast_in_dim3A_2288 = vector.broadcast %jit3A_2287 : i32 to vector<8x256xi32>
      %select_n3A_2289 = arith.select %gt3A_2285, %broadcast_in_dim3A_2288, %select_n3A_2248 : vector<8x256xi1>, vector<8x256xi32>
      %select_n3A_2290 = arith.select %gt3A_2285, %get3A_2256, %select_n3A_2249 : vector<8x256xi1>, vector<8x256xf32>
      %select_n3A_2291 = arith.select %gt3A_2285, %get3A_2261, %select_n3A_2250 : vector<8x256xi1>, vector<8x256xf32>
      %select_n3A_2292 = arith.select %gt3A_2285, %get3A_2266, %select_n3A_2251 : vector<8x256xi1>, vector<8x256xf32>
      %get3A_2293 = arith.constant 0 : index
      %get3A_2294 = arith.constant 0 : index
      %get3A_2295 = arith.constant 13824 : index
      %get3A_2296 = vector.load %arg1[%get3A_2293, %get3A_2294, %get3A_2295] : memref<3x8x16384xf32, #tpu.memory_space<vmem>>, vector<1x8x256xf32>
      %get3A_2297 = vector.shape_cast %get3A_2296 : vector<1x8x256xf32> to vector<8x256xf32>
      %get3A_2298 = arith.constant 1 : index
      %get3A_2299 = arith.constant 0 : index
      %get3A_2300 = arith.constant 13824 : index
      %get3A_2301 = vector.load %arg1[%get3A_2298, %get3A_2299, %get3A_2300] : memref<3x8x16384xf32, #tpu.memory_space<vmem>>, vector<1x8x256xf32>
      %get3A_2302 = vector.shape_cast %get3A_2301 : vector<1x8x256xf32> to vector<8x256xf32>
      %get3A_2303 = arith.constant 2 : index
      %get3A_2304 = arith.constant 0 : index
      %get3A_2305 = arith.constant 13824 : index
      %get3A_2306 = vector.load %arg1[%get3A_2303, %get3A_2304, %get3A_2305] : memref<3x8x16384xf32, #tpu.memory_space<vmem>>, vector<1x8x256xf32>
      %get3A_2307 = vector.shape_cast %get3A_2306 : vector<1x8x256xf32> to vector<8x256xf32>
      %sub3A_2308 = vector.broadcast %scan3A_35 : vector<8x1xf32> to vector<8x256xf32>
      %sub3A_2309 = arith.subf %get3A_2297, %sub3A_2308 : vector<8x256xf32>
      %sub3A_2310 = vector.broadcast %scan3A_36 : vector<8x1xf32> to vector<8x256xf32>
      %sub3A_2311 = arith.subf %get3A_2302, %sub3A_2310 : vector<8x256xf32>
      %sub3A_2312 = vector.broadcast %scan3A_37 : vector<8x1xf32> to vector<8x256xf32>
      %sub3A_2313 = arith.subf %get3A_2307, %sub3A_2312 : vector<8x256xf32>
      %mul3A_2314 = arith.mulf %sub3A_2309, %sub3A_2309 : vector<8x256xf32>
      %mul3A_2315 = arith.mulf %sub3A_2313, %sub3A_2313 : vector<8x256xf32>
      %add3A_2316 = arith.addf %mul3A_2314, %mul3A_2315 : vector<8x256xf32>
      %mul3A_2317 = arith.mulf %sub3A_2311, %sub3A_2311 : vector<8x256xf32>
      %add3A_2318 = arith.addf %add3A_2316, %mul3A_2317 : vector<8x256xf32>
      %get3A_2319 = arith.constant 0 : index
      %get3A_2320 = arith.constant 13824 : index
      %get3A_2321 = vector.load %arg3[%get3A_2319, %get3A_2320] : memref<8x16384xf32, #tpu.memory_space<vmem>>, vector<8x256xf32>
      %min3A_2322 = arith.minimumf %get3A_2321, %add3A_2318 : vector<8x256xf32>
      %swap3A_2323 = arith.constant 0 : index
      %swap3A_2324 = arith.constant 13824 : index
      %swap3A_2325 = vector.load %arg3[%swap3A_2323, %swap3A_2324] : memref<8x16384xf32, #tpu.memory_space<vmem>>, vector<8x256xf32>
      tpu.vector_store %arg3[%swap3A_2323, %swap3A_2324], %min3A_2322 {strides = array<i32>} : memref<8x16384xf32, #tpu.memory_space<vmem>>, vector<8x256xf32>,
      %gt3A_2326 = arith.cmpf ogt, %min3A_2322, %max3A_2286 : vector<8x256xf32>
      %max3A_2327 = arith.maximumf %max3A_2286, %min3A_2322 : vector<8x256xf32>
      %jit3A_2328 = arith.constant 54 : i32
      %broadcast_in_dim3A_2329 = vector.broadcast %jit3A_2328 : i32 to vector<8x256xi32>
      %select_n3A_2330 = arith.select %gt3A_2326, %broadcast_in_dim3A_2329, %select_n3A_2289 : vector<8x256xi1>, vector<8x256xi32>
      %select_n3A_2331 = arith.select %gt3A_2326, %get3A_2297, %select_n3A_2290 : vector<8x256xi1>, vector<8x256xf32>
      %select_n3A_2332 = arith.select %gt3A_2326, %get3A_2302, %select_n3A_2291 : vector<8x256xi1>, vector<8x256xf32>
      %select_n3A_2333 = arith.select %gt3A_2326, %get3A_2307, %select_n3A_2292 : vector<8x256xi1>, vector<8x256xf32>
      %get3A_2334 = arith.constant 0 : index
      %get3A_2335 = arith.constant 0 : index
      %get3A_2336 = arith.constant 14080 : index
      %get3A_2337 = vector.load %arg1[%get3A_2334, %get3A_2335, %get3A_2336] : memref<3x8x16384xf32, #tpu.memory_space<vmem>>, vector<1x8x256xf32>
      %get3A_2338 = vector.shape_cast %get3A_2337 : vector<1x8x256xf32> to vector<8x256xf32>
      %get3A_2339 = arith.constant 1 : index
      %get3A_2340 = arith.constant 0 : index
      %get3A_2341 = arith.constant 14080 : index
      %get3A_2342 = vector.load %arg1[%get3A_2339, %get3A_2340, %get3A_2341] : memref<3x8x16384xf32, #tpu.memory_space<vmem>>, vector<1x8x256xf32>
      %get3A_2343 = vector.shape_cast %get3A_2342 : vector<1x8x256xf32> to vector<8x256xf32>
      %get3A_2344 = arith.constant 2 : index
      %get3A_2345 = arith.constant 0 : index
      %get3A_2346 = arith.constant 14080 : index
      %get3A_2347 = vector.load %arg1[%get3A_2344, %get3A_2345, %get3A_2346] : memref<3x8x16384xf32, #tpu.memory_space<vmem>>, vector<1x8x256xf32>
      %get3A_2348 = vector.shape_cast %get3A_2347 : vector<1x8x256xf32> to vector<8x256xf32>
      %sub3A_2349 = vector.broadcast %scan3A_35 : vector<8x1xf32> to vector<8x256xf32>
      %sub3A_2350 = arith.subf %get3A_2338, %sub3A_2349 : vector<8x256xf32>
      %sub3A_2351 = vector.broadcast %scan3A_36 : vector<8x1xf32> to vector<8x256xf32>
      %sub3A_2352 = arith.subf %get3A_2343, %sub3A_2351 : vector<8x256xf32>
      %sub3A_2353 = vector.broadcast %scan3A_37 : vector<8x1xf32> to vector<8x256xf32>
      %sub3A_2354 = arith.subf %get3A_2348, %sub3A_2353 : vector<8x256xf32>
      %mul3A_2355 = arith.mulf %sub3A_2350, %sub3A_2350 : vector<8x256xf32>
      %mul3A_2356 = arith.mulf %sub3A_2354, %sub3A_2354 : vector<8x256xf32>
      %add3A_2357 = arith.addf %mul3A_2355, %mul3A_2356 : vector<8x256xf32>
      %mul3A_2358 = arith.mulf %sub3A_2352, %sub3A_2352 : vector<8x256xf32>
      %add3A_2359 = arith.addf %add3A_2357, %mul3A_2358 : vector<8x256xf32>
      %get3A_2360 = arith.constant 0 : index
      %get3A_2361 = arith.constant 14080 : index
      %get3A_2362 = vector.load %arg3[%get3A_2360, %get3A_2361] : memref<8x16384xf32, #tpu.memory_space<vmem>>, vector<8x256xf32>
      %min3A_2363 = arith.minimumf %get3A_2362, %add3A_2359 : vector<8x256xf32>
      %swap3A_2364 = arith.constant 0 : index
      %swap3A_2365 = arith.constant 14080 : index
      %swap3A_2366 = vector.load %arg3[%swap3A_2364, %swap3A_2365] : memref<8x16384xf32, #tpu.memory_space<vmem>>, vector<8x256xf32>
      tpu.vector_store %arg3[%swap3A_2364, %swap3A_2365], %min3A_2363 {strides = array<i32>} : memref<8x16384xf32, #tpu.memory_space<vmem>>, vector<8x256xf32>,
      %gt3A_2367 = arith.cmpf ogt, %min3A_2363, %max3A_2327 : vector<8x256xf32>
      %max3A_2368 = arith.maximumf %max3A_2327, %min3A_2363 : vector<8x256xf32>
      %jit3A_2369 = arith.constant 55 : i32
      %broadcast_in_dim3A_2370 = vector.broadcast %jit3A_2369 : i32 to vector<8x256xi32>
      %select_n3A_2371 = arith.select %gt3A_2367, %broadcast_in_dim3A_2370, %select_n3A_2330 : vector<8x256xi1>, vector<8x256xi32>
      %select_n3A_2372 = arith.select %gt3A_2367, %get3A_2338, %select_n3A_2331 : vector<8x256xi1>, vector<8x256xf32>
      %select_n3A_2373 = arith.select %gt3A_2367, %get3A_2343, %select_n3A_2332 : vector<8x256xi1>, vector<8x256xf32>
      %select_n3A_2374 = arith.select %gt3A_2367, %get3A_2348, %select_n3A_2333 : vector<8x256xi1>, vector<8x256xf32>
      %get3A_2375 = arith.constant 0 : index
      %get3A_2376 = arith.constant 0 : index
      %get3A_2377 = arith.constant 14336 : index
      %get3A_2378 = vector.load %arg1[%get3A_2375, %get3A_2376, %get3A_2377] : memref<3x8x16384xf32, #tpu.memory_space<vmem>>, vector<1x8x256xf32>
      %get3A_2379 = vector.shape_cast %get3A_2378 : vector<1x8x256xf32> to vector<8x256xf32>
      %get3A_2380 = arith.constant 1 : index
      %get3A_2381 = arith.constant 0 : index
      %get3A_2382 = arith.constant 14336 : index
      %get3A_2383 = vector.load %arg1[%get3A_2380, %get3A_2381, %get3A_2382] : memref<3x8x16384xf32, #tpu.memory_space<vmem>>, vector<1x8x256xf32>
      %get3A_2384 = vector.shape_cast %get3A_2383 : vector<1x8x256xf32> to vector<8x256xf32>
      %get3A_2385 = arith.constant 2 : index
      %get3A_2386 = arith.constant 0 : index
      %get3A_2387 = arith.constant 14336 : index
      %get3A_2388 = vector.load %arg1[%get3A_2385, %get3A_2386, %get3A_2387] : memref<3x8x16384xf32, #tpu.memory_space<vmem>>, vector<1x8x256xf32>
      %get3A_2389 = vector.shape_cast %get3A_2388 : vector<1x8x256xf32> to vector<8x256xf32>
      %sub3A_2390 = vector.broadcast %scan3A_35 : vector<8x1xf32> to vector<8x256xf32>
      %sub3A_2391 = arith.subf %get3A_2379, %sub3A_2390 : vector<8x256xf32>
      %sub3A_2392 = vector.broadcast %scan3A_36 : vector<8x1xf32> to vector<8x256xf32>
      %sub3A_2393 = arith.subf %get3A_2384, %sub3A_2392 : vector<8x256xf32>
      %sub3A_2394 = vector.broadcast %scan3A_37 : vector<8x1xf32> to vector<8x256xf32>
      %sub3A_2395 = arith.subf %get3A_2389, %sub3A_2394 : vector<8x256xf32>
      %mul3A_2396 = arith.mulf %sub3A_2391, %sub3A_2391 : vector<8x256xf32>
      %mul3A_2397 = arith.mulf %sub3A_2395, %sub3A_2395 : vector<8x256xf32>
      %add3A_2398 = arith.addf %mul3A_2396, %mul3A_2397 : vector<8x256xf32>
      %mul3A_2399 = arith.mulf %sub3A_2393, %sub3A_2393 : vector<8x256xf32>
      %add3A_2400 = arith.addf %add3A_2398, %mul3A_2399 : vector<8x256xf32>
      %get3A_2401 = arith.constant 0 : index
      %get3A_2402 = arith.constant 14336 : index
      %get3A_2403 = vector.load %arg3[%get3A_2401, %get3A_2402] : memref<8x16384xf32, #tpu.memory_space<vmem>>, vector<8x256xf32>
      %min3A_2404 = arith.minimumf %get3A_2403, %add3A_2400 : vector<8x256xf32>
      %swap3A_2405 = arith.constant 0 : index
      %swap3A_2406 = arith.constant 14336 : index
      %swap3A_2407 = vector.load %arg3[%swap3A_2405, %swap3A_2406] : memref<8x16384xf32, #tpu.memory_space<vmem>>, vector<8x256xf32>
      tpu.vector_store %arg3[%swap3A_2405, %swap3A_2406], %min3A_2404 {strides = array<i32>} : memref<8x16384xf32, #tpu.memory_space<vmem>>, vector<8x256xf32>,
      %gt3A_2408 = arith.cmpf ogt, %min3A_2404, %max3A_2368 : vector<8x256xf32>
      %max3A_2409 = arith.maximumf %max3A_2368, %min3A_2404 : vector<8x256xf32>
      %jit3A_2410 = arith.constant 56 : i32
      %broadcast_in_dim3A_2411 = vector.broadcast %jit3A_2410 : i32 to vector<8x256xi32>
      %select_n3A_2412 = arith.select %gt3A_2408, %broadcast_in_dim3A_2411, %select_n3A_2371 : vector<8x256xi1>, vector<8x256xi32>
      %select_n3A_2413 = arith.select %gt3A_2408, %get3A_2379, %select_n3A_2372 : vector<8x256xi1>, vector<8x256xf32>
      %select_n3A_2414 = arith.select %gt3A_2408, %get3A_2384, %select_n3A_2373 : vector<8x256xi1>, vector<8x256xf32>
      %select_n3A_2415 = arith.select %gt3A_2408, %get3A_2389, %select_n3A_2374 : vector<8x256xi1>, vector<8x256xf32>
      %get3A_2416 = arith.constant 0 : index
      %get3A_2417 = arith.constant 0 : index
      %get3A_2418 = arith.constant 14592 : index
      %get3A_2419 = vector.load %arg1[%get3A_2416, %get3A_2417, %get3A_2418] : memref<3x8x16384xf32, #tpu.memory_space<vmem>>, vector<1x8x256xf32>
      %get3A_2420 = vector.shape_cast %get3A_2419 : vector<1x8x256xf32> to vector<8x256xf32>
      %get3A_2421 = arith.constant 1 : index
      %get3A_2422 = arith.constant 0 : index
      %get3A_2423 = arith.constant 14592 : index
      %get3A_2424 = vector.load %arg1[%get3A_2421, %get3A_2422, %get3A_2423] : memref<3x8x16384xf32, #tpu.memory_space<vmem>>, vector<1x8x256xf32>
      %get3A_2425 = vector.shape_cast %get3A_2424 : vector<1x8x256xf32> to vector<8x256xf32>
      %get3A_2426 = arith.constant 2 : index
      %get3A_2427 = arith.constant 0 : index
      %get3A_2428 = arith.constant 14592 : index
      %get3A_2429 = vector.load %arg1[%get3A_2426, %get3A_2427, %get3A_2428] : memref<3x8x16384xf32, #tpu.memory_space<vmem>>, vector<1x8x256xf32>
      %get3A_2430 = vector.shape_cast %get3A_2429 : vector<1x8x256xf32> to vector<8x256xf32>
      %sub3A_2431 = vector.broadcast %scan3A_35 : vector<8x1xf32> to vector<8x256xf32>
      %sub3A_2432 = arith.subf %get3A_2420, %sub3A_2431 : vector<8x256xf32>
      %sub3A_2433 = vector.broadcast %scan3A_36 : vector<8x1xf32> to vector<8x256xf32>
      %sub3A_2434 = arith.subf %get3A_2425, %sub3A_2433 : vector<8x256xf32>
      %sub3A_2435 = vector.broadcast %scan3A_37 : vector<8x1xf32> to vector<8x256xf32>
      %sub3A_2436 = arith.subf %get3A_2430, %sub3A_2435 : vector<8x256xf32>
      %mul3A_2437 = arith.mulf %sub3A_2432, %sub3A_2432 : vector<8x256xf32>
      %mul3A_2438 = arith.mulf %sub3A_2436, %sub3A_2436 : vector<8x256xf32>
      %add3A_2439 = arith.addf %mul3A_2437, %mul3A_2438 : vector<8x256xf32>
      %mul3A_2440 = arith.mulf %sub3A_2434, %sub3A_2434 : vector<8x256xf32>
      %add3A_2441 = arith.addf %add3A_2439, %mul3A_2440 : vector<8x256xf32>
      %get3A_2442 = arith.constant 0 : index
      %get3A_2443 = arith.constant 14592 : index
      %get3A_2444 = vector.load %arg3[%get3A_2442, %get3A_2443] : memref<8x16384xf32, #tpu.memory_space<vmem>>, vector<8x256xf32>
      %min3A_2445 = arith.minimumf %get3A_2444, %add3A_2441 : vector<8x256xf32>
      %swap3A_2446 = arith.constant 0 : index
      %swap3A_2447 = arith.constant 14592 : index
      %swap3A_2448 = vector.load %arg3[%swap3A_2446, %swap3A_2447] : memref<8x16384xf32, #tpu.memory_space<vmem>>, vector<8x256xf32>
      tpu.vector_store %arg3[%swap3A_2446, %swap3A_2447], %min3A_2445 {strides = array<i32>} : memref<8x16384xf32, #tpu.memory_space<vmem>>, vector<8x256xf32>,
      %gt3A_2449 = arith.cmpf ogt, %min3A_2445, %max3A_2409 : vector<8x256xf32>
      %max3A_2450 = arith.maximumf %max3A_2409, %min3A_2445 : vector<8x256xf32>
      %jit3A_2451 = arith.constant 57 : i32
      %broadcast_in_dim3A_2452 = vector.broadcast %jit3A_2451 : i32 to vector<8x256xi32>
      %select_n3A_2453 = arith.select %gt3A_2449, %broadcast_in_dim3A_2452, %select_n3A_2412 : vector<8x256xi1>, vector<8x256xi32>
      %select_n3A_2454 = arith.select %gt3A_2449, %get3A_2420, %select_n3A_2413 : vector<8x256xi1>, vector<8x256xf32>
      %select_n3A_2455 = arith.select %gt3A_2449, %get3A_2425, %select_n3A_2414 : vector<8x256xi1>, vector<8x256xf32>
      %select_n3A_2456 = arith.select %gt3A_2449, %get3A_2430, %select_n3A_2415 : vector<8x256xi1>, vector<8x256xf32>
      %get3A_2457 = arith.constant 0 : index
      %get3A_2458 = arith.constant 0 : index
      %get3A_2459 = arith.constant 14848 : index
      %get3A_2460 = vector.load %arg1[%get3A_2457, %get3A_2458, %get3A_2459] : memref<3x8x16384xf32, #tpu.memory_space<vmem>>, vector<1x8x256xf32>
      %get3A_2461 = vector.shape_cast %get3A_2460 : vector<1x8x256xf32> to vector<8x256xf32>
      %get3A_2462 = arith.constant 1 : index
      %get3A_2463 = arith.constant 0 : index
      %get3A_2464 = arith.constant 14848 : index
      %get3A_2465 = vector.load %arg1[%get3A_2462, %get3A_2463, %get3A_2464] : memref<3x8x16384xf32, #tpu.memory_space<vmem>>, vector<1x8x256xf32>
      %get3A_2466 = vector.shape_cast %get3A_2465 : vector<1x8x256xf32> to vector<8x256xf32>
      %get3A_2467 = arith.constant 2 : index
      %get3A_2468 = arith.constant 0 : index
      %get3A_2469 = arith.constant 14848 : index
      %get3A_2470 = vector.load %arg1[%get3A_2467, %get3A_2468, %get3A_2469] : memref<3x8x16384xf32, #tpu.memory_space<vmem>>, vector<1x8x256xf32>
      %get3A_2471 = vector.shape_cast %get3A_2470 : vector<1x8x256xf32> to vector<8x256xf32>
      %sub3A_2472 = vector.broadcast %scan3A_35 : vector<8x1xf32> to vector<8x256xf32>
      %sub3A_2473 = arith.subf %get3A_2461, %sub3A_2472 : vector<8x256xf32>
      %sub3A_2474 = vector.broadcast %scan3A_36 : vector<8x1xf32> to vector<8x256xf32>
      %sub3A_2475 = arith.subf %get3A_2466, %sub3A_2474 : vector<8x256xf32>
      %sub3A_2476 = vector.broadcast %scan3A_37 : vector<8x1xf32> to vector<8x256xf32>
      %sub3A_2477 = arith.subf %get3A_2471, %sub3A_2476 : vector<8x256xf32>
      %mul3A_2478 = arith.mulf %sub3A_2473, %sub3A_2473 : vector<8x256xf32>
      %mul3A_2479 = arith.mulf %sub3A_2477, %sub3A_2477 : vector<8x256xf32>
      %add3A_2480 = arith.addf %mul3A_2478, %mul3A_2479 : vector<8x256xf32>
      %mul3A_2481 = arith.mulf %sub3A_2475, %sub3A_2475 : vector<8x256xf32>
      %add3A_2482 = arith.addf %add3A_2480, %mul3A_2481 : vector<8x256xf32>
      %get3A_2483 = arith.constant 0 : index
      %get3A_2484 = arith.constant 14848 : index
      %get3A_2485 = vector.load %arg3[%get3A_2483, %get3A_2484] : memref<8x16384xf32, #tpu.memory_space<vmem>>, vector<8x256xf32>
      %min3A_2486 = arith.minimumf %get3A_2485, %add3A_2482 : vector<8x256xf32>
      %swap3A_2487 = arith.constant 0 : index
      %swap3A_2488 = arith.constant 14848 : index
      %swap3A_2489 = vector.load %arg3[%swap3A_2487, %swap3A_2488] : memref<8x16384xf32, #tpu.memory_space<vmem>>, vector<8x256xf32>
      tpu.vector_store %arg3[%swap3A_2487, %swap3A_2488], %min3A_2486 {strides = array<i32>} : memref<8x16384xf32, #tpu.memory_space<vmem>>, vector<8x256xf32>,
      %gt3A_2490 = arith.cmpf ogt, %min3A_2486, %max3A_2450 : vector<8x256xf32>
      %max3A_2491 = arith.maximumf %max3A_2450, %min3A_2486 : vector<8x256xf32>
      %jit3A_2492 = arith.constant 58 : i32
      %broadcast_in_dim3A_2493 = vector.broadcast %jit3A_2492 : i32 to vector<8x256xi32>
      %select_n3A_2494 = arith.select %gt3A_2490, %broadcast_in_dim3A_2493, %select_n3A_2453 : vector<8x256xi1>, vector<8x256xi32>
      %select_n3A_2495 = arith.select %gt3A_2490, %get3A_2461, %select_n3A_2454 : vector<8x256xi1>, vector<8x256xf32>
      %select_n3A_2496 = arith.select %gt3A_2490, %get3A_2466, %select_n3A_2455 : vector<8x256xi1>, vector<8x256xf32>
      %select_n3A_2497 = arith.select %gt3A_2490, %get3A_2471, %select_n3A_2456 : vector<8x256xi1>, vector<8x256xf32>
      %get3A_2498 = arith.constant 0 : index
      %get3A_2499 = arith.constant 0 : index
      %get3A_2500 = arith.constant 15104 : index
      %get3A_2501 = vector.load %arg1[%get3A_2498, %get3A_2499, %get3A_2500] : memref<3x8x16384xf32, #tpu.memory_space<vmem>>, vector<1x8x256xf32>
      %get3A_2502 = vector.shape_cast %get3A_2501 : vector<1x8x256xf32> to vector<8x256xf32>
      %get3A_2503 = arith.constant 1 : index
      %get3A_2504 = arith.constant 0 : index
      %get3A_2505 = arith.constant 15104 : index
      %get3A_2506 = vector.load %arg1[%get3A_2503, %get3A_2504, %get3A_2505] : memref<3x8x16384xf32, #tpu.memory_space<vmem>>, vector<1x8x256xf32>
      %get3A_2507 = vector.shape_cast %get3A_2506 : vector<1x8x256xf32> to vector<8x256xf32>
      %get3A_2508 = arith.constant 2 : index
      %get3A_2509 = arith.constant 0 : index
      %get3A_2510 = arith.constant 15104 : index
      %get3A_2511 = vector.load %arg1[%get3A_2508, %get3A_2509, %get3A_2510] : memref<3x8x16384xf32, #tpu.memory_space<vmem>>, vector<1x8x256xf32>
      %get3A_2512 = vector.shape_cast %get3A_2511 : vector<1x8x256xf32> to vector<8x256xf32>
      %sub3A_2513 = vector.broadcast %scan3A_35 : vector<8x1xf32> to vector<8x256xf32>
      %sub3A_2514 = arith.subf %get3A_2502, %sub3A_2513 : vector<8x256xf32>
      %sub3A_2515 = vector.broadcast %scan3A_36 : vector<8x1xf32> to vector<8x256xf32>
      %sub3A_2516 = arith.subf %get3A_2507, %sub3A_2515 : vector<8x256xf32>
      %sub3A_2517 = vector.broadcast %scan3A_37 : vector<8x1xf32> to vector<8x256xf32>
      %sub3A_2518 = arith.subf %get3A_2512, %sub3A_2517 : vector<8x256xf32>
      %mul3A_2519 = arith.mulf %sub3A_2514, %sub3A_2514 : vector<8x256xf32>
      %mul3A_2520 = arith.mulf %sub3A_2518, %sub3A_2518 : vector<8x256xf32>
      %add3A_2521 = arith.addf %mul3A_2519, %mul3A_2520 : vector<8x256xf32>
      %mul3A_2522 = arith.mulf %sub3A_2516, %sub3A_2516 : vector<8x256xf32>
      %add3A_2523 = arith.addf %add3A_2521, %mul3A_2522 : vector<8x256xf32>
      %get3A_2524 = arith.constant 0 : index
      %get3A_2525 = arith.constant 15104 : index
      %get3A_2526 = vector.load %arg3[%get3A_2524, %get3A_2525] : memref<8x16384xf32, #tpu.memory_space<vmem>>, vector<8x256xf32>
      %min3A_2527 = arith.minimumf %get3A_2526, %add3A_2523 : vector<8x256xf32>
      %swap3A_2528 = arith.constant 0 : index
      %swap3A_2529 = arith.constant 15104 : index
      %swap3A_2530 = vector.load %arg3[%swap3A_2528, %swap3A_2529] : memref<8x16384xf32, #tpu.memory_space<vmem>>, vector<8x256xf32>
      tpu.vector_store %arg3[%swap3A_2528, %swap3A_2529], %min3A_2527 {strides = array<i32>} : memref<8x16384xf32, #tpu.memory_space<vmem>>, vector<8x256xf32>,
      %gt3A_2531 = arith.cmpf ogt, %min3A_2527, %max3A_2491 : vector<8x256xf32>
      %max3A_2532 = arith.maximumf %max3A_2491, %min3A_2527 : vector<8x256xf32>
      %jit3A_2533 = arith.constant 59 : i32
      %broadcast_in_dim3A_2534 = vector.broadcast %jit3A_2533 : i32 to vector<8x256xi32>
      %select_n3A_2535 = arith.select %gt3A_2531, %broadcast_in_dim3A_2534, %select_n3A_2494 : vector<8x256xi1>, vector<8x256xi32>
      %select_n3A_2536 = arith.select %gt3A_2531, %get3A_2502, %select_n3A_2495 : vector<8x256xi1>, vector<8x256xf32>
      %select_n3A_2537 = arith.select %gt3A_2531, %get3A_2507, %select_n3A_2496 : vector<8x256xi1>, vector<8x256xf32>
      %select_n3A_2538 = arith.select %gt3A_2531, %get3A_2512, %select_n3A_2497 : vector<8x256xi1>, vector<8x256xf32>
      %get3A_2539 = arith.constant 0 : index
      %get3A_2540 = arith.constant 0 : index
      %get3A_2541 = arith.constant 15360 : index
      %get3A_2542 = vector.load %arg1[%get3A_2539, %get3A_2540, %get3A_2541] : memref<3x8x16384xf32, #tpu.memory_space<vmem>>, vector<1x8x256xf32>
      %get3A_2543 = vector.shape_cast %get3A_2542 : vector<1x8x256xf32> to vector<8x256xf32>
      %get3A_2544 = arith.constant 1 : index
      %get3A_2545 = arith.constant 0 : index
      %get3A_2546 = arith.constant 15360 : index
      %get3A_2547 = vector.load %arg1[%get3A_2544, %get3A_2545, %get3A_2546] : memref<3x8x16384xf32, #tpu.memory_space<vmem>>, vector<1x8x256xf32>
      %get3A_2548 = vector.shape_cast %get3A_2547 : vector<1x8x256xf32> to vector<8x256xf32>
      %get3A_2549 = arith.constant 2 : index
      %get3A_2550 = arith.constant 0 : index
      %get3A_2551 = arith.constant 15360 : index
      %get3A_2552 = vector.load %arg1[%get3A_2549, %get3A_2550, %get3A_2551] : memref<3x8x16384xf32, #tpu.memory_space<vmem>>, vector<1x8x256xf32>
      %get3A_2553 = vector.shape_cast %get3A_2552 : vector<1x8x256xf32> to vector<8x256xf32>
      %sub3A_2554 = vector.broadcast %scan3A_35 : vector<8x1xf32> to vector<8x256xf32>
      %sub3A_2555 = arith.subf %get3A_2543, %sub3A_2554 : vector<8x256xf32>
      %sub3A_2556 = vector.broadcast %scan3A_36 : vector<8x1xf32> to vector<8x256xf32>
      %sub3A_2557 = arith.subf %get3A_2548, %sub3A_2556 : vector<8x256xf32>
      %sub3A_2558 = vector.broadcast %scan3A_37 : vector<8x1xf32> to vector<8x256xf32>
      %sub3A_2559 = arith.subf %get3A_2553, %sub3A_2558 : vector<8x256xf32>
      %mul3A_2560 = arith.mulf %sub3A_2555, %sub3A_2555 : vector<8x256xf32>
      %mul3A_2561 = arith.mulf %sub3A_2559, %sub3A_2559 : vector<8x256xf32>
      %add3A_2562 = arith.addf %mul3A_2560, %mul3A_2561 : vector<8x256xf32>
      %mul3A_2563 = arith.mulf %sub3A_2557, %sub3A_2557 : vector<8x256xf32>
      %add3A_2564 = arith.addf %add3A_2562, %mul3A_2563 : vector<8x256xf32>
      %get3A_2565 = arith.constant 0 : index
      %get3A_2566 = arith.constant 15360 : index
      %get3A_2567 = vector.load %arg3[%get3A_2565, %get3A_2566] : memref<8x16384xf32, #tpu.memory_space<vmem>>, vector<8x256xf32>
      %min3A_2568 = arith.minimumf %get3A_2567, %add3A_2564 : vector<8x256xf32>
      %swap3A_2569 = arith.constant 0 : index
      %swap3A_2570 = arith.constant 15360 : index
      %swap3A_2571 = vector.load %arg3[%swap3A_2569, %swap3A_2570] : memref<8x16384xf32, #tpu.memory_space<vmem>>, vector<8x256xf32>
      tpu.vector_store %arg3[%swap3A_2569, %swap3A_2570], %min3A_2568 {strides = array<i32>} : memref<8x16384xf32, #tpu.memory_space<vmem>>, vector<8x256xf32>,
      %gt3A_2572 = arith.cmpf ogt, %min3A_2568, %max3A_2532 : vector<8x256xf32>
      %max3A_2573 = arith.maximumf %max3A_2532, %min3A_2568 : vector<8x256xf32>
      %jit3A_2574 = arith.constant 60 : i32
      %broadcast_in_dim3A_2575 = vector.broadcast %jit3A_2574 : i32 to vector<8x256xi32>
      %select_n3A_2576 = arith.select %gt3A_2572, %broadcast_in_dim3A_2575, %select_n3A_2535 : vector<8x256xi1>, vector<8x256xi32>
      %select_n3A_2577 = arith.select %gt3A_2572, %get3A_2543, %select_n3A_2536 : vector<8x256xi1>, vector<8x256xf32>
      %select_n3A_2578 = arith.select %gt3A_2572, %get3A_2548, %select_n3A_2537 : vector<8x256xi1>, vector<8x256xf32>
      %select_n3A_2579 = arith.select %gt3A_2572, %get3A_2553, %select_n3A_2538 : vector<8x256xi1>, vector<8x256xf32>
      %get3A_2580 = arith.constant 0 : index
      %get3A_2581 = arith.constant 0 : index
      %get3A_2582 = arith.constant 15616 : index
      %get3A_2583 = vector.load %arg1[%get3A_2580, %get3A_2581, %get3A_2582] : memref<3x8x16384xf32, #tpu.memory_space<vmem>>, vector<1x8x256xf32>
      %get3A_2584 = vector.shape_cast %get3A_2583 : vector<1x8x256xf32> to vector<8x256xf32>
      %get3A_2585 = arith.constant 1 : index
      %get3A_2586 = arith.constant 0 : index
      %get3A_2587 = arith.constant 15616 : index
      %get3A_2588 = vector.load %arg1[%get3A_2585, %get3A_2586, %get3A_2587] : memref<3x8x16384xf32, #tpu.memory_space<vmem>>, vector<1x8x256xf32>
      %get3A_2589 = vector.shape_cast %get3A_2588 : vector<1x8x256xf32> to vector<8x256xf32>
      %get3A_2590 = arith.constant 2 : index
      %get3A_2591 = arith.constant 0 : index
      %get3A_2592 = arith.constant 15616 : index
      %get3A_2593 = vector.load %arg1[%get3A_2590, %get3A_2591, %get3A_2592] : memref<3x8x16384xf32, #tpu.memory_space<vmem>>, vector<1x8x256xf32>
      %get3A_2594 = vector.shape_cast %get3A_2593 : vector<1x8x256xf32> to vector<8x256xf32>
      %sub3A_2595 = vector.broadcast %scan3A_35 : vector<8x1xf32> to vector<8x256xf32>
      %sub3A_2596 = arith.subf %get3A_2584, %sub3A_2595 : vector<8x256xf32>
      %sub3A_2597 = vector.broadcast %scan3A_36 : vector<8x1xf32> to vector<8x256xf32>
      %sub3A_2598 = arith.subf %get3A_2589, %sub3A_2597 : vector<8x256xf32>
      %sub3A_2599 = vector.broadcast %scan3A_37 : vector<8x1xf32> to vector<8x256xf32>
      %sub3A_2600 = arith.subf %get3A_2594, %sub3A_2599 : vector<8x256xf32>
      %mul3A_2601 = arith.mulf %sub3A_2596, %sub3A_2596 : vector<8x256xf32>
      %mul3A_2602 = arith.mulf %sub3A_2600, %sub3A_2600 : vector<8x256xf32>
      %add3A_2603 = arith.addf %mul3A_2601, %mul3A_2602 : vector<8x256xf32>
      %mul3A_2604 = arith.mulf %sub3A_2598, %sub3A_2598 : vector<8x256xf32>
      %add3A_2605 = arith.addf %add3A_2603, %mul3A_2604 : vector<8x256xf32>
      %get3A_2606 = arith.constant 0 : index
      %get3A_2607 = arith.constant 15616 : index
      %get3A_2608 = vector.load %arg3[%get3A_2606, %get3A_2607] : memref<8x16384xf32, #tpu.memory_space<vmem>>, vector<8x256xf32>
      %min3A_2609 = arith.minimumf %get3A_2608, %add3A_2605 : vector<8x256xf32>
      %swap3A_2610 = arith.constant 0 : index
      %swap3A_2611 = arith.constant 15616 : index
      %swap3A_2612 = vector.load %arg3[%swap3A_2610, %swap3A_2611] : memref<8x16384xf32, #tpu.memory_space<vmem>>, vector<8x256xf32>
      tpu.vector_store %arg3[%swap3A_2610, %swap3A_2611], %min3A_2609 {strides = array<i32>} : memref<8x16384xf32, #tpu.memory_space<vmem>>, vector<8x256xf32>,
      %gt3A_2613 = arith.cmpf ogt, %min3A_2609, %max3A_2573 : vector<8x256xf32>
      %max3A_2614 = arith.maximumf %max3A_2573, %min3A_2609 : vector<8x256xf32>
      %jit3A_2615 = arith.constant 61 : i32
      %broadcast_in_dim3A_2616 = vector.broadcast %jit3A_2615 : i32 to vector<8x256xi32>
      %select_n3A_2617 = arith.select %gt3A_2613, %broadcast_in_dim3A_2616, %select_n3A_2576 : vector<8x256xi1>, vector<8x256xi32>
      %select_n3A_2618 = arith.select %gt3A_2613, %get3A_2584, %select_n3A_2577 : vector<8x256xi1>, vector<8x256xf32>
      %select_n3A_2619 = arith.select %gt3A_2613, %get3A_2589, %select_n3A_2578 : vector<8x256xi1>, vector<8x256xf32>
      %select_n3A_2620 = arith.select %gt3A_2613, %get3A_2594, %select_n3A_2579 : vector<8x256xi1>, vector<8x256xf32>
      %get3A_2621 = arith.constant 0 : index
      %get3A_2622 = arith.constant 0 : index
      %get3A_2623 = arith.constant 15872 : index
      %get3A_2624 = vector.load %arg1[%get3A_2621, %get3A_2622, %get3A_2623] : memref<3x8x16384xf32, #tpu.memory_space<vmem>>, vector<1x8x256xf32>
      %get3A_2625 = vector.shape_cast %get3A_2624 : vector<1x8x256xf32> to vector<8x256xf32>
      %get3A_2626 = arith.constant 1 : index
      %get3A_2627 = arith.constant 0 : index
      %get3A_2628 = arith.constant 15872 : index
      %get3A_2629 = vector.load %arg1[%get3A_2626, %get3A_2627, %get3A_2628] : memref<3x8x16384xf32, #tpu.memory_space<vmem>>, vector<1x8x256xf32>
      %get3A_2630 = vector.shape_cast %get3A_2629 : vector<1x8x256xf32> to vector<8x256xf32>
      %get3A_2631 = arith.constant 2 : index
      %get3A_2632 = arith.constant 0 : index
      %get3A_2633 = arith.constant 15872 : index
      %get3A_2634 = vector.load %arg1[%get3A_2631, %get3A_2632, %get3A_2633] : memref<3x8x16384xf32, #tpu.memory_space<vmem>>, vector<1x8x256xf32>
      %get3A_2635 = vector.shape_cast %get3A_2634 : vector<1x8x256xf32> to vector<8x256xf32>
      %sub3A_2636 = vector.broadcast %scan3A_35 : vector<8x1xf32> to vector<8x256xf32>
      %sub3A_2637 = arith.subf %get3A_2625, %sub3A_2636 : vector<8x256xf32>
      %sub3A_2638 = vector.broadcast %scan3A_36 : vector<8x1xf32> to vector<8x256xf32>
      %sub3A_2639 = arith.subf %get3A_2630, %sub3A_2638 : vector<8x256xf32>
      %sub3A_2640 = vector.broadcast %scan3A_37 : vector<8x1xf32> to vector<8x256xf32>
      %sub3A_2641 = arith.subf %get3A_2635, %sub3A_2640 : vector<8x256xf32>
      %mul3A_2642 = arith.mulf %sub3A_2637, %sub3A_2637 : vector<8x256xf32>
      %mul3A_2643 = arith.mulf %sub3A_2641, %sub3A_2641 : vector<8x256xf32>
      %add3A_2644 = arith.addf %mul3A_2642, %mul3A_2643 : vector<8x256xf32>
      %mul3A_2645 = arith.mulf %sub3A_2639, %sub3A_2639 : vector<8x256xf32>
      %add3A_2646 = arith.addf %add3A_2644, %mul3A_2645 : vector<8x256xf32>
      %get3A_2647 = arith.constant 0 : index
      %get3A_2648 = arith.constant 15872 : index
      %get3A_2649 = vector.load %arg3[%get3A_2647, %get3A_2648] : memref<8x16384xf32, #tpu.memory_space<vmem>>, vector<8x256xf32>
      %min3A_2650 = arith.minimumf %get3A_2649, %add3A_2646 : vector<8x256xf32>
      %swap3A_2651 = arith.constant 0 : index
      %swap3A_2652 = arith.constant 15872 : index
      %swap3A_2653 = vector.load %arg3[%swap3A_2651, %swap3A_2652] : memref<8x16384xf32, #tpu.memory_space<vmem>>, vector<8x256xf32>
      tpu.vector_store %arg3[%swap3A_2651, %swap3A_2652], %min3A_2650 {strides = array<i32>} : memref<8x16384xf32, #tpu.memory_space<vmem>>, vector<8x256xf32>,
      %gt3A_2654 = arith.cmpf ogt, %min3A_2650, %max3A_2614 : vector<8x256xf32>
      %max3A_2655 = arith.maximumf %max3A_2614, %min3A_2650 : vector<8x256xf32>
      %jit3A_2656 = arith.constant 62 : i32
      %broadcast_in_dim3A_2657 = vector.broadcast %jit3A_2656 : i32 to vector<8x256xi32>
      %select_n3A_2658 = arith.select %gt3A_2654, %broadcast_in_dim3A_2657, %select_n3A_2617 : vector<8x256xi1>, vector<8x256xi32>
      %select_n3A_2659 = arith.select %gt3A_2654, %get3A_2625, %select_n3A_2618 : vector<8x256xi1>, vector<8x256xf32>
      %select_n3A_2660 = arith.select %gt3A_2654, %get3A_2630, %select_n3A_2619 : vector<8x256xi1>, vector<8x256xf32>
      %select_n3A_2661 = arith.select %gt3A_2654, %get3A_2635, %select_n3A_2620 : vector<8x256xi1>, vector<8x256xf32>
      %get3A_2662 = arith.constant 0 : index
      %get3A_2663 = arith.constant 0 : index
      %get3A_2664 = arith.constant 16128 : index
      %get3A_2665 = vector.load %arg1[%get3A_2662, %get3A_2663, %get3A_2664] : memref<3x8x16384xf32, #tpu.memory_space<vmem>>, vector<1x8x256xf32>
      %get3A_2666 = vector.shape_cast %get3A_2665 : vector<1x8x256xf32> to vector<8x256xf32>
      %get3A_2667 = arith.constant 1 : index
      %get3A_2668 = arith.constant 0 : index
      %get3A_2669 = arith.constant 16128 : index
      %get3A_2670 = vector.load %arg1[%get3A_2667, %get3A_2668, %get3A_2669] : memref<3x8x16384xf32, #tpu.memory_space<vmem>>, vector<1x8x256xf32>
      %get3A_2671 = vector.shape_cast %get3A_2670 : vector<1x8x256xf32> to vector<8x256xf32>
      %get3A_2672 = arith.constant 2 : index
      %get3A_2673 = arith.constant 0 : index
      %get3A_2674 = arith.constant 16128 : index
      %get3A_2675 = vector.load %arg1[%get3A_2672, %get3A_2673, %get3A_2674] : memref<3x8x16384xf32, #tpu.memory_space<vmem>>, vector<1x8x256xf32>
      %get3A_2676 = vector.shape_cast %get3A_2675 : vector<1x8x256xf32> to vector<8x256xf32>
      %sub3A_2677 = vector.broadcast %scan3A_35 : vector<8x1xf32> to vector<8x256xf32>
      %sub3A_2678 = arith.subf %get3A_2666, %sub3A_2677 : vector<8x256xf32>
      %sub3A_2679 = vector.broadcast %scan3A_36 : vector<8x1xf32> to vector<8x256xf32>
      %sub3A_2680 = arith.subf %get3A_2671, %sub3A_2679 : vector<8x256xf32>
      %sub3A_2681 = vector.broadcast %scan3A_37 : vector<8x1xf32> to vector<8x256xf32>
      %sub3A_2682 = arith.subf %get3A_2676, %sub3A_2681 : vector<8x256xf32>
      %mul3A_2683 = arith.mulf %sub3A_2678, %sub3A_2678 : vector<8x256xf32>
      %mul3A_2684 = arith.mulf %sub3A_2682, %sub3A_2682 : vector<8x256xf32>
      %add3A_2685 = arith.addf %mul3A_2683, %mul3A_2684 : vector<8x256xf32>
      %mul3A_2686 = arith.mulf %sub3A_2680, %sub3A_2680 : vector<8x256xf32>
      %add3A_2687 = arith.addf %add3A_2685, %mul3A_2686 : vector<8x256xf32>
      %get3A_2688 = arith.constant 0 : index
      %get3A_2689 = arith.constant 16128 : index
      %get3A_2690 = vector.load %arg3[%get3A_2688, %get3A_2689] : memref<8x16384xf32, #tpu.memory_space<vmem>>, vector<8x256xf32>
      %min3A_2691 = arith.minimumf %get3A_2690, %add3A_2687 : vector<8x256xf32>
      %swap3A_2692 = arith.constant 0 : index
      %swap3A_2693 = arith.constant 16128 : index
      %swap3A_2694 = vector.load %arg3[%swap3A_2692, %swap3A_2693] : memref<8x16384xf32, #tpu.memory_space<vmem>>, vector<8x256xf32>
      tpu.vector_store %arg3[%swap3A_2692, %swap3A_2693], %min3A_2691 {strides = array<i32>} : memref<8x16384xf32, #tpu.memory_space<vmem>>, vector<8x256xf32>,
      %gt3A_2695 = arith.cmpf ogt, %min3A_2691, %max3A_2655 : vector<8x256xf32>
      %max3A_2696 = arith.maximumf %max3A_2655, %min3A_2691 : vector<8x256xf32>
      %jit3A_2697 = arith.constant 63 : i32
      %broadcast_in_dim3A_2698 = vector.broadcast %jit3A_2697 : i32 to vector<8x256xi32>
      %select_n3A_2699 = arith.select %gt3A_2695, %broadcast_in_dim3A_2698, %select_n3A_2658 : vector<8x256xi1>, vector<8x256xi32>
      %select_n3A_2700 = arith.select %gt3A_2695, %get3A_2666, %select_n3A_2659 : vector<8x256xi1>, vector<8x256xf32>
      %select_n3A_2701 = arith.select %gt3A_2695, %get3A_2671, %select_n3A_2660 : vector<8x256xi1>, vector<8x256xf32>
      %select_n3A_2702 = arith.select %gt3A_2695, %get3A_2676, %select_n3A_2661 : vector<8x256xi1>, vector<8x256xf32>
      %reduce_max3A = arith.constant dense<0xFF800000> : vector<8xf32>
      %reduce_max3A_2703 = vector.multi_reduction <maximumf>, %max3A_2696, %reduce_max3A [1] : vector<8x256xf32> to vector<8xf32>
      %broadcast_in_dim3A_2704 = vector.shape_cast %reduce_max3A_2703 : vector<8xf32> to vector<8x1xf32>
      %eq3A_2705 = vector.broadcast %broadcast_in_dim3A_2704 : vector<8x1xf32> to vector<8x256xf32>
      %eq3A_2706 = arith.cmpf oeq, %max3A_2696, %eq3A_2705 : vector<8x256xf32>
      %mul3A_2707 = arith.constant 256 : i32
      %mul3A_2708 = vector.broadcast %mul3A_2707 : i32 to vector<8x256xi32>
      %mul3A_2709 = arith.muli %select_n3A_2699, %mul3A_2708 : vector<8x256xi32>
      %add3A_2710 = arith.addi %mul3A_2709, %iota3A_6 : vector<8x256xi32>
      %jit3A_2711 = arith.constant 16384 : i32
      %broadcast_in_dim3A_2712 = vector.broadcast %jit3A_2711 : i32 to vector<8x256xi32>
      %select_n3A_2713 = arith.select %eq3A_2706, %add3A_2710, %broadcast_in_dim3A_2712 : vector<8x256xi1>, vector<8x256xi32>
      %reduce_min3A = arith.constant dense<2147483647> : vector<8xi32>
      %reduce_min3A_2714 = vector.multi_reduction <minsi>, %select_n3A_2713, %reduce_min3A [1] : vector<8x256xi32> to vector<8xi32>
      %broadcast_in_dim3A_2715 = vector.shape_cast %reduce_min3A_2714 : vector<8xi32> to vector<8x1xi32>
      %eq3A_2716 = vector.broadcast %broadcast_in_dim3A_2715 : vector<8x1xi32> to vector<8x256xi32>
      %eq3A_2717 = arith.cmpi eq, %select_n3A_2713, %eq3A_2716 : vector<8x256xi32>
      %jit3A_2718 = arith.constant 0.000000e+00 : f32
      %broadcast_in_dim3A_2719 = vector.broadcast %jit3A_2718 : f32 to vector<8x256xf32>
      %select_n3A_2720 = arith.select %eq3A_2717, %select_n3A_2700, %broadcast_in_dim3A_2719 : vector<8x256xi1>, vector<8x256xf32>
      %reduce_sum3A = arith.constant dense<0.000000e+00> : vector<8xf32>
      %reduce_sum3A_2721 = vector.multi_reduction <add>, %select_n3A_2720, %reduce_sum3A [1] : vector<8x256xf32> to vector<8xf32>
      %broadcast_in_dim3A_2722 = vector.shape_cast %reduce_sum3A_2721 : vector<8xf32> to vector<8x1xf32>
      %jit3A_2723 = arith.constant 0.000000e+00 : f32
      %broadcast_in_dim3A_2724 = vector.broadcast %jit3A_2723 : f32 to vector<8x256xf32>
      %select_n3A_2725 = arith.select %eq3A_2717, %select_n3A_2701, %broadcast_in_dim3A_2724 : vector<8x256xi1>, vector<8x256xf32>
      %reduce_sum3A_2726 = arith.constant dense<0.000000e+00> : vector<8xf32>
      %reduce_sum3A_2727 = vector.multi_reduction <add>, %select_n3A_2725, %reduce_sum3A_2726 [1] : vector<8x256xf32> to vector<8xf32>
      %broadcast_in_dim3A_2728 = vector.shape_cast %reduce_sum3A_2727 : vector<8xf32> to vector<8x1xf32>
      %jit3A_2729 = arith.constant 0.000000e+00 : f32
      %broadcast_in_dim3A_2730 = vector.broadcast %jit3A_2729 : f32 to vector<8x256xf32>
      %select_n3A_2731 = arith.select %eq3A_2717, %select_n3A_2702, %broadcast_in_dim3A_2730 : vector<8x256xi1>, vector<8x256xf32>
      %reduce_sum3A_2732 = arith.constant dense<0.000000e+00> : vector<8xf32>
      %reduce_sum3A_2733 = vector.multi_reduction <add>, %select_n3A_2731, %reduce_sum3A_2732 [1] : vector<8x256xf32> to vector<8xf32>
      %broadcast_in_dim3A_2734 = vector.shape_cast %reduce_sum3A_2733 : vector<8xf32> to vector<8x1xf32>
      scf.yield %broadcast_in_dim3A_2715, %broadcast_in_dim3A_2722, %broadcast_in_dim3A_2728, %broadcast_in_dim3A_2734, %select_n3A_53 : vector<8x1xi32>, vector<8x1xf32>, vector<8x1xf32>, vector<8x1xf32>, vector<8x128xi32>
    }
    %scan3A_32 = arith.constant 2048 : i32
    return
  }
  func.func @transform_0(%arg0: i32) -> (i32, i32, i32) {
    %c0_i32 = arith.constant 0 : i32
    %c0_i32_0 = arith.constant 0 : i32
    %c0_i32_1 = arith.constant 0 : i32
    return %c0_i32, %arg0, %c0_i32_0 : i32, i32, i32
  }
  func.func @transform_1(%arg0: i32) -> (i32, i32) {
    %c0_i32 = arith.constant 0 : i32
    %c0_i32_0 = arith.constant 0 : i32
    return %arg0, %c0_i32 : i32, i32
  }
}

</mosaic_0001>

<sc_bundles>
// kernel: kernel.6.cloned.1.call-start
scs
__scs_entry_jumppad:
0x0: {  	(pc) =	sbr.rel $0x88, $3  }
0x1: {  	(tag) =	ssettag $0x0;
	lr =	simm.s32 $0x1  }
0x2: {  	[smem:$0x3F9C] =	sst lr;
	_ =	strace $0xD0000000  }
0x3: {  	_ = 	snop  }
0x4: {  	_ = 	snop  }
0x5: {  	_ = 	snop  }
0x6: {  	_ = 	snop  }
0x7: {  	_ = 	snop  }
__scs_overlays_trampoline_lowered:
0x8: {  	[smem:$0x3FAB] =	sst s0  }
0x9: {  	[smem:$0x3FAC] =	sst s1  }
0xa: {  	[smem:$0x3FAD] =	sst s2  }
0xb: {  	[smem:$0x3FAE] =	sst s3  }
0xc: {  	[smem:$0x3FAF] =	sst s4  }
0xd: {  	[smem:$0x3FB0] =	sst s5  }
0xe: {  	[smem:$0x3FB1] =	sst s6  }
0xf: {  	[smem:$0x3FB2] =	sst s7  }
0x10: {  	[smem:$0x3FB3] =	sst s8  }
0x11: {  	[smem:$0x3FB4] =	sst s9;
	s0 =	simm.s32 @!p0 $0x0  }
0x12: {  	s1 =	sld [smem:$0x3F9A];
	s0 =	simm.s32 @p0 $0x1  }
0x13: {  	[smem:$0x3FB5] =	sst s0;
	s0 =	simm.s32 @!p1 $0x0  }
0x14: {  	s2 =	sld [smem:$0x3F99];
	s0 =	simm.s32 @p1 $0x1  }
0x15: {  	[smem:$0x3FB6] =	sst s0;
	s0 =	simm.s32 @!p2 $0x0  }
0x16: {  	s3 =	sld [smem:$0x3FDB];
	s0 =	simm.s32 @p2 $0x1  }
0x17: {  	s4 =	simm.s32 $0x1BF5;
	[smem:$0x3FB8] =	sst s0  }
0x18: {  	s0 =	sld [smem:$0x3F9B];
	_ =	swait.ge [sflag:s4], $0x0  }
0x19: {  	s7 =	sld [smem:$0x3F9C]  }
0x1a: {  	s8 =	sadd.s32 $0xFFFFE003, lr  }
0x1b: {  	s9 =	sadd.s32 $0xFFFFFEF7, lr;
	s5 =	simm.s32 $0xFFFFFFFF;
	p2 =	slt.u32 s8, $0xFFFFF086  }
0x1c: {  	p1 =	slt.u32 s9, $0xF7A;
	s5 =	simm.s32 @!p2 $0x0  }
0x1d: {  	s5 =	simm.s32 @p1 $0x1;
	p0 =	seq.s32 s7, s2  }
0x1e: {  	s7 =	smul.u32 @!p0 $0xF7A, s2;
	p2 =	seq.s32 @!p0 s5, $0x0  }
0x1f: {  	s9 =	smul.u32 $0xF7A, s1;
	s8 =	simm.s32 @!p0 $0x1BF5;
	p2 =	por !p2, p0  }
0x20: {  	[sflag:s8] =	ssyncset.s32 @!p0 $0xFFFFF086;
	s6 =	sadd.s32 @!p0 s3, s7;
	s7 =	simm.s32 @!p0 $0x108  }
0x21: {  	s3 =	sadd.s32 s3, s9;
	s6 =	sadd.s32 @!p0 $0x88, s6;
	s7 =	simm.s32 @p2 $0x1082  }
0x22: {  	[simem:s7], [sflag:s8] =	dma.local @!p0 [hbm:s6], $0xF7A  }
0x23: {  	s9 =	sor.u32 $0xD0000000, s2;
	s6 =	simm.s32 $0x108;
	_ =	swait.ge @!p0 [sflag:s8], $0x0  }
0x24: {  	s3 =	sadd.s32 $0x88, s3;
	s6 =	simm.s32 @!p1 $0x1082;
	[sflag:s4] =	ssyncset.s32 $0xFFFFF086  }
0x25: {  	[simem:s6], [sflag:s4] =	dma.local [hbm:s3], $0xF7A  }
0x26: {  	[smem:$0x3F9C] =	sst s1;
	(tag) =	ssettag s2;
	_ =	strace s9  }
0x27: {  	s1 =	sld [smem:$0x3FAC]  }
0x28: {  	s2 =	sld [smem:$0x3FAD]  }
0x29: {  	s4 =	sld [smem:$0x3FAF]  }
0x2a: {  	p0 =	seq.s32 s5, $0x0;
	s5 =	sld [smem:$0x3FB0]  }
0x2b: {  	s6 =	sld [smem:$0x3FB1]  }
0x2c: {  	s7 =	sld [smem:$0x3FB2]  }
0x2d: {  	s3 =	simm.s32 $0x108;
	s8 =	sld [smem:$0x3FB3]  }
0x2e: {  	s3 =	simm.s32 @!p0 $0x1082;
	s9 =	sld [smem:$0x3FB4]  }
0x2f: {  	lr =	sadd.s32 s0, s3;
	s0 =	sld [smem:$0x3FAB]  }
0x30: {  	s3 =	sld [smem:$0x3FAE]  }
0x31: {  	[smem:$0x3FB7] =	sst s10  }
0x32: {  	s10 =	sld [smem:$0x3FB5];
	_ =	sdelay $0x3  }
0x33: {  	p0 =	seq.s32 s10, $0x1;
	s10 =	sld [smem:$0x3FB7];
	_ =	sdelay $0x3  }
0x34: {  	[smem:$0x3FB7] =	sst s10  }
0x35: {  	s10 =	sld [smem:$0x3FB6];
	_ =	sdelay $0x3  }
0x36: {  	p1 =	seq.s32 s10, $0x1;
	s10 =	sld [smem:$0x3FB7];
	_ =	sdelay $0x3  }
0x37: {  	[smem:$0x3FB7] =	sst s10  }
0x38: {  	s10 =	sld [smem:$0x3FB8]  }
0x39: {  	_ = 	snop;
	(pc) =	sbr.ind lr, $3  }
0x3a: {  	_ = 	snop  }
0x3b: {  	_ = 	snop  }
0x3c: {  	p2 =	seq.s32 s10, $0x1;
	s10 =	sld [smem:$0x3FB7]  }
0x3d: {  	_ =	shalt  }
0x3e: {  	_ =	shalt  }
0x3f: {  	_ =	shalt  }
0x40: {  	_ =	shalt  }
0x41: {  	_ =	shalt  }
0x42: {  	_ =	shalt  }
0x43: {  	_ =	shalt  }
0x44: {  	_ =	shalt  }
0x45: {  	_ =	shalt  }
0x46: {  	_ =	shalt  }
0x47: {  	_ =	shalt  }
0x48: {  	_ =	shalt  }
0x49: {  	_ =	shalt  }
0x4a: {  	_ =	shalt  }
0x4b: {  	_ =	shalt  }
0x4c: {  	_ =	shalt  }
0x4d: {  	_ =	shalt  }
0x4e: {  	_ =	shalt  }
0x4f: {  	_ =	shalt  }
0x50: {  	_ =	shalt  }
0x51: {  	_ =	shalt  }
0x52: {  	_ =	shalt  }
0x53: {  	_ =	shalt  }
0x54: {  	_ =	shalt  }
0x55: {  	_ =	shalt  }
0x56: {  	_ =	shalt  }
0x57: {  	_ =	shalt  }
0x58: {  	_ =	shalt  }
0x59: {  	_ =	shalt  }
0x5a: {  	_ =	shalt  }
0x5b: {  	_ =	shalt  }
0x5c: {  	_ =	shalt  }
0x5d: {  	_ =	shalt  }
0x5e: {  	_ =	shalt  }
0x5f: {  	_ =	shalt  }
0x60: {  	_ =	shalt  }
0x61: {  	_ =	shalt  }
0x62: {  	_ =	shalt  }
0x63: {  	_ =	shalt  }
0x64: {  	_ =	shalt  }
0x65: {  	_ =	shalt  }
0x66: {  	_ =	shalt  }
0x67: {  	_ =	shalt  }
0x68: {  	_ =	shalt  }
0x69: {  	_ =	shalt  }
0x6a: {  	_ =	shalt  }
0x6b: {  	_ =	shalt  }
0x6c: {  	_ =	shalt  }
0x6d: {  	_ =	shalt  }
0x6e: {  	_ =	shalt  }
0x6f: {  	_ =	shalt  }
0x70: {  	_ =	shalt  }
0x71: {  	_ =	shalt  }
0x72: {  	_ =	shalt  }
0x73: {  	_ =	shalt  }
0x74: {  	_ =	shalt  }
0x75: {  	_ =	shalt  }
0x76: {  	_ =	shalt  }
0x77: {  	_ =	shalt  }
0x78: {  	_ =	shalt  }
0x79: {  	_ =	shalt  }
0x7a: {  	_ =	shalt  }
0x7b: {  	_ =	shalt  }
0x7c: {  	_ =	shalt  }
0x7d: {  	_ =	shalt  }
0x7e: {  	_ =	shalt  }
0x7f: {  	_ =	shalt  }
0x80: {  	_ =	shalt  }
0x81: {  	_ =	shalt  }
0x82: {  	_ =	shalt  }
0x83: {  	_ =	shalt  }
0x84: {  	_ =	shalt  }
0x85: {  	_ =	shalt  }
0x86: {  	_ =	shalt  }
0x87: {  	_ =	shalt  }
.Lfunc_end0:
.L_simem_size_0:
called_computation.1_lowered:
.L_overlay_start_0:
0x88: {  	s2 =	sld [smem:$0x3FD9]  }
0x89: {  	s3 =	sld [smem:$0x3FFE];
	_ =	sdelay $0x1  }
0x8a: {  	s1 =	srdreg.scid  }
0x8b: {  	s0 =	sand.u32 $0x1, s1  }
0x8c: {  	s17 =	sshll.u32 s0, $0xA;
	s2 =	sadd.s32 s3, s2  }
0x8d: {  	s2 =	sadd.s32 s2, s17  }
0x8e: {  	[smem:$0x3FC3] =	sst s2  }
0x8f: {  	_ = 	snop  }
0x90: {  	s2 =	sld [smem:$0x3FD0];
	(tm) =	ssettm $0x1  }
0x91: {  	s18 =	sld [smem:$0x3FFB];
	_ =	sdelay $0x3  }
0x92: {  	_ =	strace s18  }
0x93: {  	s3 =	sld [smem:$0x3FFC];
	_ =	sdelay $0x3  }
0x94: {  	_ =	strace s3  }
0x95: {  	s3 =	sld [smem:$0x3FFD];
	_ =	sdelay $0x3  }
0x96: {  	_ =	strace s3  }
0x97: {  	_ =	strace $0x8FFFFFFF  }
0x98: {  	s19 =	sld [smem:$0x3FDB];
	_ =	sdelay $0x1  }
0x99: {  	s4 =	simm.s32 $_scs_section_size  }
0x9a: {  	s5 =	simm.s32 $_size__tile_overlayer_lowered;
	s6 =	simm.s32 $_tile_overlayer_lowered  }
0x9b: {  	s22 =	simm.s32 $0x1BFF;
	s21 =	sshll.u32 s6, $0x1;
	s3 =	sadd.s32 s4, s19  }
0x9c: {  	s7 =	simm.s32 $0x0;
	s20 =	sshll.u32 s5, $0x1;
	s5 =	sadd.s32 s21, s3  }
0x9d: {  	[timem:s7], [sflag:s22] =	dma.local [hbm:s5], s20  }
0x9e: {  	_ =	swait.ge [sflag:s22], s20  }
0x9f: {  	s4 =	ssub.s32 $0x0, s20;
	[sflag:s22] =	ssyncset.done $0x0  }
0xa0: {  	[sflag:s22] =	ssyncadd.s32 s4;
	_ =	sdelay $0x1  }
0xa1: {  	s23 =	simm.s32 $0x1B8B  }
0xa2: {  	_ =	swait.ge [sflag:s23], $0x1  }
0xa3: {  	[sflag:s23] =	ssyncset.done $0x0  }
0xa4: {  	s25 =	simm.s32 $0x1B8E;
	s24 =	sld [smem:$0x3FFE];
	[sflag:s23] =	ssyncadd.s32 $0xFFFFFFFF  }
0xa5: {  	s26 =	simm.s32 $execute0_lowered;
	[smem:$0x3FD2] =	sst s25  }
0xa6: {  	s5 =	sshll.u32 s26, $0x1;
	_ =	strace $0x80000049;
	[dreg:$0x1] =	wrdreg $0xFFFFFFFF  }
0xa7: {  	s28 =	simm.s32 $_size_execute0_lowered;
	s3 =	sadd.s32 s3, s5;
	[dreg:$0x0] =	wrdreg $0x0  }
0xa8: {  	s5 =	sshll.u32 s28, $0x1;
	[dreg:$0x2] =	wrdreg s3  }
0xa9: {  	[dreg:$0x3] =	wrdreg s5  }
0xaa: {  	[dreg:$0x4] =	wrdreg $0xC0  }
0xab: {  	_ =	task [dreg:s7], $0x5FFFF  }
0xac: {  	[dreg:$0x1] =	wrdreg $0xFFFFFFFF  }
0xad: {  	[dreg:$0x0] =	wrdreg $0x60  }
0xae: {  	[dreg:$0x2] =	wrdreg s24  }
0xaf: {  	[dreg:$0x3] =	wrdreg s2  }
0xb0: {  	[dreg:$0x4] =	wrdreg $0x9  }
0xb1: {  	_ =	task.clear_ibuf [dreg:s7], $0x5FFFF;
	_ =	strace $0x90000049  }
0xb2: {  	s29 =	simm.s32 $0x9;
	_ =	strace $0x80000052  }
0xb3: {  	_ =	swait.ge [sflag:s29], $0x1  }
0xb4: {  	[sflag:s29] =	ssyncadd.s32 $0xFFFFFFFF  }
0xb5: {  	_ =	strace $0x90000052  }
0xb6: {  	_ =	sfence  }
0xb7: {  	s30 =	sld [smem:$0x0];
	_ =	sdelay $0x2  }
0xb8: {  	s31 =	sshll.u32 s1, $0xD;
	s1 =	sshrl.u32 s1, $0x2  }
0xb9: {  	s3 =	sand.u32 $0x4000, s31;
	s1 =	sadd.s32 s1, s30  }
0xba: {  	s0 =	sor.u32 s3, s0;
	s1 =	sshll.u32 s1, $0x11  }
0xbb: {  	s0 =	sor.u32 s1, s0  }
0xbc: {  	s0 =	sadd.s32 $0x8F2B, s0  }
0xbd: {  	[sflag:s0] =	ssyncadd.remote.s32 $0x1  }
0xbe: {  	_ =	sfence.sel $0xFFFF  }
0xbf: {  	[dreg:$0x0] =	wrdreg $0xFFFFFFFF;
	(pc) =	sbr.abs _section_cstart, $3  }
0xc0: {  	[dreg:$0x1] =	wrdreg $0xFFFFFFFF  }
0xc1: {  	_ =	task.clear_ibuf [dreg:s7], $0x2FFFF;
	_ =	strace $0x9FFFFFFF  }
0xc2: {  	(tm) =	ssettm $0x7FFFFFFF  }
0xc3: {  	_ =	shalt  }
tec
execute0_lowered:
.L_overlay_start_1:
0x0: {  	(tag) =	ssettag $0x1  }
0x1: {  	s3 =	rddreg [dreg:$0x0]  }
0x2: {  	s0 =	rddreg [dreg:$0x1]  }
0x3: {  	s1 =	simm.s32 $0x0;
	[dreg:$0x5] =	wrdreg s0  }
0x4: {  	s2 =	srdreg.scid;
	s8 =	simm.s32 $0x80;
	s0 =	rddreg [dreg:$0x2]  }
0x5: {  	s9 =	simm.s32 $0x4;
	s10 =	simm.s32 $0x0;
	[smem:$0x7FF] =	sst s1  }
0x6: {  	s4 =	sadd.s32 $0x1400, s3;
	s5 =	sand.u32 $0x1, s2;
	s2 =	stileid.u32  }
0x7: {  	s3 =	sadd.s32 $0x401400, s3;
	_ =	strace $0x8000004A;
	[dreg:$0x3] =	wrdreg s4  }
0x8: {  	s6 =	ssub.s32 $0x2, s5;
	s5 =	sshll.u32 s5, $0x4;
	[dreg:$0x4] =	wrdreg s8  }
0x9: {  	s8 =	simm.s32 $0x5;
	s31 =	sshrl.u32 s6, $0x1;
	s5 =	sor.u32 s2, s5  }
0xa: {  	s6 =	ssub.s32 s6, s31;
	s7 =	sshll.u32 s5, $0x7;
	s4 =	sshll.u32 s5, $0x3  }
0xb: {  	s5 =	sadd.s32 s3, s7;
	s6 =	smax.u32 s6, $0x1;
	s7 =	simm.s32 $0x1  }
.LBB2_1:
0xc: {  	_ =	strace $0x8000004B;
	s11 =	simm.s32 $0x1;
	p0 =	por $0x0, $0x0  }
0xd: {  	[tilespmem:s1], [sflag:$0x1] =	stream.linear.gather [hbm4b:s5+s1], $0x80, $0x200038;
	[tilespmem:$0x8100] =	vst v63  }
0xe: {  	s11 =	simm.s32 @p0 $0x0  }
0xf: {  	p4 =	por $0x1, $0x1;
	s20 =	sand.u32 $0x1, s1;
	p1 =	sne.s32 s11, $0x0  }
0x10: {  	p2 =	por $0x1, $0x1;
	s18 =	simm.s32 $0x6;
	p0 =	por !p4, !p1  }
0x11: {  	s16 =	simm.s32 $0x0;
	p5 =	por $0x0, $0x0;
	p0 =	por !p0, !p0  }
0x12: {  	s23 =	sadd.s32 $0x0, s4;
	s30 =	sadd.s32 $0x1, s20;
	s12 =	sadd.s32 @p0 s4, s11  }
0x13: {  	_ =	strace $0x9000004B;
	s13 =	sand.u32 @p0 $0x1, s7;
	s12 =	sshll.u32 @p0 s12, $0x4  }
0x14: {  	_ =	strace @p0 $0x8000004C;
	s15 =	simm.s32 @p0 $0x0;
	s12 =	sand.u32 @p0 $0x1FFFFFF0, s12  }
0x15: {  	s14 =	sshll.u32 @p0 s13, $0x7;
	s13 =	sadd.s32 @p0 $0x1, s13;
	s12 =	sadd.s32 @p0 s3, s12  }
0x16: {  	[tilespmem:s14], [sflag:s13] =	stream.linear.gather @p0 [hbm4b:s12+s15], $0x80, $0x200038;
	[tilespmem:$0x8100] =	vst v63  }
0x17: {  	p3 =	por p2, p2;
	s21 =	sshll.u32 s20, $0xE;
	_ =	strace @p0 $0x9000004C  }
0x18: {  	s16 =	sand.u32 $0x80, s16;
	p2 =	por p5, p5;
	_ =	strace $0x8000004D  }
0x19: {  	s17 =	sadd.s32 $0x1, s11;
	s22 =	sor.u32 $0x100, s21;
	_ =	swait.ge [sflag:s30], $0x80  }
0x1a: {  	s21 =	simm.s32 $0x1;
	p6 =	por p1, p1;
	[sflag:s30] =	ssyncset.done $0x0  }
0x1b: {  	p1 =	por p3, p3;
	p4 =	por $0x1, $0x1;
	[sflag:s30] =	ssyncadd.s32 $0xFFFFFF80  }
0x1c: {  	s12 =	simm.s32 $0x7;
	s15 =	sand.u32 @!p3 $0x1, s1;
	_ =	strace $0x9000004D  }
0x1d: {  	s13 =	simm.s32 $0x1;
	p3 =	seq.s32 s17, $0x8;
	_ =	strace $0x8000004E  }
0x1e: {  	s13 =	simm.s32 @!p0 $0x0;
	s17 =	simm.s32 @p3 $0x0;
	s19 =	rddreg [dreg:$0x4]  }
0x1f: {  	p0 =	por $0x0, $0x0;
	s14 =	sadd.s32 $0x1, s13;
	s31 =	rddreg [dreg:$0x3]  }
0x20: {  	[tilespmem:s22], [sflag:$0x5] =	stream.indirect.gather [hbm4b:s31+s19], $0x80, s16, s19, $0x2000b8;
	[tilespmem:$0x8100] =	vst v63  }
0x21: {  	p3 =	sne.s32 s11, s17;
	s21 =	simm.s32 @!p0 $0x0;
	_ =	swait.ge [sflag:s8], $0x4000  }
0x22: {  	p5 =	por !p4, !p3;
	p4 =	por $0x0, $0x0;
	[sflag:s8] =	ssyncset.done $0x0  }
0x23: {  	s13 =	simm.s32 $0x0;
	p6 =	por p4, p6;
	[sflag:s8] =	ssyncadd.s32 $0xFFFFC000  }
0x24: {  	s16 =	simm.s32 $0x0;
	s19 =	simm.s32 $0x0;
	_ =	strace $0x9000004E  }
.LBB2_2:
0x25: {  	_ =	strace @p6 $0x8000004F;
	s13 =	sadd.s32 s21, s13;
	s21 =	smov.u32 s12  }
0x26: {  	s12 =	smov.u32 s18;
	s18 =	sadd.s32 $0xFFFFFFFF, s18;
	p0 =	por p3, p3  }
0x27: {  	s28 =	sshll.u32 @p6 s23, $0xB;
	s20 =	sadd.s32 @p6 $0x3, s20;
	s24 =	simm.s32 @!p0 $0x0  }
0x28: {  	s25 =	rddreg [dreg:$0x5];
	s28 =	sand.u32 @p6 $0x1FFFF800, s28;
	s24 =	simm.s32 @p0 $0x1  }
0x29: {  	s25 =	sadd.s32 @p6 s25, s28;
	s28 =	simm.s32 @p6 $0x0;
	p0 =	sne.s32 s18, $0x0  }
0x2a: {  	[hbm4b:s25+s28] =	stream.linear.scatter @p6 [tilespmem:s22], [sflag:s20], $0x4000, $0x200038;
	[tilespmem:$0x8100] =	vst v63  }
0x2b: {  	s20 =	sadd.s32 @!p1 $0x3, s15;
	s15 =	simm.s32 @!p0 $0x0  }
0x2c: {  	s26 =	simm.s32 $0x1;
	[smem:$0x7FC] =	sst s24;
	s15 =	simm.s32 @p0 $0x1  }
0x2d: {  	s26 =	simm.s32 @!p6 $0x0;
	_ =	strace @p6 $0x9000004F;
	[smem:$0x7FD] =	sst s15  }
0x2e: {  	p5 =	por !p5, !p5;
	s19 =	sadd.s32 s26, s19;
	_ =	strace @!p1 $0x80000050  }
0x2f: {  	s24 =	sand.u32 @!p2 $0x1, s13;
	s22 =	sand.u32 @p5 $0x1, s14;
	_ =	swait.ge @!p1 [sflag:s20], $0x4000  }
0x30: {  	s15 =	smov.u32 s24;
	s24 =	sadd.s32 @p5 s4, s17;
	[sflag:s20] =	ssyncset.done @!p1 $0x0  }
0x31: {  	s25 =	sshll.u32 @p5 s22, $0x7;
	s24 =	sshll.u32 @p5 s24, $0x4;
	[sflag:s20] =	ssyncadd.s32 @!p1 $0xFFFFC000  }
0x32: {  	s20 =	sadd.s32 @p5 $0x1, s22;
	s22 =	sand.u32 @p5 $0x1FFFFFF0, s24;
	_ =	strace @!p1 $0x90000050  }
0x33: {  	s24 =	simm.s32 @p5 $0x0;
	s22 =	sadd.s32 @p5 s3, s22;
	_ =	strace @p5 $0x8000004C  }
0x34: {  	[tilespmem:s25], [sflag:s20] =	stream.linear.gather @p5 [hbm4b:s22+s24], $0x80, $0x200038;
	[tilespmem:$0x8100] =	vst v63  }
0x35: {  	s16 =	sadd.s32 s26, s16;
	s26 =	sand.u32 $0x1, s19;
	_ =	strace @p5 $0x9000004C  }
0x36: {  	s24 =	sadd.s32 $0x1, s26;
	_ =	strace $0x8000004D  }
0x37: {  	_ =	swait.ge [sflag:s24], $0x80  }
0x38: {  	[sflag:s24] =	ssyncset.done $0x0  }
0x39: {  	s20 =	simm.s32 $0x1;
	[sflag:s24] =	ssyncadd.s32 $0xFFFFFF80  }
0x3a: {  	s20 =	simm.s32 @!p5 $0x0;
	_ =	strace $0x9000004D  }
0x3b: {  	s14 =	sadd.s32 s20, s14;
	s20 =	sand.u32 $0x1, s16;
	_ =	strace $0x8000004E  }
0x3c: {  	s29 =	sshll.u32 s19, $0x7;
	s25 =	sshll.u32 s20, $0xE;
	s26 =	rddreg [dreg:$0x4]  }
0x3d: {  	s29 =	sand.u32 $0x80, s29;
	s22 =	sor.u32 $0x100, s25;
	s30 =	rddreg [dreg:$0x3]  }
0x3e: {  	[tilespmem:s22], [sflag:$0x5] =	stream.indirect.gather [hbm4b:s30+s26], $0x80, s29, s26, $0x2000b8;
	[tilespmem:$0x8100] =	vst v63  }
0x3f: {  	_ =	swait.ge [sflag:s8], $0x4000  }
0x40: {  	s31 =	sadd.s32 $0x1, s17;
	[sflag:s8] =	ssyncset.done $0x0  }
0x41: {  	s23 =	sadd.s32 s4, s11;
	s11 =	smov.u32 s17;
	[sflag:s8] =	ssyncadd.s32 $0xFFFFC000  }
0x42: {  	p3 =	seq.s32 s31, $0x8;
	s17 =	smov.u32 s31;
	_ =	strace $0x9000004E  }
0x43: {  	s17 =	simm.s32 @p3 $0x0;
	s31 =	sld [smem:$0x7FD]  }
0x44: {  	p6 =	sne.s32 s12, $0x1;
	p0 =	sne.s32 s21, $0x8;
	p3 =	sne.s32 s11, s17  }
0x45: {  	p5 =	por !p6, !p3;
	p6 =	seq.s32 s21, $0x1;
	s21 =	simm.s32 $0x1  }
0x46: {  	s21 =	simm.s32 @!p0 $0x0;
	p0 =	seq.s32 s31, $0x1  }
.Ltmp0:
0x47: {  	s30 =	sld [smem:$0x7FC];
	(pc) =	sbr.rel @p0 .LBB2_2-.Ltmp0, $4  }
0x48: {  	_ = 	snop  }
0x49: {  	p4 =	seq.s32 s12, $0x8  }
0x4a: {  	p1 =	por p2, p2;
	p2 =	por p4, p4;
	p4 =	seq.s32 s30, $0x1  }
0x4b: {  	p6 =	por p6, p4  }
0x4c: {  	_ =	strace @p6 $0x8000004F;
	s23 =	sshll.u32 @p6 s23, $0xB  }
0x4d: {  	s18 =	rddreg [dreg:$0x5];
	s23 =	sand.u32 @p6 $0x1FFFF800, s23  }
0x4e: {  	s20 =	sadd.s32 @p6 $0x3, s20;
	s18 =	sadd.s32 @p6 s18, s23;
	s23 =	simm.s32 @p6 $0x0  }
0x4f: {  	[hbm4b:s18+s23] =	stream.linear.scatter @p6 [tilespmem:s22], [sflag:s20], $0x4000, $0x200038;
	[tilespmem:$0x8100] =	vst v63  }
0x50: {  	p0 =	por !p5, !p5;
	_ =	strace @p6 $0x9000004F  }
0x51: {  	s15 =	sadd.s32 @!p1 $0x3, s15;
	s17 =	sadd.s32 @p0 s4, s17;
	_ =	strace @!p1 $0x80000050  }
0x52: {  	s14 =	sand.u32 @p0 $0x1, s14;
	s17 =	sshll.u32 @p0 s17, $0x4;
	_ =	swait.ge @!p1 [sflag:s15], $0x4000  }
0x53: {  	s18 =	simm.s32 $0x1;
	s20 =	sshll.u32 @p0 s14, $0x7;
	[sflag:s15] =	ssyncset.done @!p1 $0x0  }
0x54: {  	s14 =	sadd.s32 @p0 $0x1, s14;
	s18 =	simm.s32 @!p6 $0x0;
	[sflag:s15] =	ssyncadd.s32 @!p1 $0xFFFFC000  }
0x55: {  	s19 =	sadd.s32 s18, s19;
	s15 =	sand.u32 @p0 $0x1FFFFFF0, s17;
	_ =	strace @!p1 $0x90000050  }
0x56: {  	s17 =	simm.s32 @p0 $0x0;
	s15 =	sadd.s32 @p0 s3, s15;
	_ =	strace @p0 $0x8000004C  }
0x57: {  	[tilespmem:s20], [sflag:s14] =	stream.linear.gather @p0 [hbm4b:s15+s17], $0x80, $0x200038;
	[tilespmem:$0x8100] =	vst v63  }
0x58: {  	s25 =	sand.u32 $0x1, s19;
	_ =	strace @p0 $0x9000004C  }
0x59: {  	s14 =	sadd.s32 $0x1, s25;
	_ =	strace $0x8000004D  }
0x5a: {  	_ =	swait.ge [sflag:s14], $0x80  }
0x5b: {  	[sflag:s14] =	ssyncset.done $0x0  }
0x5c: {  	[sflag:s14] =	ssyncadd.s32 $0xFFFFFF80  }
0x5d: {  	s26 =	sadd.s32 s18, s16;
	_ =	strace $0x9000004D  }
0x5e: {  	s14 =	sand.u32 $0x1, s26;
	_ =	strace $0x8000004E  }
0x5f: {  	s30 =	sshll.u32 s19, $0x7;
	s31 =	sshll.u32 s14, $0xE;
	s28 =	rddreg [dreg:$0x4]  }
0x60: {  	s17 =	sand.u32 $0x80, s30;
	s18 =	sor.u32 $0x100, s31;
	s29 =	rddreg [dreg:$0x3]  }
0x61: {  	[tilespmem:s18], [sflag:$0x5] =	stream.indirect.gather [hbm4b:s29+s28], $0x80, s17, s28, $0x2000b8;
	[tilespmem:$0x8100] =	vst v63  }
0x62: {  	_ =	swait.ge [sflag:s8], $0x4000  }
0x63: {  	[sflag:s8] =	ssyncset.done $0x0  }
0x64: {  	p5 =	por p3, p3;
	p6 =	seq.s32 s12, $0x1;
	[sflag:s8] =	ssyncadd.s32 $0xFFFFC000  }
0x65: {  	s11 =	sadd.s32 s4, s11;
	p0 =	por p6, p5;
	_ =	strace $0x9000004E  }
0x66: {  	s11 =	sshll.u32 @p0 s11, $0xB;
	_ =	strace @p0 $0x8000004F  }
0x67: {  	s13 =	sadd.s32 s21, s13;
	s11 =	sand.u32 @p0 $0x1FFFF800, s11;
	s12 =	rddreg [dreg:$0x5]  }
0x68: {  	s14 =	sadd.s32 @p0 $0x3, s14;
	s11 =	sadd.s32 @p0 s12, s11;
	s12 =	simm.s32 @p0 $0x0  }
0x69: {  	[hbm4b:s11+s12] =	stream.linear.scatter @p0 [tilespmem:s18], [sflag:s14], $0x4000, $0x200038;
	[tilespmem:$0x8100] =	vst v63  }
0x6a: {  	p1 =	por p2, p2;
	s11 =	sand.u32 @!p2 $0x1, s13;
	_ =	strace @p0 $0x9000004F  }
0x6b: {  	s11 =	sadd.s32 @!p1 $0x3, s11;
	_ =	strace @!p1 $0x80000050  }
0x6c: {  	_ =	swait.ge @!p1 [sflag:s11], $0x4000  }
0x6d: {  	[sflag:s11] =	ssyncset.done @!p1 $0x0  }
0x6e: {  	s10 =	sadd.s32 $0x1, s10;
	[sflag:s11] =	ssyncadd.s32 @!p1 $0xFFFFC000  }
0x6f: {  	p0 =	sne.s32 s10, s6;
	_ =	strace @!p1 $0x90000050  }
.Ltmp1:
0x70: {  	_ =	strace $0x80000051;
	(pc) =	sbr.rel @p0 .LBB2_1-.Ltmp1, $4  }
0x71: {  	_ =	swait.ge [sflag:s9], $0x4000  }
0x72: {  	[sflag:s9] =	ssyncset.done $0x0  }
0x73: {  	[sflag:s9] =	ssyncadd.s32 $0xFFFFC000  }
0x74: {  	_ =	strace $0x90000051  }
0x75: {  	_ =	sfence.sel $0x180000  }
0x76: {  	[bflag:$0x0] =	sbarrier.arrive $0xFFFF  }
0x77: {  	p0 =	sne.s32 s2, $0x0;
	_ =	strace $0x9000004A  }
0x78: {  	s0 =	sadd.s32 @!p0 $0x100000, s0;
	[bflag:$0x2] =	sbarrier.arrive $0xFFFF  }
0x79: {  	[sflag:s0] =	ssyncadd.tile.s32 @!p0 $0x1;
	_ =	shalt  }
.Lfunc_end2:
_tile_overlayer_lowered:
.L_overlay_start_2:
0x7a: {  	(tag) =	ssettag $0x2  }
0x7b: {  	s0 =	rddreg [dreg:$0x0];
	s2 =	stileid.u32  }
0x7c: {  	s1 =	rddreg [dreg:$0x1];
	p0 =	sne.s32 s2, $0x0  }
0x7d: {  	s3 =	rddreg [dreg:$0x2];
	[bflag:$0x3] =	sbarrier.arrive $0xFFFF;
	s2 =	simm.s32 @!p0 $0x1C01  }
0x7e: {  	[timem:s3], [sflag:s2] =	dma.local @!p0 [hbm:s0], s1  }
0x7f: {  	s0 =	simm.s32 @!p0 $0x1  }
0x80: {  	_ =	swait.ge @!p0 [sflag:s0], s1  }
0x81: {  	s1 =	ssub.s32 @!p0 $0x0, s1;
	[sflag:s0] =	ssyncset.done @!p0 $0x0  }
0x82: {  	[sflag:s0] =	ssyncadd.s32 @!p0 s1  }
0x83: {  	[bflag:$0x3] =	sbarrier.arrive $0xFFFF  }
0x84: {  	_ =	shalt  }

// kernel: sparse-core-data-format-call.cloned.1.call-start
scs
called_computation_lowered:
.L_overlay_start_0:
0x0: {  	s2 =	sld [smem:$0x3FD9]  }
0x1: {  	s3 =	sld [smem:$0x3FFE];
	_ =	sdelay $0x1  }
0x2: {  	s1 =	srdreg.scid  }
0x3: {  	s0 =	sand.u32 $0x1, s1  }
0x4: {  	s18 =	sshll.u32 s0, $0xA;
	s2 =	sadd.s32 s3, s2  }
0x5: {  	s2 =	sadd.s32 s2, s18  }
0x6: {  	[smem:$0x3FC3] =	sst s2  }
0x7: {  	_ = 	snop  }
0x8: {  	s2 =	sld [smem:$0x3FC8];
	(tm) =	ssettm $0x1  }
0x9: {  	s19 =	sld [smem:$0x3FFB];
	_ =	sdelay $0x3  }
0xa: {  	_ =	strace s19  }
0xb: {  	s3 =	sld [smem:$0x3FFC];
	_ =	sdelay $0x3  }
0xc: {  	_ =	strace s3  }
0xd: {  	s3 =	sld [smem:$0x3FFD];
	_ =	sdelay $0x3  }
0xe: {  	_ =	strace s3  }
0xf: {  	_ =	strace $0x8FFFFFFF  }
0x10: {  	s20 =	sld [smem:$0x3FDB];
	_ =	sdelay $0x1  }
0x11: {  	s4 =	simm.s32 $_scs_section_size  }
0x12: {  	s5 =	simm.s32 $_size__tile_overlayer_lowered;
	s6 =	simm.s32 $_tile_overlayer_lowered  }
0x13: {  	s23 =	simm.s32 $0x1BFF;
	s22 =	sshll.u32 s6, $0x1;
	s3 =	sadd.s32 s4, s20  }
0x14: {  	s7 =	simm.s32 $0x0;
	s21 =	sshll.u32 s5, $0x1;
	s5 =	sadd.s32 s22, s3  }
0x15: {  	[timem:s7], [sflag:s23] =	dma.local [hbm:s5], s21  }
0x16: {  	_ =	swait.ge [sflag:s23], s21  }
0x17: {  	s4 =	ssub.s32 $0x0, s21;
	[sflag:s23] =	ssyncset.done $0x0  }
0x18: {  	[sflag:s23] =	ssyncadd.s32 s4;
	_ =	sdelay $0x1  }
0x19: {  	s24 =	simm.s32 $0x1B8B  }
0x1a: {  	_ =	swait.ge [sflag:s24], $0x1  }
0x1b: {  	[sflag:s24] =	ssyncset.done $0x0  }
0x1c: {  	s26 =	simm.s32 $0x1B8E;
	s25 =	sld [smem:$0x3FFE];
	[sflag:s24] =	ssyncadd.s32 $0xFFFFFFFF  }
0x1d: {  	s27 =	simm.s32 $execute0_lowered;
	[smem:$0x3FD2] =	sst s26  }
0x1e: {  	s5 =	sshll.u32 s27, $0x1;
	_ =	strace $0x80000046;
	[dreg:$0x1] =	wrdreg $0xFFFFFFFF  }
0x1f: {  	s28 =	simm.s32 $_size_execute0_lowered;
	s3 =	sadd.s32 s3, s5;
	[dreg:$0x0] =	wrdreg $0x0  }
0x20: {  	s5 =	sshll.u32 s28, $0x1;
	[dreg:$0x2] =	wrdreg s3  }
0x21: {  	[dreg:$0x3] =	wrdreg s5  }
0x22: {  	[dreg:$0x4] =	wrdreg $0xC0  }
0x23: {  	_ =	task [dreg:s7], $0x5FFFF  }
0x24: {  	[dreg:$0x1] =	wrdreg $0xFFFFFFFF  }
0x25: {  	[dreg:$0x0] =	wrdreg $0x60  }
0x26: {  	[dreg:$0x2] =	wrdreg s2  }
0x27: {  	[dreg:$0x3] =	wrdreg s25  }
0x28: {  	[dreg:$0x4] =	wrdreg $0x9  }
0x29: {  	_ =	task.clear_ibuf [dreg:s7], $0x5FFFF;
	_ =	strace $0x90000046  }
0x2a: {  	s29 =	simm.s32 $0x9;
	_ =	strace $0x80000048  }
0x2b: {  	_ =	swait.ge [sflag:s29], $0x1  }
0x2c: {  	[sflag:s29] =	ssyncadd.s32 $0xFFFFFFFF  }
0x2d: {  	_ =	strace $0x90000048  }
0x2e: {  	_ =	sfence  }
0x2f: {  	s30 =	sld [smem:$0x0];
	_ =	sdelay $0x2  }
0x30: {  	s31 =	sshll.u32 s1, $0xD;
	s1 =	sshrl.u32 s1, $0x2  }
0x31: {  	s3 =	sand.u32 $0x4000, s31;
	s1 =	sadd.s32 s1, s30  }
0x32: {  	s0 =	sor.u32 s3, s0;
	s1 =	sshll.u32 s1, $0x11  }
0x33: {  	s0 =	sor.u32 s1, s0  }
0x34: {  	s0 =	sadd.s32 $0x8F2B, s0  }
0x35: {  	[sflag:s0] =	ssyncadd.remote.s32 $0x1  }
0x36: {  	_ =	sfence.sel $0xFFFF  }
0x37: {  	[dreg:$0x0] =	wrdreg $0xFFFFFFFF;
	(pc) =	sbr.abs _section_cstart, $3  }
0x38: {  	[dreg:$0x1] =	wrdreg $0xFFFFFFFF  }
0x39: {  	_ =	task.clear_ibuf [dreg:s7], $0x2FFFF;
	_ =	strace $0x9FFFFFFF  }
0x3a: {  	(tm) =	ssettm $0x7FFFFFFF  }
0x3b: {  	_ =	shalt  }
tec
execute0_lowered:
.L_overlay_start_1:
0x0: {  	(tag) =	ssettag $0x1  }
0x1: {  	s1 =	rddreg [dreg:$0x0]  }
0x2: {  	s0 =	srdreg.scid;
	s2 =	rddreg [dreg:$0x1];
	s5 =	simm.s32 $0x1  }
0x3: {  	s8 =	simm.s32 $0x2;
	s14 =	simm.s32 $0x0;
	p0 =	por $0x0, $0x0  }
0x4: {  	s12 =	simm.s32 $0x0;
	s13 =	simm.s32 $0x0;
	s3 =	sshll.u32 s0, $0x7  }
0x5: {  	s9 =	simm.s32 $0x0;
	s10 =	stileid.u32;
	s3 =	sand.u32 $0x80, s3  }
.Ltmp0:
0x6: {  	s11 =	simm.s32 $0x0;
	s6 =	ssub.s32 $0x4000, s3;
	(pc) =	sbr.rel .LBB1_1-.Ltmp0, $4  }
0x7: {  	s0 =	rddreg [dreg:$0x2];
	_ =	strace $0x80000047;
	s7 =	sshrl.u32 s6, $0x7  }
0x8: {  	s4 =	sadd.s32 $0x1400, s2;
	s6 =	sshrl.u32 s6, $0x8;
	s7 =	sand.u32 $0x1, s7  }
0x9: {  	s2 =	stileid.u32;
	[sflag:s5] =	ssyncpa.u1 $0x0;
	s6 =	sadd.s32 s6, s7  }
0xa: {  	[sflag:s8] =	ssyncpa.u1 $0x0;
	s8 =	smov.u32 s3;
	s7 =	sadd.s32 $0x1, s6  }
.LBB1_4:
0xb: {  	v5 =	vld [tilespmem:s18+$0xFFFFFFD0];
	[tilespmem:s17+$0x2040 ss:$0x81] =	vst.msk $0xffff, v1  }
0xc: {  	v58 =	vld [tilespmem:s18+$0xFFFFFFE0];
	[tilespmem:s17+$0x2850 ss:$0x81] =	vst.msk $0xffff, v2  }
0xd: {  	s19 =	sshra.s32 s19, $0x2;
	v59 =	vld [tilespmem:s18+$0xFFFFFFF0];
	[tilespmem:s17+$0x3060 ss:$0x81] =	vst.msk $0xffff, v3  }
0xe: {  	v60 =	vld [tilespmem:s18+$0x0];
	[tilespmem:s17+$0x0 ss:$0x81] =	vst.msk $0xffff, v0;
	s16 =	sadd.s32 s19, s16  }
0xf: {  	v61 =	vld [tilespmem:s18+$0x10];
	[tilespmem:s16+$0x3870 ss:$0x81] =	vst.msk $0xffff, v4  }
0x10: {  	v62 =	vld [tilespmem:s18+$0x20];
	s14 =	sshll.u32 s14, $0x7;
	s28 =	sshll.u32 s12, $0x3;
	[tilespmem:s16+$0x810 ss:$0x81] =	vst.msk $0xffff, v5  }
0x11: {  	v63 =	vld [tilespmem:s18+$0xFFFFFFC0];
	s29 =	sand.u32 $0x1FFC00, s14;
	s17 =	sand.u32 $0x1FFC00, s28;
	[tilespmem:s16+$0x1020 ss:$0x81] =	vst.msk $0xffff, v58  }
0x12: {  	s14 =	sand.u32 $0x380, s14;
	s17 =	sadd.s32 s17, s29;
	[tilespmem:s16+$0x1830 ss:$0x81] =	vst.msk $0xffff, v59  }
0x13: {  	s13 =	sshll.u32 s13, $0x12;
	s30 =	sshrl.u32 s12, $0x3;
	s14 =	sor.u32 s14, s17;
	[tilespmem:s16+$0x2040 ss:$0x81] =	vst.msk $0xffff, v60  }
0x14: {  	s13 =	sadd.s32 s4, s13;
	s17 =	sand.u32 $0xF, s30;
	s14 =	sshrl.u32 s14, $0x3;
	[tilespmem:s16+$0x2850 ss:$0x81] =	vst.msk $0xffff, v61  }
0x15: {  	s13 =	sadd.s32 s17, s13;
	[tilespmem:s16+$0x3060 ss:$0x81] =	vst.msk $0xffff, v62;
	s14 =	sand.u32 $0x3FFF0, s14  }
0x16: {  	s31 =	sand.u32 $0x7, s12;
	[tilespmem:s16+$0x0 ss:$0x81] =	vst.msk $0xffff, v63;
	s13 =	sadd.s32 s14, s13  }
0x17: {  	[hbm4b:s13+s31] =	stream.linear.scatter [tilespmem:s15], [sflag:$0x2], $0x4000, $0x20;
	[tilespmem:$0x10100] =	vst v63  }
.LBB1_5:
0x18: {  	s15 =	sadd.s32 $0x100, s8  }
0x19: {  	s12 =	sadd.s32 $0x80, s9;
	s16 =	smov.u32 s9;
	p2 =	sgt.s32 s15, $0x3FFF  }
0x1a: {  	s16 =	smov.u32 @p2 s12  }
0x1b: {  	s18 =	smov.u32 s10;
	s12 =	sadd.s32 $0x10, s10;
	p3 =	sgt.s32 s16, $0x7F  }
0x1c: {  	s18 =	smov.u32 @p3 s12  }
0x1d: {  	s15 =	smov.u32 @p2 s3;
	p2 =	sgt.s32 s18, $0xF  }
0x1e: {  	p1 =	slt.u32 s11, $0x2;
	s18 =	smov.u32 @p2 s2;
	p2 =	sne.s32 s11, s7  }
.Ltmp1:
0x1f: {  	s17 =	simm.s32 @!p1 $0x2;
	(pc) =	sbr.rel @!p2 .LBB1_6-.Ltmp1, $4  }
0x20: {  	s14 =	smov.u32 s8;
	s13 =	smov.u32 s10;
	_ =	swait.ge @!p1 [sflag:s17], $0x4000  }
0x21: {  	p0 =	por !p0, !p0;
	[sflag:s17] =	ssyncset.done @!p1 $0x0;
	s8 =	smov.u32 s15  }
0x22: {  	s16 =	simm.s32 @p3 $0x0;
	s12 =	smov.u32 s9;
	[sflag:s17] =	ssyncadd.s32 @!p1 $0xFFFFC000  }
0x23: {  	s9 =	smov.u32 s16;
	s11 =	sadd.s32 $0x1, s11;
	s10 =	smov.u32 s18  }
.LBB1_1:
0x24: {  	p1 =	sge.u32 s11, s6;
	s31 =	sadd.s32 $0xFFFFFFFF, s11  }
0x25: {  	s15 =	sxor.u32 @!p1 $0xFFFFFFFF, s11;
	s16 =	sand.u32 @!p1 $0x78, s8;
	s17 =	sshll.u32 @!p1 s9, $0xE  }
0x26: {  	s18 =	sshll.u32 @!p1 s9, $0x7;
	s19 =	sshll.u32 @!p1 s8, $0x3;
	s15 =	sshll.u32 @!p1 s15, $0xE  }
0x27: {  	s17 =	sand.u32 @!p1 $0x1E0000, s17;
	s18 =	sand.u32 @!p1 $0x380, s18;
	s15 =	sand.u32 @!p1 $0x4000, s15  }
0x28: {  	s17 =	sadd.s32 @!p1 s17, s19;
	s19 =	sand.u32 @!p1 $0x3C00, s19;
	s16 =	sor.u32 @!p1 s18, s16  }
0x29: {  	s18 =	sshll.u32 @!p1 s10, $0x12;
	s16 =	sor.u32 @!p1 s19, s16;
	s17 =	sshrl.u32 @!p1 s17, $0x3  }
0x2a: {  	s18 =	sadd.s32 @!p1 s1, s18;
	s19 =	sand.u32 @!p1 $0x7, s8;
	s17 =	sand.u32 @!p1 $0x3F800, s17  }
0x2b: {  	s16 =	sshrl.u32 @!p1 s16, $0x3;
	s17 =	sadd.s32 @!p1 s17, s18;
	s18 =	sshll.u32 @!p1 s19, $0x12  }
0x2c: {  	s16 =	sadd.s32 @!p1 s16, s17;
	s17 =	sor.u32 @!p1 $0x400, s18;
	s18 =	simm.s32 @!p1 $0x20000  }
0x2d: {  	[tilespmem:s15], [sflag:$0x1] =	stream.strided.gather @!p1 [hbm4b:s16+s17], $0x4000, s18, s17, $0x38;
	[tilespmem:$0x10100] =	vst v63  }
0x2e: {  	p1 =	sge.u32 s31, s6  }
.Ltmp2:
0x2f: {  	_ = 	snop;
	(pc) =	sbr.rel @p1 .LBB1_5-.Ltmp2, $1  }
0x30: {  	_ =	sdelay $0x3  }
0x31: {  	s15 =	simm.s32 $0x1  }
0x32: {  	_ =	swait.ge [sflag:s5], $0x4000;
	s15 =	simm.s32 @!p0 $0x0  }
0x33: {  	[sflag:s5] =	ssyncset.done $0x0;
	s16 =	sshll.u32 s15, $0xE  }
0x34: {  	[sflag:s5] =	ssyncadd.s32 $0xFFFFC000;
	s18 =	sor.u32 $0x40, s16  }
0x35: {  	s15 =	smul.u32 $0x10200, s15;
	v0 =	vld [tilespmem:s18+$0x30]  }
0x36: {  	v3 =	vld [tilespmem:s18+$0xFFFFFFD0]  }
0x37: {  	s15 =	sshrl.u32 s15, $0x2;
	v4 =	vld [tilespmem:s18+$0xFFFFFFE0]  }
0x38: {  	v5 =	vld [tilespmem:s18+$0xFFFFFFF0];
	s16 =	sor.u32 $0x8000, s15  }
0x39: {  	s31 =	sand.u32 $0x1, s11;
	v1 =	vld [tilespmem:s18+$0x0];
	s17 =	sadd.s32 $0x0, s16  }
0x3a: {  	v2 =	vld [tilespmem:s18+$0x10];
	s15 =	smul.u32 $0x10200, s31;
	[tilespmem:s17+$0x3870 ss:$0x81] =	vst.msk $0xffff, v0  }
0x3b: {  	[tilespmem:s17+$0x810 ss:$0x81] =	vst.msk $0xffff, v3;
	v3 =	vld [tilespmem:s18+$0x20]  }
0x3c: {  	s15 =	sshrl.u32 s15, $0x2;
	v0 =	vld [tilespmem:s18+$0xFFFFFFC0];
	[tilespmem:s17+$0x1020 ss:$0x81] =	vst.msk $0xffff, v4;
	s18 =	sadd.s32 $0x80, s18  }
0x3d: {  	s19 =	simm.s32 $0x4;
	s20 =	simm.s32 $0x8;
	s15 =	sor.u32 $0x8000, s15;
	[tilespmem:s17+$0x1830 ss:$0x81] =	vst.msk $0xffff, v5;
	v4 =	vld [tilespmem:s18+$0x30]  }
.LBB1_3:
0x3e: {  	p1 =	sne.s32 s20, $0x1FC;
	v5 =	vld [tilespmem:s18+$0xFFFFFFD0];
	[tilespmem:s17+$0x2040 ss:$0x81] =	vst.msk $0xffff, v1  }
0x3f: {  	v6 =	vld [tilespmem:s18+$0xFFFFFFE0];
	[tilespmem:s17+$0x2850 ss:$0x81] =	vst.msk $0xffff, v2  }
0x40: {  	s21 =	sshra.s32 s19, $0x2;
	s19 =	smov.u32 s20;
	v7 =	vld [tilespmem:s18+$0xFFFFFFF0];
	[tilespmem:s17+$0x3060 ss:$0x81] =	vst.msk $0xffff, v3  }
.Ltmp3:
0x41: {  	v1 =	vld [tilespmem:s18+$0x0];
	[tilespmem:s17+$0x0 ss:$0x81] =	vst.msk $0xffff, v0;
	s17 =	sadd.s32 s21, s16;
	(pc) =	sbr.rel @p1 .LBB1_3-.Ltmp3, $4  }
0x42: {  	v2 =	vld [tilespmem:s18+$0x10];
	[tilespmem:s17+$0x3870 ss:$0x81] =	vst.msk $0xffff, v4  }
0x43: {  	[tilespmem:s17+$0x810 ss:$0x81] =	vst.msk $0xffff, v5;
	v3 =	vld [tilespmem:s18+$0x20]  }
0x44: {  	v0 =	vld [tilespmem:s18+$0xFFFFFFC0];
	[tilespmem:s17+$0x1020 ss:$0x81] =	vst.msk $0xffff, v6;
	s18 =	sadd.s32 $0x80, s18  }
0x45: {  	s20 =	sadd.s32 $0x4, s20;
	v4 =	vld [tilespmem:s18+$0x30];
	[tilespmem:s17+$0x1830 ss:$0x81] =	vst.msk $0xffff, v7  }
.Ltmp4:
0x46: {  	_ = 	snop;
	(pc) =	sbr.rel .LBB1_4-.Ltmp4, $1  }
0x47: {  	_ =	sdelay $0x3  }
.LBB1_6:
0x48: {  	_ =	sfence.sel $0x180000  }
0x49: {  	s1 =	simm.s32 $0x1;
	[bflag:$0x0] =	sbarrier.arrive $0xFFFF  }
0x4a: {  	s31 =	simm.s32 $0x2;
	[sflag:s1] =	ssyncpa.u1 $0x1  }
0x4b: {  	[sflag:s31] =	ssyncpa.u1 $0x1  }
0x4c: {  	p0 =	sne.s32 s2, $0x0;
	_ =	strace $0x90000047  }
0x4d: {  	s0 =	sadd.s32 @!p0 $0x100000, s0;
	[bflag:$0x2] =	sbarrier.arrive $0xFFFF  }
0x4e: {  	[sflag:s0] =	ssyncadd.tile.s32 @!p0 $0x1;
	_ =	shalt  }
.Lfunc_end1:
_tile_overlayer_lowered:
.L_overlay_start_2:
0x4f: {  	(tag) =	ssettag $0x2  }
0x50: {  	s0 =	rddreg [dreg:$0x0];
	s2 =	stileid.u32  }
0x51: {  	s1 =	rddreg [dreg:$0x1];
	p0 =	sne.s32 s2, $0x0  }
0x52: {  	s3 =	rddreg [dreg:$0x2];
	[bflag:$0x3] =	sbarrier.arrive $0xFFFF;
	s2 =	simm.s32 @!p0 $0x1C01  }
0x53: {  	[timem:s3], [sflag:s2] =	dma.local @!p0 [hbm:s0], s1  }
0x54: {  	s0 =	simm.s32 @!p0 $0x1  }
0x55: {  	_ =	swait.ge @!p0 [sflag:s0], s1  }
0x56: {  	s1 =	ssub.s32 @!p0 $0x0, s1;
	[sflag:s0] =	ssyncset.done @!p0 $0x0  }
0x57: {  	[sflag:s0] =	ssyncadd.s32 @!p0 s1  }
0x58: {  	[bflag:$0x3] =	sbarrier.arrive $0xFFFF  }
0x59: {  	_ =	shalt  }

</sc_bundles>
